<compile_context>
chip_gen: v7x
topology: tpu7x:2x2x1
jax: 0.10.2.dev20260603
libtpu: 0.0.44.dev20260713+nightly
codegen_flags: <defaults>
</compile_context>

<pallas_src>
import jax
import jax.numpy as jnp
from jax import lax
from jax.experimental import pallas as pl
from jax.experimental.pallas import tpu as pltpu
from jax.experimental.pallas import tpu_sc as plsc

N = 10000
NA = 10112
E = 320000
NC = 2
NS = 16
CH = 128
K1 = 80
K0 = 80
TOT = NS * (K0 + K1)
EP = TOT * CH
KD = TOT // (NC * NS)
STRIPE = NA // NS
_MESH = plsc.VectorSubcoreMesh(core_axis_name="c", subcore_axis_name="s")
_F32 = jnp.float32



def _agg_body(tab_hbm, srcs_hbm, dsts_hbm, z_hbm, out_hbm,
              dst_v, x0, x1, b0, b1, acc,
              i0, i1, g0, g1):
    sidx = (x0, x1)
    bufs = (b0, b1)
    isems = (i0, i1)
    gsems = (g0, g1)
    c = lax.axis_index("c")
    s = lax.axis_index("s")
    base = jnp.where(c == 1, s * K1, NS * K1 + s * K0)
    kc = jnp.where(c == 1, K1, K0)
    pltpu.sync_copy(z_hbm, acc.at[pl.ds(s * STRIPE, STRIPE)])
    pltpu.sync_copy(dsts_hbm.at[pl.ds(base, K0)], dst_v)
    plsc.subcore_barrier()

    for i in range(2):
        pltpu.async_copy(srcs_hbm.at[pl.ds(base + i, 1)], sidx[i], isems[i])
    for i in range(2):
        pltpu.make_async_copy(srcs_hbm.at[pl.ds(base + i, 1)],
                              sidx[i], isems[i]).wait()
        pltpu.async_copy(tab_hbm.at[sidx[i].at[0]], bufs[i], gsems[i])

    def body(t, carry):
        j = 2 * t
        for i in range(2):
            pltpu.make_async_copy(tab_hbm.at[sidx[i].at[0]],
                                  bufs[i], gsems[i]).wait()

            @pl.when(j + i + 2 < kc)
            def _():
                pltpu.async_copy(srcs_hbm.at[pl.ds(base + j + i + 2, 1)],
                                 sidx[i], isems[i])

            pltpu.sync_copy(bufs[i], acc.at[dst_v.at[j + i]], add=True)

            @pl.when(j + i + 2 < kc)
            def _():
                pltpu.make_async_copy(srcs_hbm.at[pl.ds(base + j + i + 2, 1)],
                                      sidx[i], isems[i]).wait()
                pltpu.async_copy(tab_hbm.at[sidx[i].at[0]], bufs[i], gsems[i])
        return carry

    lax.fori_loop(0, kc // 2, body, 0)
    plsc.subcore_barrier()
    pltpu.sync_copy(acc.at[pl.ds(s * STRIPE, STRIPE)],
                    out_hbm.at[c, pl.ds(s * STRIPE, STRIPE)])


_agg = pl.kernel(
    _agg_body,
    out_type=jax.ShapeDtypeStruct((NC, NA, 128), _F32),
    mesh=_MESH,
    scratch_types=[
        pltpu.VMEM((K0, CH), jnp.int32),
        pltpu.VMEM((1, CH), jnp.int32),
        pltpu.VMEM((1, CH), jnp.int32),
        pltpu.VMEM((CH, 128), _F32),
        pltpu.VMEM((CH, 128), _F32),
        pltpu.VMEM_SHARED((NA, 128), _F32),
        pltpu.SemaphoreType.DMA,
        pltpu.SemaphoreType.DMA,
        pltpu.SemaphoreType.DMA,
        pltpu.SemaphoreType.DMA,
    ],
)


def _agg2_body(tab_a, tab_b, srcs_hbm, dsts_hbm, z_hbm, out_a, out_b,
               dst_v, x0, x1, b0, b1, acc,
               i0, i1, g0, g1):
    sidx = (x0, x1)
    bufs = (b0, b1)
    isems = (i0, i1)
    gsems = (g0, g1)
    c = lax.axis_index("c")
    s = lax.axis_index("s")
    base = jnp.where(c == 1, s * K1, NS * K1 + s * K0)
    kc = jnp.where(c == 1, K1, K0)
    pltpu.sync_copy(dsts_hbm.at[pl.ds(base, K0)], dst_v)

    for tab_hbm, out_hbm in ((tab_a, out_a), (tab_b, out_b)):
        pltpu.sync_copy(z_hbm, acc.at[pl.ds(s * STRIPE, STRIPE)])
        plsc.subcore_barrier()

        for i in range(2):
            pltpu.async_copy(srcs_hbm.at[pl.ds(base + i, 1)],
                             sidx[i], isems[i])
        for i in range(2):
            pltpu.make_async_copy(srcs_hbm.at[pl.ds(base + i, 1)],
                                  sidx[i], isems[i]).wait()
            pltpu.async_copy(tab_hbm.at[sidx[i].at[0]], bufs[i], gsems[i])

        def body(t, carry):
            j = 2 * t
            for i in range(2):
                pltpu.make_async_copy(tab_hbm.at[sidx[i].at[0]],
                                      bufs[i], gsems[i]).wait()

                @pl.when(j + i + 2 < kc)
                def _():
                    pltpu.async_copy(srcs_hbm.at[pl.ds(base + j + i + 2, 1)],
                                     sidx[i], isems[i])

                pltpu.sync_copy(bufs[i], acc.at[dst_v.at[j + i]], add=True)

                @pl.when(j + i + 2 < kc)
                def _():
                    pltpu.make_async_copy(
                        srcs_hbm.at[pl.ds(base + j + i + 2, 1)],
                        sidx[i], isems[i]).wait()
                    pltpu.async_copy(tab_hbm.at[sidx[i].at[0]],
                                     bufs[i], gsems[i])
            return carry

        lax.fori_loop(0, kc // 2, body, 0)
        plsc.subcore_barrier()
        pltpu.sync_copy(acc.at[pl.ds(s * STRIPE, STRIPE)],
                        out_hbm.at[c, pl.ds(s * STRIPE, STRIPE)])


_agg2 = pl.kernel(
    _agg2_body,
    out_type=[jax.ShapeDtypeStruct((NC, NA, 128), _F32)] * 2,
    mesh=_MESH,
    scratch_types=[
        pltpu.VMEM((K0, CH), jnp.int32),
        pltpu.VMEM((1, CH), jnp.int32),
        pltpu.VMEM((1, CH), jnp.int32),
        pltpu.VMEM((CH, 128), _F32),
        pltpu.VMEM((CH, 128), _F32),
        pltpu.VMEM_SHARED((NA, 128), _F32),
        pltpu.SemaphoreType.DMA,
        pltpu.SemaphoreType.DMA,
        pltpu.SemaphoreType.DMA,
        pltpu.SemaphoreType.DMA,
    ],
)


def _deg_body(dsts_hbm, ones_hbm, z_hbm, out_hbm, dst_v, ones_v, acc):
    c = lax.axis_index("c")
    s = lax.axis_index("s")
    wid = s * NC + c
    pltpu.sync_copy(z_hbm, acc.at[pl.ds(s * STRIPE, STRIPE)])
    pltpu.sync_copy(ones_hbm, ones_v)
    pltpu.sync_copy(dsts_hbm.at[pl.ds(wid * KD, KD)], dst_v)
    plsc.subcore_barrier()

    def chunk(j, carry):
        pltpu.sync_copy(ones_v, acc.at[dst_v.at[j]], add=True)
        return carry

    lax.fori_loop(0, KD, chunk, 0)
    plsc.subcore_barrier()
    pltpu.sync_copy(acc.at[pl.ds(s * STRIPE, STRIPE)],
                    out_hbm.at[c, pl.ds(s * STRIPE, STRIPE)])


_deg = pl.kernel(
    _deg_body,
    out_type=jax.ShapeDtypeStruct((NC, NA, 128), _F32),
    mesh=_MESH,
    scratch_types=[
        pltpu.VMEM((KD, CH), jnp.int32),
        pltpu.VMEM((CH, 128), _F32),
        pltpu.VMEM_SHARED((NA, 128), _F32),
    ],
)



_R = 1000


def _tc1_body(degp, x, dinv_b, xs):
    deg = degp[0] + degp[1] + 1.0
    db = lax.rsqrt(deg)
    dinv_b[...] = db
    xs[...] = x[...] * db


def _tc2_body(p1, x, dinv, w1, b1, h1, hs1a, hs1b):
    db = dinv[...]
    z = db * (p1[0] + p1[1]) + db * db * x[...]
    h = jnp.maximum(
        jnp.dot(z, w1[...], preferred_element_type=_F32,
                precision=lax.Precision.HIGHEST) + b1[...], 0.0)
    h1[...] = h
    d256 = jnp.broadcast_to(db[:, 0:1], (_R, 256))
    hs = h * d256
    hs1a[...] = hs[:, :128]
    hs1b[...] = hs[:, 128:]


def _tc3_body(p2a, p2b, h1, dinv, w2, b2, w3, g, gs):
    db = dinv[...]
    d256 = jnp.broadcast_to(db[:, 0:1], (_R, 256))
    agg = jnp.concatenate([p2a[0] + p2a[1], p2b[0] + p2b[1]], axis=1)
    z2 = d256 * agg + d256 * d256 * h1[...]
    h2 = jnp.maximum(
        jnp.dot(z2, w2[...], preferred_element_type=_F32,
                precision=lax.Precision.HIGHEST) + b2[...], 0.0)
    gg = jnp.dot(h2, w3[...], preferred_element_type=_F32,
                 precision=lax.Precision.HIGHEST)
    g[...] = gg
    gs[...] = gg * db


def _tc4_body(p3, g, dinv, b3, out):
    db = dinv[...]
    out[...] = db * (p3[0] + p3[1]) + db * db * g[...] + b3[...]


def _row_spec(d):
    return pl.BlockSpec((_R, d), lambda i: (i, 0))


def _part_spec(d):
    return pl.BlockSpec((NC, _R, d), lambda i: (0, i, 0))


def _full_spec(a, b):
    return pl.BlockSpec((a, b), lambda i: (0, 0))


_GRID = N // _R

_tc1 = pl.pallas_call(
    _tc1_body,
    grid=(_GRID,),
    in_specs=[_part_spec(128), _row_spec(128)],
    out_specs=[_row_spec(128), _row_spec(128)],
    out_shape=[jax.ShapeDtypeStruct((N, 128), _F32)] * 2,
)

_tc2 = pl.pallas_call(
    _tc2_body,
    grid=(_GRID,),
    in_specs=[_part_spec(128), _row_spec(128), _row_spec(128),
              _full_spec(128, 256), _full_spec(1, 256)],
    out_specs=[_row_spec(256), _row_spec(128), _row_spec(128)],
    out_shape=[jax.ShapeDtypeStruct((N, 256), _F32),
               jax.ShapeDtypeStruct((N, 128), _F32),
               jax.ShapeDtypeStruct((N, 128), _F32)],
)

_tc3 = pl.pallas_call(
    _tc3_body,
    grid=(_GRID,),
    in_specs=[_part_spec(128), _part_spec(128), _row_spec(256), _row_spec(128),
              _full_spec(256, 256), _full_spec(1, 256), _full_spec(256, 128)],
    out_specs=[_row_spec(128), _row_spec(128)],
    out_shape=[jax.ShapeDtypeStruct((N, 128), _F32)] * 2,
)

_tc4 = pl.pallas_call(
    _tc4_body,
    grid=(_GRID,),
    in_specs=[_part_spec(128), _row_spec(128), _row_spec(128),
              _full_spec(1, 128)],
    out_specs=_row_spec(128),
    out_shape=jax.ShapeDtypeStruct((N, 128), _F32),
)



@jax.jit
def kernel(x, edge_index, W1, b1, W2, b2, W3, b3):
    pad = EP - E
    pad_src = (jnp.arange(pad, dtype=jnp.int32) % 128)
    pad_dst = N + (jnp.arange(pad, dtype=jnp.int32) % (NA - N))
    src = jnp.concatenate([edge_index[0], pad_src]).reshape(TOT, CH)
    dst = jnp.concatenate([edge_index[1], pad_dst]).reshape(TOT, CH)
    z128 = jnp.zeros((STRIPE, 128), _F32)
    ones128 = jnp.ones((CH, 128), _F32)

    degp = _deg(dst, ones128, z128)
    dinv_b, xs = _tc1(degp, x)
    p1 = _agg(xs, src, dst, z128)
    h1, hs1a, hs1b = _tc2(p1, x, dinv_b, W1, b1.reshape(1, 256))
    p2a, p2b = _agg2(hs1a, hs1b, src, dst, z128)
    g, gs = _tc3(p2a, p2b, h1, dinv_b, W2, b2.reshape(1, 256), W3)
    p3 = _agg(gs, src, dst, z128)
    return _tc4(p3, g, dinv_b, b3.reshape(1, 128))

# --- scband reference (transcript-rebuilt; emitter-appended) ---
"""Pipeline reference for scband-gcn-8486855376924 (READ-ONLY COPY).

The authoritative reference and input builder live on the scoring server;
editing this copy changes nothing except your own understanding.
"""

import jax, jax.numpy as jnp
import numpy as np

N_NODES = 10000
N_EDGES = 320000
D_IN = 128
D_HID = 256
D_OUT = 128


def setup_inputs(seed: int = 0) -> dict:
    key = jax.random.key(seed)
    ks = jax.random.split(key, 8)
    x = jax.random.normal(ks[0], (N_NODES, D_IN), dtype=jnp.float32)
    edge_index = jax.random.randint(ks[1], (2, N_EDGES), 0, N_NODES, dtype=jnp.int64 if jax.config.jax_enable_x64 else jnp.int32).astype(jnp.int32)
    W1 = jax.random.normal(ks[2], (D_IN, D_HID), dtype=jnp.float32) * 0.05
    b1 = jnp.zeros((D_HID,), dtype=jnp.float32)
    W2 = jax.random.normal(ks[3], (D_HID, D_HID), dtype=jnp.float32) * 0.05
    b2 = jnp.zeros((D_HID,), dtype=jnp.float32)
    W3 = jax.random.normal(ks[4], (D_HID, D_OUT), dtype=jnp.float32) * 0.05
    b3 = jnp.zeros((D_OUT,), dtype=jnp.float32)
    return {"x": x, "edge_index": edge_index, "W1": W1, "b1": b1, "W2": W2, "b2": b2, "W3": W3, "b3": b3}


def gcn_conv(x, edge_index, W, b):
    # PyG-style GCNConv: add self-loops, symmetric normalization, linear transform
    num_nodes = x.shape[0]
    loop = jnp.arange(num_nodes, dtype=edge_index.dtype)
    src = jnp.concatenate([edge_index[0], loop])
    dst = jnp.concatenate([edge_index[1], loop])
    deg = jnp.zeros((num_nodes,), dtype=x.dtype).at[dst].add(1.0)
    deg_inv_sqrt = jnp.where(deg > 0, deg ** -0.5, 0.0)
    norm = deg_inv_sqrt[src] * deg_inv_sqrt[dst]
    h = x @ W
    msg = h[src] * norm[:, None]
    out = jax.ops.segment_sum(msg, dst, num_segments=num_nodes)
    return out + b


def reference(x, edge_index, W1, b1, W2, b2, W3, b3):
    h = gcn_conv(x, edge_index, W1, b1)
    h = jax.nn.relu(h)
    h = gcn_conv(h, edge_index, W2, b2)
    h = jax.nn.relu(h)
    out = gcn_conv(h, edge_index, W3, b3)
    return out

if __name__ == "__main__":
    import jax
    _d = setup_inputs()
    print(jax.jit(kernel)(*tuple(_d.values())))

</pallas_src>

<mosaic_0001>
#map = affine_map<(d0, d1) -> (0, 0)>
#map1 = affine_map<(d0, d1) -> (0, 0, 0)>
module attributes {stable_mosaic.version = 14 : i64} {
  func.func @_deg_body(%arg0: i32, %arg1: i32, %arg2: memref<2560x128xi32, #tpu.memory_space<hbm>>, %arg3: memref<128x128xf32, #tpu.memory_space<hbm>>, %arg4: memref<632x128xf32, #tpu.memory_space<hbm>>, %arg5: memref<2x10112x128xf32, #tpu.memory_space<hbm>>, %arg6: memref<80x128xi32, #tpu.memory_space<vmem>>, %arg7: memref<128x128xf32, #tpu.memory_space<vmem>>, %arg8: memref<10112x128xf32, #tpu.memory_space<vmem_shared>>) attributes {dimension_semantics = [#tpu.dimension_semantics<core_parallel>, #tpu.dimension_semantics<subcore_parallel>], iteration_bounds = array<i64: 2, 16>, scalar_prefetch = 0 : i64, scratch_operands = 3 : i64, tpu.core_type = #tpu.core_type<sc_vector_subcore>, window_params = [{transform_indices = #map}, {transform_indices = #map}, {transform_indices = #map}, {transform_indices = #map1}]} {
    %mul3A = arith.constant 2 : i32
    %mul3A_0 = arith.muli %arg1, %mul3A : i32
    %add3A = arith.addi %mul3A_0, %arg0 : i32
    %mul3A_1 = arith.constant 632 : i32
    %mul3A_2 = arith.muli %arg1, %mul3A_1 : i32
    "tpu.region"() ({
      %run_scoped3A = tpu.sem_alloc : memref<!tpu.dma_semaphore, #tpu.memory_space<semaphore_mem>>
      %dma_start3A = arith.constant 0 : i32
      %dma_start3A_15 = tpu.memref_slice %arg8[%mul3A_2, %dma_start3A] : memref<10112x128xf32, #tpu.memory_space<vmem_shared>> -> memref<632x128xf32, #tpu.memory_space<vmem_shared>>
      tpu.enqueue_dma source(%arg4 : memref<632x128xf32, #tpu.memory_space<hbm>>) target(%dma_start3A_15 : memref<632x128xf32, #tpu.memory_space<vmem_shared>>) target_semaphore(%run_scoped3A : memref<!tpu.dma_semaphore, #tpu.memory_space<semaphore_mem>>)
      %dma_wait3A = arith.constant 0 : i32
      %dma_wait3A_16 = tpu.memref_slice %arg8[%mul3A_2, %dma_wait3A] : memref<10112x128xf32, #tpu.memory_space<vmem_shared>> -> memref<632x128xf32, #tpu.memory_space<vmem_shared>>
      tpu.wait_dma2 semaphore(%run_scoped3A : memref<!tpu.dma_semaphore, #tpu.memory_space<semaphore_mem>>) src(%arg4 : memref<632x128xf32, #tpu.memory_space<hbm>>) dst(%dma_wait3A_16 : memref<632x128xf32, #tpu.memory_space<vmem_shared>>)
      tpu.yield
    }) : () -> ()
    "tpu.region"() ({
      %run_scoped3A = tpu.sem_alloc : memref<!tpu.dma_semaphore, #tpu.memory_space<semaphore_mem>>
      tpu.enqueue_dma source(%arg3 : memref<128x128xf32, #tpu.memory_space<hbm>>) target(%arg7 : memref<128x128xf32, #tpu.memory_space<vmem>>) target_semaphore(%run_scoped3A : memref<!tpu.dma_semaphore, #tpu.memory_space<semaphore_mem>>)
      tpu.wait_dma2 semaphore(%run_scoped3A : memref<!tpu.dma_semaphore, #tpu.memory_space<semaphore_mem>>) src(%arg3 : memref<128x128xf32, #tpu.memory_space<hbm>>) dst(%arg7 : memref<128x128xf32, #tpu.memory_space<vmem>>)
      tpu.yield
    }) : () -> ()
    %mul3A_3 = arith.constant 80 : i32
    %mul3A_4 = arith.muli %add3A, %mul3A_3 : i32
    "tpu.region"() ({
      %run_scoped3A = tpu.sem_alloc : memref<!tpu.dma_semaphore, #tpu.memory_space<semaphore_mem>>
      %dma_start3A = arith.constant 0 : i32
      %dma_start3A_15 = tpu.memref_slice %arg2[%mul3A_4, %dma_start3A] : memref<2560x128xi32, #tpu.memory_space<hbm>> -> memref<80x128xi32, #tpu.memory_space<hbm>>
      %dma_start3A_16 = arith.constant 0 : i32
      %dma_start3A_17 = tpu.memref_slice %arg2[%mul3A_4, %dma_start3A_16] : memref<2560x128xi32, #tpu.memory_space<hbm>> -> memref<80x128xi32, #tpu.memory_space<hbm>>
      tpu.enqueue_dma source(%dma_start3A_17 : memref<80x128xi32, #tpu.memory_space<hbm>>) target(%arg6 : memref<80x128xi32, #tpu.memory_space<vmem>>) target_semaphore(%run_scoped3A : memref<!tpu.dma_semaphore, #tpu.memory_space<semaphore_mem>>)
      %dma_wait3A = arith.constant 0 : i32
      %dma_wait3A_18 = tpu.memref_slice %arg2[%mul3A_4, %dma_wait3A] : memref<2560x128xi32, #tpu.memory_space<hbm>> -> memref<80x128xi32, #tpu.memory_space<hbm>>
      %dma_wait3A_19 = arith.constant 0 : i32
      %dma_wait3A_20 = tpu.memref_slice %arg2[%mul3A_4, %dma_wait3A_19] : memref<2560x128xi32, #tpu.memory_space<hbm>> -> memref<80x128xi32, #tpu.memory_space<hbm>>
      tpu.wait_dma2 semaphore(%run_scoped3A : memref<!tpu.dma_semaphore, #tpu.memory_space<semaphore_mem>>) src(%dma_wait3A_20 : memref<80x128xi32, #tpu.memory_space<hbm>>) dst(%arg6 : memref<80x128xi32, #tpu.memory_space<vmem>>)
      tpu.yield
    }) : () -> ()
    %barrier3A = arith.constant 0 : index
    tpu.barrier barrier_id(%barrier3A)
    %scan3A = arith.constant 0 : i32
    %scan3A_5 = arith.constant 0 : i32
    %scan3A_6 = arith.constant 80 : i32
    %scan3A_7 = arith.addi %scan3A_5, %scan3A_6 : i32
    %scan3A_8 = arith.constant 1 : i32
    scf.for %scan3A_15 = %scan3A_5 to %scan3A_7 step %scan3A_8  : i32 {
      "tpu.region"() ({
        %run_scoped3A = tpu.sem_alloc : memref<!tpu.dma_semaphore, #tpu.memory_space<semaphore_mem>>
        %dma_start3A = arith.constant 0 : i32
        %dma_start3A_16 = tpu.memref_slice %arg6[%scan3A_15, %dma_start3A] : memref<80x128xi32, #tpu.memory_space<vmem>> -> memref<1x128xi32, #tpu.memory_space<vmem>>
        %dma_start3A_17 = tpu.memref_squeeze %dma_start3A_16 : memref<1x128xi32, #tpu.memory_space<vmem>> -> memref<128xi32, #tpu.memory_space<vmem>>
        %dma_start3A_18 = arith.constant 0 : i32
        %dma_start3A_19 = arith.constant 0 : i32
        %dma_start3A_20 = tpu.memref_slice %arg8[%dma_start3A_18, %dma_start3A_19] : memref<10112x128xf32, #tpu.memory_space<vmem_shared>> -> memref<10112x128xf32, #tpu.memory_space<vmem_shared>>
        tpu.enqueue_indirect_dma source(%arg7 : memref<128x128xf32, #tpu.memory_space<vmem>>) target(%dma_start3A_20 : memref<10112x128xf32, #tpu.memory_space<vmem_shared>>) offsets(%dma_start3A_17 : memref<128xi32, #tpu.memory_space<vmem>>) semaphore(%run_scoped3A : memref<!tpu.dma_semaphore, #tpu.memory_space<semaphore_mem>>) {add = true}
        %dma_wait3A = arith.constant 0 : i32
        %dma_wait3A_21 = tpu.memref_slice %arg6[%scan3A_15, %dma_wait3A] : memref<80x128xi32, #tpu.memory_space<vmem>> -> memref<1x128xi32, #tpu.memory_space<vmem>>
        %dma_wait3A_22 = tpu.memref_squeeze %dma_wait3A_21 : memref<1x128xi32, #tpu.memory_space<vmem>> -> memref<128xi32, #tpu.memory_space<vmem>>
        %dma_wait3A_23 = arith.constant 0 : i32
        %dma_wait3A_24 = arith.constant 0 : i32
        %dma_wait3A_25 = tpu.memref_slice %arg8[%dma_wait3A_23, %dma_wait3A_24] : memref<10112x128xf32, #tpu.memory_space<vmem_shared>> -> memref<10112x128xf32, #tpu.memory_space<vmem_shared>>
        tpu.wait_indirect_dma semaphore(%run_scoped3A : memref<!tpu.dma_semaphore, #tpu.memory_space<semaphore_mem>>) src(%arg7 : memref<128x128xf32, #tpu.memory_space<vmem>>) dst(%dma_wait3A_25 : memref<10112x128xf32, #tpu.memory_space<vmem_shared>>)
        tpu.yield
      }) : () -> ()
    }
    %scan3A_9 = arith.constant 80 : i32
    %barrier3A_10 = arith.constant 0 : index
    tpu.barrier barrier_id(%barrier3A_10)
    %mul3A_11 = arith.constant 632 : i32
    %mul3A_12 = arith.muli %arg1, %mul3A_11 : i32
    %mul3A_13 = arith.constant 632 : i32
    %mul3A_14 = arith.muli %arg1, %mul3A_13 : i32
    "tpu.region"() ({
      %run_scoped3A = tpu.sem_alloc : memref<!tpu.dma_semaphore, #tpu.memory_space<semaphore_mem>>
      %dma_start3A = arith.constant 0 : i32
      %dma_start3A_15 = tpu.memref_slice %arg5[%arg0, %mul3A_14, %dma_start3A] : memref<2x10112x128xf32, #tpu.memory_space<hbm>> -> memref<1x632x128xf32, #tpu.memory_space<hbm>>
      %dma_start3A_16 = tpu.memref_squeeze %dma_start3A_15 : memref<1x632x128xf32, #tpu.memory_space<hbm>> -> memref<632x128xf32, #tpu.memory_space<hbm>>
      %dma_start3A_17 = arith.constant 0 : i32
      %dma_start3A_18 = tpu.memref_slice %arg8[%mul3A_12, %dma_start3A_17] : memref<10112x128xf32, #tpu.memory_space<vmem_shared>> -> memref<632x128xf32, #tpu.memory_space<vmem_shared>>
      tpu.enqueue_dma source(%dma_start3A_18 : memref<632x128xf32, #tpu.memory_space<vmem_shared>>) target(%dma_start3A_16 : memref<632x128xf32, #tpu.memory_space<hbm>>) target_semaphore(%run_scoped3A : memref<!tpu.dma_semaphore, #tpu.memory_space<semaphore_mem>>)
      %dma_wait3A = arith.constant 0 : i32
      %dma_wait3A_19 = tpu.memref_slice %arg5[%arg0, %mul3A_14, %dma_wait3A] : memref<2x10112x128xf32, #tpu.memory_space<hbm>> -> memref<1x632x128xf32, #tpu.memory_space<hbm>>
      %dma_wait3A_20 = tpu.memref_squeeze %dma_wait3A_19 : memref<1x632x128xf32, #tpu.memory_space<hbm>> -> memref<632x128xf32, #tpu.memory_space<hbm>>
      %dma_wait3A_21 = arith.constant 0 : i32
      %dma_wait3A_22 = tpu.memref_slice %arg8[%mul3A_12, %dma_wait3A_21] : memref<10112x128xf32, #tpu.memory_space<vmem_shared>> -> memref<632x128xf32, #tpu.memory_space<vmem_shared>>
      tpu.wait_dma2 semaphore(%run_scoped3A : memref<!tpu.dma_semaphore, #tpu.memory_space<semaphore_mem>>) src(%dma_wait3A_22 : memref<632x128xf32, #tpu.memory_space<vmem_shared>>) dst(%dma_wait3A_20 : memref<632x128xf32, #tpu.memory_space<hbm>>)
      tpu.yield
    }) : () -> ()
    return
  }
}

#map = affine_map<(d0, d1) -> (0, 0)>
#map1 = affine_map<(d0, d1) -> (0, 0, 0)>
module attributes {stable_mosaic.version = 14 : i64} {
  func.func @_agg_body(%arg0: i32, %arg1: i32, %arg2: memref<10000x128xf32, #tpu.memory_space<hbm>>, %arg3: memref<2560x128xi32, #tpu.memory_space<hbm>>, %arg4: memref<2560x128xi32, #tpu.memory_space<hbm>>, %arg5: memref<632x128xf32, #tpu.memory_space<hbm>>, %arg6: memref<2x10112x128xf32, #tpu.memory_space<hbm>>, %arg7: memref<80x128xi32, #tpu.memory_space<vmem>>, %arg8: memref<1x128xi32, #tpu.memory_space<vmem>>, %arg9: memref<1x128xi32, #tpu.memory_space<vmem>>, %arg10: memref<128x128xf32, #tpu.memory_space<vmem>>, %arg11: memref<128x128xf32, #tpu.memory_space<vmem>>, %arg12: memref<10112x128xf32, #tpu.memory_space<vmem_shared>>, %arg13: memref<!tpu.dma_semaphore, #tpu.memory_space<semaphore_mem>>, %arg14: memref<!tpu.dma_semaphore, #tpu.memory_space<semaphore_mem>>, %arg15: memref<!tpu.dma_semaphore, #tpu.memory_space<semaphore_mem>>, %arg16: memref<!tpu.dma_semaphore, #tpu.memory_space<semaphore_mem>>) attributes {dimension_semantics = [#tpu.dimension_semantics<core_parallel>, #tpu.dimension_semantics<subcore_parallel>], iteration_bounds = array<i64: 2, 16>, scalar_prefetch = 0 : i64, scratch_operands = 10 : i64, tpu.core_type = #tpu.core_type<sc_vector_subcore>, window_params = [{transform_indices = #map}, {transform_indices = #map}, {transform_indices = #map}, {transform_indices = #map}, {transform_indices = #map1}]} {
    %eq3A = arith.constant 1 : i32
    %eq3A_0 = arith.cmpi eq, %arg0, %eq3A : i32
    %mul3A = arith.constant 80 : i32
    %mul3A_1 = arith.muli %arg1, %mul3A : i32
    %mul3A_2 = arith.constant 80 : i32
    %mul3A_3 = arith.muli %arg1, %mul3A_2 : i32
    %add3A = arith.constant 1280 : i32
    %add3A_4 = arith.addi %add3A, %mul3A_3 : i32
    %select_n3A = arith.select %eq3A_0, %mul3A_1, %add3A_4 : i32
    %eq3A_5 = arith.constant 1 : i32
    %eq3A_6 = arith.cmpi eq, %arg0, %eq3A_5 : i32
    %jit3A = arith.constant 80 : i32
    %jit3A_7 = arith.constant 80 : i32
    %select_n3A_8 = arith.select %eq3A_6, %jit3A, %jit3A_7 : i32
    %mul3A_9 = arith.constant 632 : i32
    %mul3A_10 = arith.muli %arg1, %mul3A_9 : i32
    "tpu.region"() ({
      %run_scoped3A = tpu.sem_alloc : memref<!tpu.dma_semaphore, #tpu.memory_space<semaphore_mem>>
      %dma_start3A_79 = arith.constant 0 : i32
      %dma_start3A_80 = tpu.memref_slice %arg12[%mul3A_10, %dma_start3A_79] : memref<10112x128xf32, #tpu.memory_space<vmem_shared>> -> memref<632x128xf32, #tpu.memory_space<vmem_shared>>
      tpu.enqueue_dma source(%arg5 : memref<632x128xf32, #tpu.memory_space<hbm>>) target(%dma_start3A_80 : memref<632x128xf32, #tpu.memory_space<vmem_shared>>) target_semaphore(%run_scoped3A : memref<!tpu.dma_semaphore, #tpu.memory_space<semaphore_mem>>)
      %dma_wait3A_81 = arith.constant 0 : i32
      %dma_wait3A_82 = tpu.memref_slice %arg12[%mul3A_10, %dma_wait3A_81] : memref<10112x128xf32, #tpu.memory_space<vmem_shared>> -> memref<632x128xf32, #tpu.memory_space<vmem_shared>>
      tpu.wait_dma2 semaphore(%run_scoped3A : memref<!tpu.dma_semaphore, #tpu.memory_space<semaphore_mem>>) src(%arg5 : memref<632x128xf32, #tpu.memory_space<hbm>>) dst(%dma_wait3A_82 : memref<632x128xf32, #tpu.memory_space<vmem_shared>>)
      tpu.yield
    }) : () -> ()
    "tpu.region"() ({
      %run_scoped3A = tpu.sem_alloc : memref<!tpu.dma_semaphore, #tpu.memory_space<semaphore_mem>>
      %dma_start3A_79 = arith.constant 0 : i32
      %dma_start3A_80 = tpu.memref_slice %arg4[%select_n3A, %dma_start3A_79] : memref<2560x128xi32, #tpu.memory_space<hbm>> -> memref<80x128xi32, #tpu.memory_space<hbm>>
      %dma_start3A_81 = arith.constant 0 : i32
      %dma_start3A_82 = tpu.memref_slice %arg4[%select_n3A, %dma_start3A_81] : memref<2560x128xi32, #tpu.memory_space<hbm>> -> memref<80x128xi32, #tpu.memory_space<hbm>>
      tpu.enqueue_dma source(%dma_start3A_82 : memref<80x128xi32, #tpu.memory_space<hbm>>) target(%arg7 : memref<80x128xi32, #tpu.memory_space<vmem>>) target_semaphore(%run_scoped3A : memref<!tpu.dma_semaphore, #tpu.memory_space<semaphore_mem>>)
      %dma_wait3A_83 = arith.constant 0 : i32
      %dma_wait3A_84 = tpu.memref_slice %arg4[%select_n3A, %dma_wait3A_83] : memref<2560x128xi32, #tpu.memory_space<hbm>> -> memref<80x128xi32, #tpu.memory_space<hbm>>
      %dma_wait3A_85 = arith.constant 0 : i32
      %dma_wait3A_86 = tpu.memref_slice %arg4[%select_n3A, %dma_wait3A_85] : memref<2560x128xi32, #tpu.memory_space<hbm>> -> memref<80x128xi32, #tpu.memory_space<hbm>>
      tpu.wait_dma2 semaphore(%run_scoped3A : memref<!tpu.dma_semaphore, #tpu.memory_space<semaphore_mem>>) src(%dma_wait3A_86 : memref<80x128xi32, #tpu.memory_space<hbm>>) dst(%arg7 : memref<80x128xi32, #tpu.memory_space<vmem>>)
      tpu.yield
    }) : () -> ()
    %barrier3A = arith.constant 0 : index
    tpu.barrier barrier_id(%barrier3A)
    %add3A_11 = arith.constant 0 : i32
    %add3A_12 = arith.addi %select_n3A, %add3A_11 : i32
    %dma_start3A = arith.constant 0 : i32
    %dma_start3A_13 = tpu.memref_slice %arg3[%add3A_12, %dma_start3A] : memref<2560x128xi32, #tpu.memory_space<hbm>> -> memref<1x128xi32, #tpu.memory_space<hbm>>
    %dma_start3A_14 = arith.constant 0 : i32
    %dma_start3A_15 = tpu.memref_slice %arg3[%add3A_12, %dma_start3A_14] : memref<2560x128xi32, #tpu.memory_space<hbm>> -> memref<1x128xi32, #tpu.memory_space<hbm>>
    tpu.enqueue_dma source(%dma_start3A_15 : memref<1x128xi32, #tpu.memory_space<hbm>>) target(%arg8 : memref<1x128xi32, #tpu.memory_space<vmem>>) target_semaphore(%arg13 : memref<!tpu.dma_semaphore, #tpu.memory_space<semaphore_mem>>)
    %add3A_16 = arith.constant 1 : i32
    %add3A_17 = arith.addi %select_n3A, %add3A_16 : i32
    %dma_start3A_18 = arith.constant 0 : i32
    %dma_start3A_19 = tpu.memref_slice %arg3[%add3A_17, %dma_start3A_18] : memref<2560x128xi32, #tpu.memory_space<hbm>> -> memref<1x128xi32, #tpu.memory_space<hbm>>
    %dma_start3A_20 = arith.constant 0 : i32
    %dma_start3A_21 = tpu.memref_slice %arg3[%add3A_17, %dma_start3A_20] : memref<2560x128xi32, #tpu.memory_space<hbm>> -> memref<1x128xi32, #tpu.memory_space<hbm>>
    tpu.enqueue_dma source(%dma_start3A_21 : memref<1x128xi32, #tpu.memory_space<hbm>>) target(%arg9 : memref<1x128xi32, #tpu.memory_space<vmem>>) target_semaphore(%arg14 : memref<!tpu.dma_semaphore, #tpu.memory_space<semaphore_mem>>)
    %add3A_22 = arith.constant 0 : i32
    %add3A_23 = arith.addi %select_n3A, %add3A_22 : i32
    %dma_wait3A = arith.constant 0 : i32
    %dma_wait3A_24 = tpu.memref_slice %arg3[%add3A_23, %dma_wait3A] : memref<2560x128xi32, #tpu.memory_space<hbm>> -> memref<1x128xi32, #tpu.memory_space<hbm>>
    %dma_wait3A_25 = arith.constant 0 : i32
    %dma_wait3A_26 = tpu.memref_slice %arg3[%add3A_23, %dma_wait3A_25] : memref<2560x128xi32, #tpu.memory_space<hbm>> -> memref<1x128xi32, #tpu.memory_space<hbm>>
    tpu.wait_dma2 semaphore(%arg13 : memref<!tpu.dma_semaphore, #tpu.memory_space<semaphore_mem>>) src(%dma_wait3A_26 : memref<1x128xi32, #tpu.memory_space<hbm>>) dst(%arg8 : memref<1x128xi32, #tpu.memory_space<vmem>>)
    %dma_start3A_27 = arith.constant 0 : i32
    %dma_start3A_28 = arith.constant 0 : i32
    %dma_start3A_29 = tpu.memref_slice %arg8[%dma_start3A_27, %dma_start3A_28] : memref<1x128xi32, #tpu.memory_space<vmem>> -> memref<1x128xi32, #tpu.memory_space<vmem>>
    %dma_start3A_30 = tpu.memref_squeeze %dma_start3A_29 : memref<1x128xi32, #tpu.memory_space<vmem>> -> memref<128xi32, #tpu.memory_space<vmem>>
    %dma_start3A_31 = arith.constant 0 : i32
    %dma_start3A_32 = arith.constant 0 : i32
    %dma_start3A_33 = tpu.memref_slice %arg2[%dma_start3A_31, %dma_start3A_32] : memref<10000x128xf32, #tpu.memory_space<hbm>> -> memref<10000x128xf32, #tpu.memory_space<hbm>>
    tpu.enqueue_indirect_dma source(%dma_start3A_33 : memref<10000x128xf32, #tpu.memory_space<hbm>>) target(%arg10 : memref<128x128xf32, #tpu.memory_space<vmem>>) offsets(%dma_start3A_30 : memref<128xi32, #tpu.memory_space<vmem>>) semaphore(%arg15 : memref<!tpu.dma_semaphore, #tpu.memory_space<semaphore_mem>>)
    %add3A_34 = arith.constant 1 : i32
    %add3A_35 = arith.addi %select_n3A, %add3A_34 : i32
    %dma_wait3A_36 = arith.constant 0 : i32
    %dma_wait3A_37 = tpu.memref_slice %arg3[%add3A_35, %dma_wait3A_36] : memref<2560x128xi32, #tpu.memory_space<hbm>> -> memref<1x128xi32, #tpu.memory_space<hbm>>
    %dma_wait3A_38 = arith.constant 0 : i32
    %dma_wait3A_39 = tpu.memref_slice %arg3[%add3A_35, %dma_wait3A_38] : memref<2560x128xi32, #tpu.memory_space<hbm>> -> memref<1x128xi32, #tpu.memory_space<hbm>>
    tpu.wait_dma2 semaphore(%arg14 : memref<!tpu.dma_semaphore, #tpu.memory_space<semaphore_mem>>) src(%dma_wait3A_39 : memref<1x128xi32, #tpu.memory_space<hbm>>) dst(%arg9 : memref<1x128xi32, #tpu.memory_space<vmem>>)
    %dma_start3A_40 = arith.constant 0 : i32
    %dma_start3A_41 = arith.constant 0 : i32
    %dma_start3A_42 = tpu.memref_slice %arg9[%dma_start3A_40, %dma_start3A_41] : memref<1x128xi32, #tpu.memory_space<vmem>> -> memref<1x128xi32, #tpu.memory_space<vmem>>
    %dma_start3A_43 = tpu.memref_squeeze %dma_start3A_42 : memref<1x128xi32, #tpu.memory_space<vmem>> -> memref<128xi32, #tpu.memory_space<vmem>>
    %dma_start3A_44 = arith.constant 0 : i32
    %dma_start3A_45 = arith.constant 0 : i32
    %dma_start3A_46 = tpu.memref_slice %arg2[%dma_start3A_44, %dma_start3A_45] : memref<10000x128xf32, #tpu.memory_space<hbm>> -> memref<10000x128xf32, #tpu.memory_space<hbm>>
    tpu.enqueue_indirect_dma source(%dma_start3A_46 : memref<10000x128xf32, #tpu.memory_space<hbm>>) target(%arg11 : memref<128x128xf32, #tpu.memory_space<vmem>>) offsets(%dma_start3A_43 : memref<128xi32, #tpu.memory_space<vmem>>) semaphore(%arg16 : memref<!tpu.dma_semaphore, #tpu.memory_space<semaphore_mem>>)
    %jit3A_47 = arith.constant 2 : i32
    %div3A = arith.divsi %select_n3A_8, %jit3A_47 : i32
    %sign3A = arith.constant 0 : i32
    %sign3A_48 = arith.cmpi sgt, %select_n3A_8, %sign3A : i32
    %sign3A_49 = arith.extui %sign3A_48 : i1 to i32
    %sign3A_50 = arith.constant 0 : i32
    %sign3A_51 = arith.cmpi slt, %select_n3A_8, %sign3A_50 : i32
    %sign3A_52 = arith.extui %sign3A_51 : i1 to i32
    %sign3A_53 = arith.subi %sign3A_49, %sign3A_52 : i32
    %sign3A_54 = arith.constant 0 : i32
    %sign3A_55 = arith.cmpi sgt, %jit3A_47, %sign3A_54 : i32
    %sign3A_56 = arith.extui %sign3A_55 : i1 to i32
    %sign3A_57 = arith.constant 0 : i32
    %sign3A_58 = arith.cmpi slt, %jit3A_47, %sign3A_57 : i32
    %sign3A_59 = arith.extui %sign3A_58 : i1 to i32
    %sign3A_60 = arith.subi %sign3A_56, %sign3A_59 : i32
    %ne3A = arith.cmpi ne, %sign3A_53, %sign3A_60 : i32
    %rem3A = arith.remsi %select_n3A_8, %jit3A_47 : i32
    %ne3A_61 = arith.constant 0 : i32
    %ne3A_62 = arith.cmpi ne, %rem3A, %ne3A_61 : i32
    %and3A = arith.andi %ne3A, %ne3A_62 : i1
    %sub3A = arith.constant 1 : i32
    %sub3A_63 = arith.subi %div3A, %sub3A : i32
    %select_n3A_64 = arith.select %and3A, %sub3A_63, %div3A : i32
    %while3A = arith.constant 0 : i32
    %while3A_65 = arith.constant 0 : i32
    %while3A_66 = arith.subi %select_n3A_64, %while3A_65 : i32
    %while3A_67 = arith.addi %while3A_65, %while3A_66 : i32
    %while3A_68 = arith.constant 1 : i32
    %while3A_69 = arith.divsi %while3A_66, %while3A_68 : i32
    %while3A_70 = arith.muli %while3A_69, %while3A_68 : i32
    %while3A_71 = arith.addi %while3A_65, %while3A_70 : i32
    %while3A_72 = arith.constant 1 : i32
    scf.for %while3A_79 = %while3A_65 to %while3A_71 step %while3A_72  : i32 {
      %mul3A_80 = arith.constant 2 : i32
      %mul3A_81 = arith.muli %mul3A_80, %while3A_79 : i32
      %dma_wait3A_82 = arith.constant 0 : i32
      %dma_wait3A_83 = arith.constant 0 : i32
      %dma_wait3A_84 = tpu.memref_slice %arg8[%dma_wait3A_82, %dma_wait3A_83] : memref<1x128xi32, #tpu.memory_space<vmem>> -> memref<1x128xi32, #tpu.memory_space<vmem>>
      %dma_wait3A_85 = tpu.memref_squeeze %dma_wait3A_84 : memref<1x128xi32, #tpu.memory_space<vmem>> -> memref<128xi32, #tpu.memory_space<vmem>>
      %dma_wait3A_86 = arith.constant 0 : i32
      %dma_wait3A_87 = arith.constant 0 : i32
      %dma_wait3A_88 = tpu.memref_slice %arg2[%dma_wait3A_86, %dma_wait3A_87] : memref<10000x128xf32, #tpu.memory_space<hbm>> -> memref<10000x128xf32, #tpu.memory_space<hbm>>
      tpu.wait_indirect_dma semaphore(%arg15 : memref<!tpu.dma_semaphore, #tpu.memory_space<semaphore_mem>>) src(%dma_wait3A_88 : memref<10000x128xf32, #tpu.memory_space<hbm>>) dst(%arg10 : memref<128x128xf32, #tpu.memory_space<vmem>>)
      %add3A_89 = arith.constant 0 : i32
      %add3A_90 = arith.addi %mul3A_81, %add3A_89 : i32
      %add3A_91 = arith.constant 2 : i32
      %add3A_92 = arith.addi %add3A_90, %add3A_91 : i32
      %lt3A = arith.cmpi slt, %add3A_92, %select_n3A_8 : i32
      %convert_element_type3A = arith.extui %lt3A : i1 to i32
      %cond3A = arith.constant 0 : i32
      %cond3A_93 = arith.cmpi ne, %convert_element_type3A, %cond3A : i32
      scf.if %cond3A_93 {
        %add3A_129 = arith.addi %select_n3A, %mul3A_81 : i32
        %add3A_130 = arith.constant 0 : i32
        %add3A_131 = arith.addi %add3A_129, %add3A_130 : i32
        %add3A_132 = arith.constant 2 : i32
        %add3A_133 = arith.addi %add3A_131, %add3A_132 : i32
        %dma_start3A_134 = arith.constant 0 : i32
        %dma_start3A_135 = tpu.memref_slice %arg3[%add3A_133, %dma_start3A_134] : memref<2560x128xi32, #tpu.memory_space<hbm>> -> memref<1x128xi32, #tpu.memory_space<hbm>>
        %dma_start3A_136 = arith.constant 0 : i32
        %dma_start3A_137 = tpu.memref_slice %arg3[%add3A_133, %dma_start3A_136] : memref<2560x128xi32, #tpu.memory_space<hbm>> -> memref<1x128xi32, #tpu.memory_space<hbm>>
        tpu.enqueue_dma source(%dma_start3A_137 : memref<1x128xi32, #tpu.memory_space<hbm>>) target(%arg8 : memref<1x128xi32, #tpu.memory_space<vmem>>) target_semaphore(%arg13 : memref<!tpu.dma_semaphore, #tpu.memory_space<semaphore_mem>>)
      } else {
      }
      %add3A_94 = arith.constant 0 : i32
      %add3A_95 = arith.addi %mul3A_81, %add3A_94 : i32
      "tpu.region"() ({
        %run_scoped3A = tpu.sem_alloc : memref<!tpu.dma_semaphore, #tpu.memory_space<semaphore_mem>>
        %dma_start3A_129 = arith.constant 0 : i32
        %dma_start3A_130 = tpu.memref_slice %arg7[%add3A_95, %dma_start3A_129] : memref<80x128xi32, #tpu.memory_space<vmem>> -> memref<1x128xi32, #tpu.memory_space<vmem>>
        %dma_start3A_131 = tpu.memref_squeeze %dma_start3A_130 : memref<1x128xi32, #tpu.memory_space<vmem>> -> memref<128xi32, #tpu.memory_space<vmem>>
        %dma_start3A_132 = arith.constant 0 : i32
        %dma_start3A_133 = arith.constant 0 : i32
        %dma_start3A_134 = tpu.memref_slice %arg12[%dma_start3A_132, %dma_start3A_133] : memref<10112x128xf32, #tpu.memory_space<vmem_shared>> -> memref<10112x128xf32, #tpu.memory_space<vmem_shared>>
        tpu.enqueue_indirect_dma source(%arg10 : memref<128x128xf32, #tpu.memory_space<vmem>>) target(%dma_start3A_134 : memref<10112x128xf32, #tpu.memory_space<vmem_shared>>) offsets(%dma_start3A_131 : memref<128xi32, #tpu.memory_space<vmem>>) semaphore(%run_scoped3A : memref<!tpu.dma_semaphore, #tpu.memory_space<semaphore_mem>>) {add = true}
        %dma_wait3A_135 = arith.constant 0 : i32
        %dma_wait3A_136 = tpu.memref_slice %arg7[%add3A_95, %dma_wait3A_135] : memref<80x128xi32, #tpu.memory_space<vmem>> -> memref<1x128xi32, #tpu.memory_space<vmem>>
        %dma_wait3A_137 = tpu.memref_squeeze %dma_wait3A_136 : memref<1x128xi32, #tpu.memory_space<vmem>> -> memref<128xi32, #tpu.memory_space<vmem>>
        %dma_wait3A_138 = arith.constant 0 : i32
        %dma_wait3A_139 = arith.constant 0 : i32
        %dma_wait3A_140 = tpu.memref_slice %arg12[%dma_wait3A_138, %dma_wait3A_139] : memref<10112x128xf32, #tpu.memory_space<vmem_shared>> -> memref<10112x128xf32, #tpu.memory_space<vmem_shared>>
        tpu.wait_indirect_dma semaphore(%run_scoped3A : memref<!tpu.dma_semaphore, #tpu.memory_space<semaphore_mem>>) src(%arg10 : memref<128x128xf32, #tpu.memory_space<vmem>>) dst(%dma_wait3A_140 : memref<10112x128xf32, #tpu.memory_space<vmem_shared>>)
        tpu.yield
      }) : () -> ()
      %add3A_96 = arith.constant 0 : i32
      %add3A_97 = arith.addi %mul3A_81, %add3A_96 : i32
      %add3A_98 = arith.constant 2 : i32
      %add3A_99 = arith.addi %add3A_97, %add3A_98 : i32
      %lt3A_100 = arith.cmpi slt, %add3A_99, %select_n3A_8 : i32
      %convert_element_type3A_101 = arith.extui %lt3A_100 : i1 to i32
      %cond3A_102 = arith.constant 0 : i32
      %cond3A_103 = arith.cmpi ne, %convert_element_type3A_101, %cond3A_102 : i32
      scf.if %cond3A_103 {
        %add3A_129 = arith.addi %select_n3A, %mul3A_81 : i32
        %add3A_130 = arith.constant 0 : i32
        %add3A_131 = arith.addi %add3A_129, %add3A_130 : i32
        %add3A_132 = arith.constant 2 : i32
        %add3A_133 = arith.addi %add3A_131, %add3A_132 : i32
        %dma_wait3A_134 = arith.constant 0 : i32
        %dma_wait3A_135 = tpu.memref_slice %arg3[%add3A_133, %dma_wait3A_134] : memref<2560x128xi32, #tpu.memory_space<hbm>> -> memref<1x128xi32, #tpu.memory_space<hbm>>
        %dma_wait3A_136 = arith.constant 0 : i32
        %dma_wait3A_137 = tpu.memref_slice %arg3[%add3A_133, %dma_wait3A_136] : memref<2560x128xi32, #tpu.memory_space<hbm>> -> memref<1x128xi32, #tpu.memory_space<hbm>>
        tpu.wait_dma2 semaphore(%arg13 : memref<!tpu.dma_semaphore, #tpu.memory_space<semaphore_mem>>) src(%dma_wait3A_137 : memref<1x128xi32, #tpu.memory_space<hbm>>) dst(%arg8 : memref<1x128xi32, #tpu.memory_space<vmem>>)
        %dma_start3A_138 = arith.constant 0 : i32
        %dma_start3A_139 = arith.constant 0 : i32
        %dma_start3A_140 = tpu.memref_slice %arg8[%dma_start3A_138, %dma_start3A_139] : memref<1x128xi32, #tpu.memory_space<vmem>> -> memref<1x128xi32, #tpu.memory_space<vmem>>
        %dma_start3A_141 = tpu.memref_squeeze %dma_start3A_140 : memref<1x128xi32, #tpu.memory_space<vmem>> -> memref<128xi32, #tpu.memory_space<vmem>>
        %dma_start3A_142 = arith.constant 0 : i32
        %dma_start3A_143 = arith.constant 0 : i32
        %dma_start3A_144 = tpu.memref_slice %arg2[%dma_start3A_142, %dma_start3A_143] : memref<10000x128xf32, #tpu.memory_space<hbm>> -> memref<10000x128xf32, #tpu.memory_space<hbm>>
        tpu.enqueue_indirect_dma source(%dma_start3A_144 : memref<10000x128xf32, #tpu.memory_space<hbm>>) target(%arg10 : memref<128x128xf32, #tpu.memory_space<vmem>>) offsets(%dma_start3A_141 : memref<128xi32, #tpu.memory_space<vmem>>) semaphore(%arg15 : memref<!tpu.dma_semaphore, #tpu.memory_space<semaphore_mem>>)
      } else {
      }
      %dma_wait3A_104 = arith.constant 0 : i32
      %dma_wait3A_105 = arith.constant 0 : i32
      %dma_wait3A_106 = tpu.memref_slice %arg9[%dma_wait3A_104, %dma_wait3A_105] : memref<1x128xi32, #tpu.memory_space<vmem>> -> memref<1x128xi32, #tpu.memory_space<vmem>>
      %dma_wait3A_107 = tpu.memref_squeeze %dma_wait3A_106 : memref<1x128xi32, #tpu.memory_space<vmem>> -> memref<128xi32, #tpu.memory_space<vmem>>
      %dma_wait3A_108 = arith.constant 0 : i32
      %dma_wait3A_109 = arith.constant 0 : i32
      %dma_wait3A_110 = tpu.memref_slice %arg2[%dma_wait3A_108, %dma_wait3A_109] : memref<10000x128xf32, #tpu.memory_space<hbm>> -> memref<10000x128xf32, #tpu.memory_space<hbm>>
      tpu.wait_indirect_dma semaphore(%arg16 : memref<!tpu.dma_semaphore, #tpu.memory_space<semaphore_mem>>) src(%dma_wait3A_110 : memref<10000x128xf32, #tpu.memory_space<hbm>>) dst(%arg11 : memref<128x128xf32, #tpu.memory_space<vmem>>)
      %add3A_111 = arith.constant 1 : i32
      %add3A_112 = arith.addi %mul3A_81, %add3A_111 : i32
      %add3A_113 = arith.constant 2 : i32
      %add3A_114 = arith.addi %add3A_112, %add3A_113 : i32
      %lt3A_115 = arith.cmpi slt, %add3A_114, %select_n3A_8 : i32
      %convert_element_type3A_116 = arith.extui %lt3A_115 : i1 to i32
      %cond3A_117 = arith.constant 0 : i32
      %cond3A_118 = arith.cmpi ne, %convert_element_type3A_116, %cond3A_117 : i32
      scf.if %cond3A_118 {
        %add3A_129 = arith.addi %select_n3A, %mul3A_81 : i32
        %add3A_130 = arith.constant 1 : i32
        %add3A_131 = arith.addi %add3A_129, %add3A_130 : i32
        %add3A_132 = arith.constant 2 : i32
        %add3A_133 = arith.addi %add3A_131, %add3A_132 : i32
        %dma_start3A_134 = arith.constant 0 : i32
        %dma_start3A_135 = tpu.memref_slice %arg3[%add3A_133, %dma_start3A_134] : memref<2560x128xi32, #tpu.memory_space<hbm>> -> memref<1x128xi32, #tpu.memory_space<hbm>>
        %dma_start3A_136 = arith.constant 0 : i32
        %dma_start3A_137 = tpu.memref_slice %arg3[%add3A_133, %dma_start3A_136] : memref<2560x128xi32, #tpu.memory_space<hbm>> -> memref<1x128xi32, #tpu.memory_space<hbm>>
        tpu.enqueue_dma source(%dma_start3A_137 : memref<1x128xi32, #tpu.memory_space<hbm>>) target(%arg9 : memref<1x128xi32, #tpu.memory_space<vmem>>) target_semaphore(%arg14 : memref<!tpu.dma_semaphore, #tpu.memory_space<semaphore_mem>>)
      } else {
      }
      %add3A_119 = arith.constant 1 : i32
      %add3A_120 = arith.addi %mul3A_81, %add3A_119 : i32
      "tpu.region"() ({
        %run_scoped3A = tpu.sem_alloc : memref<!tpu.dma_semaphore, #tpu.memory_space<semaphore_mem>>
        %dma_start3A_129 = arith.constant 0 : i32
        %dma_start3A_130 = tpu.memref_slice %arg7[%add3A_120, %dma_start3A_129] : memref<80x128xi32, #tpu.memory_space<vmem>> -> memref<1x128xi32, #tpu.memory_space<vmem>>
        %dma_start3A_131 = tpu.memref_squeeze %dma_start3A_130 : memref<1x128xi32, #tpu.memory_space<vmem>> -> memref<128xi32, #tpu.memory_space<vmem>>
        %dma_start3A_132 = arith.constant 0 : i32
        %dma_start3A_133 = arith.constant 0 : i32
        %dma_start3A_134 = tpu.memref_slice %arg12[%dma_start3A_132, %dma_start3A_133] : memref<10112x128xf32, #tpu.memory_space<vmem_shared>> -> memref<10112x128xf32, #tpu.memory_space<vmem_shared>>
        tpu.enqueue_indirect_dma source(%arg11 : memref<128x128xf32, #tpu.memory_space<vmem>>) target(%dma_start3A_134 : memref<10112x128xf32, #tpu.memory_space<vmem_shared>>) offsets(%dma_start3A_131 : memref<128xi32, #tpu.memory_space<vmem>>) semaphore(%run_scoped3A : memref<!tpu.dma_semaphore, #tpu.memory_space<semaphore_mem>>) {add = true}
        %dma_wait3A_135 = arith.constant 0 : i32
        %dma_wait3A_136 = tpu.memref_slice %arg7[%add3A_120, %dma_wait3A_135] : memref<80x128xi32, #tpu.memory_space<vmem>> -> memref<1x128xi32, #tpu.memory_space<vmem>>
        %dma_wait3A_137 = tpu.memref_squeeze %dma_wait3A_136 : memref<1x128xi32, #tpu.memory_space<vmem>> -> memref<128xi32, #tpu.memory_space<vmem>>
        %dma_wait3A_138 = arith.constant 0 : i32
        %dma_wait3A_139 = arith.constant 0 : i32
        %dma_wait3A_140 = tpu.memref_slice %arg12[%dma_wait3A_138, %dma_wait3A_139] : memref<10112x128xf32, #tpu.memory_space<vmem_shared>> -> memref<10112x128xf32, #tpu.memory_space<vmem_shared>>
        tpu.wait_indirect_dma semaphore(%run_scoped3A : memref<!tpu.dma_semaphore, #tpu.memory_space<semaphore_mem>>) src(%arg11 : memref<128x128xf32, #tpu.memory_space<vmem>>) dst(%dma_wait3A_140 : memref<10112x128xf32, #tpu.memory_space<vmem_shared>>)
        tpu.yield
      }) : () -> ()
      %add3A_121 = arith.constant 1 : i32
      %add3A_122 = arith.addi %mul3A_81, %add3A_121 : i32
      %add3A_123 = arith.constant 2 : i32
      %add3A_124 = arith.addi %add3A_122, %add3A_123 : i32
      %lt3A_125 = arith.cmpi slt, %add3A_124, %select_n3A_8 : i32
      %convert_element_type3A_126 = arith.extui %lt3A_125 : i1 to i32
      %cond3A_127 = arith.constant 0 : i32
      %cond3A_128 = arith.cmpi ne, %convert_element_type3A_126, %cond3A_127 : i32
      scf.if %cond3A_128 {
        %add3A_129 = arith.addi %select_n3A, %mul3A_81 : i32
        %add3A_130 = arith.constant 1 : i32
        %add3A_131 = arith.addi %add3A_129, %add3A_130 : i32
        %add3A_132 = arith.constant 2 : i32
        %add3A_133 = arith.addi %add3A_131, %add3A_132 : i32
        %dma_wait3A_134 = arith.constant 0 : i32
        %dma_wait3A_135 = tpu.memref_slice %arg3[%add3A_133, %dma_wait3A_134] : memref<2560x128xi32, #tpu.memory_space<hbm>> -> memref<1x128xi32, #tpu.memory_space<hbm>>
        %dma_wait3A_136 = arith.constant 0 : i32
        %dma_wait3A_137 = tpu.memref_slice %arg3[%add3A_133, %dma_wait3A_136] : memref<2560x128xi32, #tpu.memory_space<hbm>> -> memref<1x128xi32, #tpu.memory_space<hbm>>
        tpu.wait_dma2 semaphore(%arg14 : memref<!tpu.dma_semaphore, #tpu.memory_space<semaphore_mem>>) src(%dma_wait3A_137 : memref<1x128xi32, #tpu.memory_space<hbm>>) dst(%arg9 : memref<1x128xi32, #tpu.memory_space<vmem>>)
        %dma_start3A_138 = arith.constant 0 : i32
        %dma_start3A_139 = arith.constant 0 : i32
        %dma_start3A_140 = tpu.memref_slice %arg9[%dma_start3A_138, %dma_start3A_139] : memref<1x128xi32, #tpu.memory_space<vmem>> -> memref<1x128xi32, #tpu.memory_space<vmem>>
        %dma_start3A_141 = tpu.memref_squeeze %dma_start3A_140 : memref<1x128xi32, #tpu.memory_space<vmem>> -> memref<128xi32, #tpu.memory_space<vmem>>
        %dma_start3A_142 = arith.constant 0 : i32
        %dma_start3A_143 = arith.constant 0 : i32
        %dma_start3A_144 = tpu.memref_slice %arg2[%dma_start3A_142, %dma_start3A_143] : memref<10000x128xf32, #tpu.memory_space<hbm>> -> memref<10000x128xf32, #tpu.memory_space<hbm>>
        tpu.enqueue_indirect_dma source(%dma_start3A_144 : memref<10000x128xf32, #tpu.memory_space<hbm>>) target(%arg11 : memref<128x128xf32, #tpu.memory_space<vmem>>) offsets(%dma_start3A_141 : memref<128xi32, #tpu.memory_space<vmem>>) semaphore(%arg16 : memref<!tpu.dma_semaphore, #tpu.memory_space<semaphore_mem>>)
      } else {
      }
    }
    %while3A_73 = arith.constant 1 : i32
    scf.for %while3A_79 = %while3A_71 to %while3A_67 step %while3A_73  : i32 {
      %mul3A_80 = arith.constant 2 : i32
      %mul3A_81 = arith.muli %mul3A_80, %while3A_79 : i32
      %dma_wait3A_82 = arith.constant 0 : i32
      %dma_wait3A_83 = arith.constant 0 : i32
      %dma_wait3A_84 = tpu.memref_slice %arg8[%dma_wait3A_82, %dma_wait3A_83] : memref<1x128xi32, #tpu.memory_space<vmem>> -> memref<1x128xi32, #tpu.memory_space<vmem>>
      %dma_wait3A_85 = tpu.memref_squeeze %dma_wait3A_84 : memref<1x128xi32, #tpu.memory_space<vmem>> -> memref<128xi32, #tpu.memory_space<vmem>>
      %dma_wait3A_86 = arith.constant 0 : i32
      %dma_wait3A_87 = arith.constant 0 : i32
      %dma_wait3A_88 = tpu.memref_slice %arg2[%dma_wait3A_86, %dma_wait3A_87] : memref<10000x128xf32, #tpu.memory_space<hbm>> -> memref<10000x128xf32, #tpu.memory_space<hbm>>
      tpu.wait_indirect_dma semaphore(%arg15 : memref<!tpu.dma_semaphore, #tpu.memory_space<semaphore_mem>>) src(%dma_wait3A_88 : memref<10000x128xf32, #tpu.memory_space<hbm>>) dst(%arg10 : memref<128x128xf32, #tpu.memory_space<vmem>>)
      %add3A_89 = arith.constant 0 : i32
      %add3A_90 = arith.addi %mul3A_81, %add3A_89 : i32
      %add3A_91 = arith.constant 2 : i32
      %add3A_92 = arith.addi %add3A_90, %add3A_91 : i32
      %lt3A = arith.cmpi slt, %add3A_92, %select_n3A_8 : i32
      %convert_element_type3A = arith.extui %lt3A : i1 to i32
      %cond3A = arith.constant 0 : i32
      %cond3A_93 = arith.cmpi ne, %convert_element_type3A, %cond3A : i32
      scf.if %cond3A_93 {
        %add3A_129 = arith.addi %select_n3A, %mul3A_81 : i32
        %add3A_130 = arith.constant 0 : i32
        %add3A_131 = arith.addi %add3A_129, %add3A_130 : i32
        %add3A_132 = arith.constant 2 : i32
        %add3A_133 = arith.addi %add3A_131, %add3A_132 : i32
        %dma_start3A_134 = arith.constant 0 : i32
        %dma_start3A_135 = tpu.memref_slice %arg3[%add3A_133, %dma_start3A_134] : memref<2560x128xi32, #tpu.memory_space<hbm>> -> memref<1x128xi32, #tpu.memory_space<hbm>>
        %dma_start3A_136 = arith.constant 0 : i32
        %dma_start3A_137 = tpu.memref_slice %arg3[%add3A_133, %dma_start3A_136] : memref<2560x128xi32, #tpu.memory_space<hbm>> -> memref<1x128xi32, #tpu.memory_space<hbm>>
        tpu.enqueue_dma source(%dma_start3A_137 : memref<1x128xi32, #tpu.memory_space<hbm>>) target(%arg8 : memref<1x128xi32, #tpu.memory_space<vmem>>) target_semaphore(%arg13 : memref<!tpu.dma_semaphore, #tpu.memory_space<semaphore_mem>>)
      } else {
      }
      %add3A_94 = arith.constant 0 : i32
      %add3A_95 = arith.addi %mul3A_81, %add3A_94 : i32
      "tpu.region"() ({
        %run_scoped3A = tpu.sem_alloc : memref<!tpu.dma_semaphore, #tpu.memory_space<semaphore_mem>>
        %dma_start3A_129 = arith.constant 0 : i32
        %dma_start3A_130 = tpu.memref_slice %arg7[%add3A_95, %dma_start3A_129] : memref<80x128xi32, #tpu.memory_space<vmem>> -> memref<1x128xi32, #tpu.memory_space<vmem>>
        %dma_start3A_131 = tpu.memref_squeeze %dma_start3A_130 : memref<1x128xi32, #tpu.memory_space<vmem>> -> memref<128xi32, #tpu.memory_space<vmem>>
        %dma_start3A_132 = arith.constant 0 : i32
        %dma_start3A_133 = arith.constant 0 : i32
        %dma_start3A_134 = tpu.memref_slice %arg12[%dma_start3A_132, %dma_start3A_133] : memref<10112x128xf32, #tpu.memory_space<vmem_shared>> -> memref<10112x128xf32, #tpu.memory_space<vmem_shared>>
        tpu.enqueue_indirect_dma source(%arg10 : memref<128x128xf32, #tpu.memory_space<vmem>>) target(%dma_start3A_134 : memref<10112x128xf32, #tpu.memory_space<vmem_shared>>) offsets(%dma_start3A_131 : memref<128xi32, #tpu.memory_space<vmem>>) semaphore(%run_scoped3A : memref<!tpu.dma_semaphore, #tpu.memory_space<semaphore_mem>>) {add = true}
        %dma_wait3A_135 = arith.constant 0 : i32
        %dma_wait3A_136 = tpu.memref_slice %arg7[%add3A_95, %dma_wait3A_135] : memref<80x128xi32, #tpu.memory_space<vmem>> -> memref<1x128xi32, #tpu.memory_space<vmem>>
        %dma_wait3A_137 = tpu.memref_squeeze %dma_wait3A_136 : memref<1x128xi32, #tpu.memory_space<vmem>> -> memref<128xi32, #tpu.memory_space<vmem>>
        %dma_wait3A_138 = arith.constant 0 : i32
        %dma_wait3A_139 = arith.constant 0 : i32
        %dma_wait3A_140 = tpu.memref_slice %arg12[%dma_wait3A_138, %dma_wait3A_139] : memref<10112x128xf32, #tpu.memory_space<vmem_shared>> -> memref<10112x128xf32, #tpu.memory_space<vmem_shared>>
        tpu.wait_indirect_dma semaphore(%run_scoped3A : memref<!tpu.dma_semaphore, #tpu.memory_space<semaphore_mem>>) src(%arg10 : memref<128x128xf32, #tpu.memory_space<vmem>>) dst(%dma_wait3A_140 : memref<10112x128xf32, #tpu.memory_space<vmem_shared>>)
        tpu.yield
      }) : () -> ()
      %add3A_96 = arith.constant 0 : i32
      %add3A_97 = arith.addi %mul3A_81, %add3A_96 : i32
      %add3A_98 = arith.constant 2 : i32
      %add3A_99 = arith.addi %add3A_97, %add3A_98 : i32
      %lt3A_100 = arith.cmpi slt, %add3A_99, %select_n3A_8 : i32
      %convert_element_type3A_101 = arith.extui %lt3A_100 : i1 to i32
      %cond3A_102 = arith.constant 0 : i32
      %cond3A_103 = arith.cmpi ne, %convert_element_type3A_101, %cond3A_102 : i32
      scf.if %cond3A_103 {
        %add3A_129 = arith.addi %select_n3A, %mul3A_81 : i32
        %add3A_130 = arith.constant 0 : i32
        %add3A_131 = arith.addi %add3A_129, %add3A_130 : i32
        %add3A_132 = arith.constant 2 : i32
        %add3A_133 = arith.addi %add3A_131, %add3A_132 : i32
        %dma_wait3A_134 = arith.constant 0 : i32
        %dma_wait3A_135 = tpu.memref_slice %arg3[%add3A_133, %dma_wait3A_134] : memref<2560x128xi32, #tpu.memory_space<hbm>> -> memref<1x128xi32, #tpu.memory_space<hbm>>
        %dma_wait3A_136 = arith.constant 0 : i32
        %dma_wait3A_137 = tpu.memref_slice %arg3[%add3A_133, %dma_wait3A_136] : memref<2560x128xi32, #tpu.memory_space<hbm>> -> memref<1x128xi32, #tpu.memory_space<hbm>>
        tpu.wait_dma2 semaphore(%arg13 : memref<!tpu.dma_semaphore, #tpu.memory_space<semaphore_mem>>) src(%dma_wait3A_137 : memref<1x128xi32, #tpu.memory_space<hbm>>) dst(%arg8 : memref<1x128xi32, #tpu.memory_space<vmem>>)
        %dma_start3A_138 = arith.constant 0 : i32
        %dma_start3A_139 = arith.constant 0 : i32
        %dma_start3A_140 = tpu.memref_slice %arg8[%dma_start3A_138, %dma_start3A_139] : memref<1x128xi32, #tpu.memory_space<vmem>> -> memref<1x128xi32, #tpu.memory_space<vmem>>
        %dma_start3A_141 = tpu.memref_squeeze %dma_start3A_140 : memref<1x128xi32, #tpu.memory_space<vmem>> -> memref<128xi32, #tpu.memory_space<vmem>>
        %dma_start3A_142 = arith.constant 0 : i32
        %dma_start3A_143 = arith.constant 0 : i32
        %dma_start3A_144 = tpu.memref_slice %arg2[%dma_start3A_142, %dma_start3A_143] : memref<10000x128xf32, #tpu.memory_space<hbm>> -> memref<10000x128xf32, #tpu.memory_space<hbm>>
        tpu.enqueue_indirect_dma source(%dma_start3A_144 : memref<10000x128xf32, #tpu.memory_space<hbm>>) target(%arg10 : memref<128x128xf32, #tpu.memory_space<vmem>>) offsets(%dma_start3A_141 : memref<128xi32, #tpu.memory_space<vmem>>) semaphore(%arg15 : memref<!tpu.dma_semaphore, #tpu.memory_space<semaphore_mem>>)
      } else {
      }
      %dma_wait3A_104 = arith.constant 0 : i32
      %dma_wait3A_105 = arith.constant 0 : i32
      %dma_wait3A_106 = tpu.memref_slice %arg9[%dma_wait3A_104, %dma_wait3A_105] : memref<1x128xi32, #tpu.memory_space<vmem>> -> memref<1x128xi32, #tpu.memory_space<vmem>>
      %dma_wait3A_107 = tpu.memref_squeeze %dma_wait3A_106 : memref<1x128xi32, #tpu.memory_space<vmem>> -> memref<128xi32, #tpu.memory_space<vmem>>
      %dma_wait3A_108 = arith.constant 0 : i32
      %dma_wait3A_109 = arith.constant 0 : i32
      %dma_wait3A_110 = tpu.memref_slice %arg2[%dma_wait3A_108, %dma_wait3A_109] : memref<10000x128xf32, #tpu.memory_space<hbm>> -> memref<10000x128xf32, #tpu.memory_space<hbm>>
      tpu.wait_indirect_dma semaphore(%arg16 : memref<!tpu.dma_semaphore, #tpu.memory_space<semaphore_mem>>) src(%dma_wait3A_110 : memref<10000x128xf32, #tpu.memory_space<hbm>>) dst(%arg11 : memref<128x128xf32, #tpu.memory_space<vmem>>)
      %add3A_111 = arith.constant 1 : i32
      %add3A_112 = arith.addi %mul3A_81, %add3A_111 : i32
      %add3A_113 = arith.constant 2 : i32
      %add3A_114 = arith.addi %add3A_112, %add3A_113 : i32
      %lt3A_115 = arith.cmpi slt, %add3A_114, %select_n3A_8 : i32
      %convert_element_type3A_116 = arith.extui %lt3A_115 : i1 to i32
      %cond3A_117 = arith.constant 0 : i32
      %cond3A_118 = arith.cmpi ne, %convert_element_type3A_116, %cond3A_117 : i32
      scf.if %cond3A_118 {
        %add3A_129 = arith.addi %select_n3A, %mul3A_81 : i32
        %add3A_130 = arith.constant 1 : i32
        %add3A_131 = arith.addi %add3A_129, %add3A_130 : i32
        %add3A_132 = arith.constant 2 : i32
        %add3A_133 = arith.addi %add3A_131, %add3A_132 : i32
        %dma_start3A_134 = arith.constant 0 : i32
        %dma_start3A_135 = tpu.memref_slice %arg3[%add3A_133, %dma_start3A_134] : memref<2560x128xi32, #tpu.memory_space<hbm>> -> memref<1x128xi32, #tpu.memory_space<hbm>>
        %dma_start3A_136 = arith.constant 0 : i32
        %dma_start3A_137 = tpu.memref_slice %arg3[%add3A_133, %dma_start3A_136] : memref<2560x128xi32, #tpu.memory_space<hbm>> -> memref<1x128xi32, #tpu.memory_space<hbm>>
        tpu.enqueue_dma source(%dma_start3A_137 : memref<1x128xi32, #tpu.memory_space<hbm>>) target(%arg9 : memref<1x128xi32, #tpu.memory_space<vmem>>) target_semaphore(%arg14 : memref<!tpu.dma_semaphore, #tpu.memory_space<semaphore_mem>>)
      } else {
      }
      %add3A_119 = arith.constant 1 : i32
      %add3A_120 = arith.addi %mul3A_81, %add3A_119 : i32
      "tpu.region"() ({
        %run_scoped3A = tpu.sem_alloc : memref<!tpu.dma_semaphore, #tpu.memory_space<semaphore_mem>>
        %dma_start3A_129 = arith.constant 0 : i32
        %dma_start3A_130 = tpu.memref_slice %arg7[%add3A_120, %dma_start3A_129] : memref<80x128xi32, #tpu.memory_space<vmem>> -> memref<1x128xi32, #tpu.memory_space<vmem>>
        %dma_start3A_131 = tpu.memref_squeeze %dma_start3A_130 : memref<1x128xi32, #tpu.memory_space<vmem>> -> memref<128xi32, #tpu.memory_space<vmem>>
        %dma_start3A_132 = arith.constant 0 : i32
        %dma_start3A_133 = arith.constant 0 : i32
        %dma_start3A_134 = tpu.memref_slice %arg12[%dma_start3A_132, %dma_start3A_133] : memref<10112x128xf32, #tpu.memory_space<vmem_shared>> -> memref<10112x128xf32, #tpu.memory_space<vmem_shared>>
        tpu.enqueue_indirect_dma source(%arg11 : memref<128x128xf32, #tpu.memory_space<vmem>>) target(%dma_start3A_134 : memref<10112x128xf32, #tpu.memory_space<vmem_shared>>) offsets(%dma_start3A_131 : memref<128xi32, #tpu.memory_space<vmem>>) semaphore(%run_scoped3A : memref<!tpu.dma_semaphore, #tpu.memory_space<semaphore_mem>>) {add = true}
        %dma_wait3A_135 = arith.constant 0 : i32
        %dma_wait3A_136 = tpu.memref_slice %arg7[%add3A_120, %dma_wait3A_135] : memref<80x128xi32, #tpu.memory_space<vmem>> -> memref<1x128xi32, #tpu.memory_space<vmem>>
        %dma_wait3A_137 = tpu.memref_squeeze %dma_wait3A_136 : memref<1x128xi32, #tpu.memory_space<vmem>> -> memref<128xi32, #tpu.memory_space<vmem>>
        %dma_wait3A_138 = arith.constant 0 : i32
        %dma_wait3A_139 = arith.constant 0 : i32
        %dma_wait3A_140 = tpu.memref_slice %arg12[%dma_wait3A_138, %dma_wait3A_139] : memref<10112x128xf32, #tpu.memory_space<vmem_shared>> -> memref<10112x128xf32, #tpu.memory_space<vmem_shared>>
        tpu.wait_indirect_dma semaphore(%run_scoped3A : memref<!tpu.dma_semaphore, #tpu.memory_space<semaphore_mem>>) src(%arg11 : memref<128x128xf32, #tpu.memory_space<vmem>>) dst(%dma_wait3A_140 : memref<10112x128xf32, #tpu.memory_space<vmem_shared>>)
        tpu.yield
      }) : () -> ()
      %add3A_121 = arith.constant 1 : i32
      %add3A_122 = arith.addi %mul3A_81, %add3A_121 : i32
      %add3A_123 = arith.constant 2 : i32
      %add3A_124 = arith.addi %add3A_122, %add3A_123 : i32
      %lt3A_125 = arith.cmpi slt, %add3A_124, %select_n3A_8 : i32
      %convert_element_type3A_126 = arith.extui %lt3A_125 : i1 to i32
      %cond3A_127 = arith.constant 0 : i32
      %cond3A_128 = arith.cmpi ne, %convert_element_type3A_126, %cond3A_127 : i32
      scf.if %cond3A_128 {
        %add3A_129 = arith.addi %select_n3A, %mul3A_81 : i32
        %add3A_130 = arith.constant 1 : i32
        %add3A_131 = arith.addi %add3A_129, %add3A_130 : i32
        %add3A_132 = arith.constant 2 : i32
        %add3A_133 = arith.addi %add3A_131, %add3A_132 : i32
        %dma_wait3A_134 = arith.constant 0 : i32
        %dma_wait3A_135 = tpu.memref_slice %arg3[%add3A_133, %dma_wait3A_134] : memref<2560x128xi32, #tpu.memory_space<hbm>> -> memref<1x128xi32, #tpu.memory_space<hbm>>
        %dma_wait3A_136 = arith.constant 0 : i32
        %dma_wait3A_137 = tpu.memref_slice %arg3[%add3A_133, %dma_wait3A_136] : memref<2560x128xi32, #tpu.memory_space<hbm>> -> memref<1x128xi32, #tpu.memory_space<hbm>>
        tpu.wait_dma2 semaphore(%arg14 : memref<!tpu.dma_semaphore, #tpu.memory_space<semaphore_mem>>) src(%dma_wait3A_137 : memref<1x128xi32, #tpu.memory_space<hbm>>) dst(%arg9 : memref<1x128xi32, #tpu.memory_space<vmem>>)
        %dma_start3A_138 = arith.constant 0 : i32
        %dma_start3A_139 = arith.constant 0 : i32
        %dma_start3A_140 = tpu.memref_slice %arg9[%dma_start3A_138, %dma_start3A_139] : memref<1x128xi32, #tpu.memory_space<vmem>> -> memref<1x128xi32, #tpu.memory_space<vmem>>
        %dma_start3A_141 = tpu.memref_squeeze %dma_start3A_140 : memref<1x128xi32, #tpu.memory_space<vmem>> -> memref<128xi32, #tpu.memory_space<vmem>>
        %dma_start3A_142 = arith.constant 0 : i32
        %dma_start3A_143 = arith.constant 0 : i32
        %dma_start3A_144 = tpu.memref_slice %arg2[%dma_start3A_142, %dma_start3A_143] : memref<10000x128xf32, #tpu.memory_space<hbm>> -> memref<10000x128xf32, #tpu.memory_space<hbm>>
        tpu.enqueue_indirect_dma source(%dma_start3A_144 : memref<10000x128xf32, #tpu.memory_space<hbm>>) target(%arg11 : memref<128x128xf32, #tpu.memory_space<vmem>>) offsets(%dma_start3A_141 : memref<128xi32, #tpu.memory_space<vmem>>) semaphore(%arg16 : memref<!tpu.dma_semaphore, #tpu.memory_space<semaphore_mem>>)
      } else {
      }
    }
    %barrier3A_74 = arith.constant 0 : index
    tpu.barrier barrier_id(%barrier3A_74)
    %mul3A_75 = arith.constant 632 : i32
    %mul3A_76 = arith.muli %arg1, %mul3A_75 : i32
    %mul3A_77 = arith.constant 632 : i32
    %mul3A_78 = arith.muli %arg1, %mul3A_77 : i32
    "tpu.region"() ({
      %run_scoped3A = tpu.sem_alloc : memref<!tpu.dma_semaphore, #tpu.memory_space<semaphore_mem>>
      %dma_start3A_79 = arith.constant 0 : i32
      %dma_start3A_80 = tpu.memref_slice %arg6[%arg0, %mul3A_78, %dma_start3A_79] : memref<2x10112x128xf32, #tpu.memory_space<hbm>> -> memref<1x632x128xf32, #tpu.memory_space<hbm>>
      %dma_start3A_81 = tpu.memref_squeeze %dma_start3A_80 : memref<1x632x128xf32, #tpu.memory_space<hbm>> -> memref<632x128xf32, #tpu.memory_space<hbm>>
      %dma_start3A_82 = arith.constant 0 : i32
      %dma_start3A_83 = tpu.memref_slice %arg12[%mul3A_76, %dma_start3A_82] : memref<10112x128xf32, #tpu.memory_space<vmem_shared>> -> memref<632x128xf32, #tpu.memory_space<vmem_shared>>
      tpu.enqueue_dma source(%dma_start3A_83 : memref<632x128xf32, #tpu.memory_space<vmem_shared>>) target(%dma_start3A_81 : memref<632x128xf32, #tpu.memory_space<hbm>>) target_semaphore(%run_scoped3A : memref<!tpu.dma_semaphore, #tpu.memory_space<semaphore_mem>>)
      %dma_wait3A_84 = arith.constant 0 : i32
      %dma_wait3A_85 = tpu.memref_slice %arg6[%arg0, %mul3A_78, %dma_wait3A_84] : memref<2x10112x128xf32, #tpu.memory_space<hbm>> -> memref<1x632x128xf32, #tpu.memory_space<hbm>>
      %dma_wait3A_86 = tpu.memref_squeeze %dma_wait3A_85 : memref<1x632x128xf32, #tpu.memory_space<hbm>> -> memref<632x128xf32, #tpu.memory_space<hbm>>
      %dma_wait3A_87 = arith.constant 0 : i32
      %dma_wait3A_88 = tpu.memref_slice %arg12[%mul3A_76, %dma_wait3A_87] : memref<10112x128xf32, #tpu.memory_space<vmem_shared>> -> memref<632x128xf32, #tpu.memory_space<vmem_shared>>
      tpu.wait_dma2 semaphore(%run_scoped3A : memref<!tpu.dma_semaphore, #tpu.memory_space<semaphore_mem>>) src(%dma_wait3A_88 : memref<632x128xf32, #tpu.memory_space<vmem_shared>>) dst(%dma_wait3A_86 : memref<632x128xf32, #tpu.memory_space<hbm>>)
      tpu.yield
    }) : () -> ()
    return
  }
}

#map = affine_map<(d0, d1) -> (0, 0)>
#map1 = affine_map<(d0, d1) -> (0, 0, 0)>
module attributes {stable_mosaic.version = 14 : i64} {
  func.func @_agg2_body(%arg0: i32, %arg1: i32, %arg2: memref<10000x128xf32, #tpu.memory_space<hbm>>, %arg3: memref<10000x128xf32, #tpu.memory_space<hbm>>, %arg4: memref<2560x128xi32, #tpu.memory_space<hbm>>, %arg5: memref<2560x128xi32, #tpu.memory_space<hbm>>, %arg6: memref<632x128xf32, #tpu.memory_space<hbm>>, %arg7: memref<2x10112x128xf32, #tpu.memory_space<hbm>>, %arg8: memref<2x10112x128xf32, #tpu.memory_space<hbm>>, %arg9: memref<80x128xi32, #tpu.memory_space<vmem>>, %arg10: memref<1x128xi32, #tpu.memory_space<vmem>>, %arg11: memref<1x128xi32, #tpu.memory_space<vmem>>, %arg12: memref<128x128xf32, #tpu.memory_space<vmem>>, %arg13: memref<128x128xf32, #tpu.memory_space<vmem>>, %arg14: memref<10112x128xf32, #tpu.memory_space<vmem_shared>>, %arg15: memref<!tpu.dma_semaphore, #tpu.memory_space<semaphore_mem>>, %arg16: memref<!tpu.dma_semaphore, #tpu.memory_space<semaphore_mem>>, %arg17: memref<!tpu.dma_semaphore, #tpu.memory_space<semaphore_mem>>, %arg18: memref<!tpu.dma_semaphore, #tpu.memory_space<semaphore_mem>>) attributes {dimension_semantics = [#tpu.dimension_semantics<core_parallel>, #tpu.dimension_semantics<subcore_parallel>], iteration_bounds = array<i64: 2, 16>, scalar_prefetch = 0 : i64, scratch_operands = 10 : i64, tpu.core_type = #tpu.core_type<sc_vector_subcore>, window_params = [{transform_indices = #map}, {transform_indices = #map}, {transform_indices = #map}, {transform_indices = #map}, {transform_indices = #map}, {transform_indices = #map1}, {transform_indices = #map1}]} {
    %eq3A = arith.constant 1 : i32
    %eq3A_0 = arith.cmpi eq, %arg0, %eq3A : i32
    %mul3A = arith.constant 80 : i32
    %mul3A_1 = arith.muli %arg1, %mul3A : i32
    %mul3A_2 = arith.constant 80 : i32
    %mul3A_3 = arith.muli %arg1, %mul3A_2 : i32
    %add3A = arith.constant 1280 : i32
    %add3A_4 = arith.addi %add3A, %mul3A_3 : i32
    %select_n3A = arith.select %eq3A_0, %mul3A_1, %add3A_4 : i32
    %eq3A_5 = arith.constant 1 : i32
    %eq3A_6 = arith.cmpi eq, %arg0, %eq3A_5 : i32
    %jit3A = arith.constant 80 : i32
    %jit3A_7 = arith.constant 80 : i32
    %select_n3A_8 = arith.select %eq3A_6, %jit3A, %jit3A_7 : i32
    "tpu.region"() ({
      %run_scoped3A = tpu.sem_alloc : memref<!tpu.dma_semaphore, #tpu.memory_space<semaphore_mem>>
      %dma_start3A_159 = arith.constant 0 : i32
      %dma_start3A_160 = tpu.memref_slice %arg5[%select_n3A, %dma_start3A_159] : memref<2560x128xi32, #tpu.memory_space<hbm>> -> memref<80x128xi32, #tpu.memory_space<hbm>>
      %dma_start3A_161 = arith.constant 0 : i32
      %dma_start3A_162 = tpu.memref_slice %arg5[%select_n3A, %dma_start3A_161] : memref<2560x128xi32, #tpu.memory_space<hbm>> -> memref<80x128xi32, #tpu.memory_space<hbm>>
      tpu.enqueue_dma source(%dma_start3A_162 : memref<80x128xi32, #tpu.memory_space<hbm>>) target(%arg9 : memref<80x128xi32, #tpu.memory_space<vmem>>) target_semaphore(%run_scoped3A : memref<!tpu.dma_semaphore, #tpu.memory_space<semaphore_mem>>)
      %dma_wait3A_163 = arith.constant 0 : i32
      %dma_wait3A_164 = tpu.memref_slice %arg5[%select_n3A, %dma_wait3A_163] : memref<2560x128xi32, #tpu.memory_space<hbm>> -> memref<80x128xi32, #tpu.memory_space<hbm>>
      %dma_wait3A_165 = arith.constant 0 : i32
      %dma_wait3A_166 = tpu.memref_slice %arg5[%select_n3A, %dma_wait3A_165] : memref<2560x128xi32, #tpu.memory_space<hbm>> -> memref<80x128xi32, #tpu.memory_space<hbm>>
      tpu.wait_dma2 semaphore(%run_scoped3A : memref<!tpu.dma_semaphore, #tpu.memory_space<semaphore_mem>>) src(%dma_wait3A_166 : memref<80x128xi32, #tpu.memory_space<hbm>>) dst(%arg9 : memref<80x128xi32, #tpu.memory_space<vmem>>)
      tpu.yield
    }) : () -> ()
    %mul3A_9 = arith.constant 632 : i32
    %mul3A_10 = arith.muli %arg1, %mul3A_9 : i32
    "tpu.region"() ({
      %run_scoped3A = tpu.sem_alloc : memref<!tpu.dma_semaphore, #tpu.memory_space<semaphore_mem>>
      %dma_start3A_159 = arith.constant 0 : i32
      %dma_start3A_160 = tpu.memref_slice %arg14[%mul3A_10, %dma_start3A_159] : memref<10112x128xf32, #tpu.memory_space<vmem_shared>> -> memref<632x128xf32, #tpu.memory_space<vmem_shared>>
      tpu.enqueue_dma source(%arg6 : memref<632x128xf32, #tpu.memory_space<hbm>>) target(%dma_start3A_160 : memref<632x128xf32, #tpu.memory_space<vmem_shared>>) target_semaphore(%run_scoped3A : memref<!tpu.dma_semaphore, #tpu.memory_space<semaphore_mem>>)
      %dma_wait3A_161 = arith.constant 0 : i32
      %dma_wait3A_162 = tpu.memref_slice %arg14[%mul3A_10, %dma_wait3A_161] : memref<10112x128xf32, #tpu.memory_space<vmem_shared>> -> memref<632x128xf32, #tpu.memory_space<vmem_shared>>
      tpu.wait_dma2 semaphore(%run_scoped3A : memref<!tpu.dma_semaphore, #tpu.memory_space<semaphore_mem>>) src(%arg6 : memref<632x128xf32, #tpu.memory_space<hbm>>) dst(%dma_wait3A_162 : memref<632x128xf32, #tpu.memory_space<vmem_shared>>)
      tpu.yield
    }) : () -> ()
    %barrier3A = arith.constant 0 : index
    tpu.barrier barrier_id(%barrier3A)
    %add3A_11 = arith.constant 0 : i32
    %add3A_12 = arith.addi %select_n3A, %add3A_11 : i32
    %dma_start3A = arith.constant 0 : i32
    %dma_start3A_13 = tpu.memref_slice %arg4[%add3A_12, %dma_start3A] : memref<2560x128xi32, #tpu.memory_space<hbm>> -> memref<1x128xi32, #tpu.memory_space<hbm>>
    %dma_start3A_14 = arith.constant 0 : i32
    %dma_start3A_15 = tpu.memref_slice %arg4[%add3A_12, %dma_start3A_14] : memref<2560x128xi32, #tpu.memory_space<hbm>> -> memref<1x128xi32, #tpu.memory_space<hbm>>
    tpu.enqueue_dma source(%dma_start3A_15 : memref<1x128xi32, #tpu.memory_space<hbm>>) target(%arg10 : memref<1x128xi32, #tpu.memory_space<vmem>>) target_semaphore(%arg15 : memref<!tpu.dma_semaphore, #tpu.memory_space<semaphore_mem>>)
    %add3A_16 = arith.constant 1 : i32
    %add3A_17 = arith.addi %select_n3A, %add3A_16 : i32
    %dma_start3A_18 = arith.constant 0 : i32
    %dma_start3A_19 = tpu.memref_slice %arg4[%add3A_17, %dma_start3A_18] : memref<2560x128xi32, #tpu.memory_space<hbm>> -> memref<1x128xi32, #tpu.memory_space<hbm>>
    %dma_start3A_20 = arith.constant 0 : i32
    %dma_start3A_21 = tpu.memref_slice %arg4[%add3A_17, %dma_start3A_20] : memref<2560x128xi32, #tpu.memory_space<hbm>> -> memref<1x128xi32, #tpu.memory_space<hbm>>
    tpu.enqueue_dma source(%dma_start3A_21 : memref<1x128xi32, #tpu.memory_space<hbm>>) target(%arg11 : memref<1x128xi32, #tpu.memory_space<vmem>>) target_semaphore(%arg16 : memref<!tpu.dma_semaphore, #tpu.memory_space<semaphore_mem>>)
    %add3A_22 = arith.constant 0 : i32
    %add3A_23 = arith.addi %select_n3A, %add3A_22 : i32
    %dma_wait3A = arith.constant 0 : i32
    %dma_wait3A_24 = tpu.memref_slice %arg4[%add3A_23, %dma_wait3A] : memref<2560x128xi32, #tpu.memory_space<hbm>> -> memref<1x128xi32, #tpu.memory_space<hbm>>
    %dma_wait3A_25 = arith.constant 0 : i32
    %dma_wait3A_26 = tpu.memref_slice %arg4[%add3A_23, %dma_wait3A_25] : memref<2560x128xi32, #tpu.memory_space<hbm>> -> memref<1x128xi32, #tpu.memory_space<hbm>>
    tpu.wait_dma2 semaphore(%arg15 : memref<!tpu.dma_semaphore, #tpu.memory_space<semaphore_mem>>) src(%dma_wait3A_26 : memref<1x128xi32, #tpu.memory_space<hbm>>) dst(%arg10 : memref<1x128xi32, #tpu.memory_space<vmem>>)
    %dma_start3A_27 = arith.constant 0 : i32
    %dma_start3A_28 = arith.constant 0 : i32
    %dma_start3A_29 = tpu.memref_slice %arg10[%dma_start3A_27, %dma_start3A_28] : memref<1x128xi32, #tpu.memory_space<vmem>> -> memref<1x128xi32, #tpu.memory_space<vmem>>
    %dma_start3A_30 = tpu.memref_squeeze %dma_start3A_29 : memref<1x128xi32, #tpu.memory_space<vmem>> -> memref<128xi32, #tpu.memory_space<vmem>>
    %dma_start3A_31 = arith.constant 0 : i32
    %dma_start3A_32 = arith.constant 0 : i32
    %dma_start3A_33 = tpu.memref_slice %arg2[%dma_start3A_31, %dma_start3A_32] : memref<10000x128xf32, #tpu.memory_space<hbm>> -> memref<10000x128xf32, #tpu.memory_space<hbm>>
    tpu.enqueue_indirect_dma source(%dma_start3A_33 : memref<10000x128xf32, #tpu.memory_space<hbm>>) target(%arg12 : memref<128x128xf32, #tpu.memory_space<vmem>>) offsets(%dma_start3A_30 : memref<128xi32, #tpu.memory_space<vmem>>) semaphore(%arg17 : memref<!tpu.dma_semaphore, #tpu.memory_space<semaphore_mem>>)
    %add3A_34 = arith.constant 1 : i32
    %add3A_35 = arith.addi %select_n3A, %add3A_34 : i32
    %dma_wait3A_36 = arith.constant 0 : i32
    %dma_wait3A_37 = tpu.memref_slice %arg4[%add3A_35, %dma_wait3A_36] : memref<2560x128xi32, #tpu.memory_space<hbm>> -> memref<1x128xi32, #tpu.memory_space<hbm>>
    %dma_wait3A_38 = arith.constant 0 : i32
    %dma_wait3A_39 = tpu.memref_slice %arg4[%add3A_35, %dma_wait3A_38] : memref<2560x128xi32, #tpu.memory_space<hbm>> -> memref<1x128xi32, #tpu.memory_space<hbm>>
    tpu.wait_dma2 semaphore(%arg16 : memref<!tpu.dma_semaphore, #tpu.memory_space<semaphore_mem>>) src(%dma_wait3A_39 : memref<1x128xi32, #tpu.memory_space<hbm>>) dst(%arg11 : memref<1x128xi32, #tpu.memory_space<vmem>>)
    %dma_start3A_40 = arith.constant 0 : i32
    %dma_start3A_41 = arith.constant 0 : i32
    %dma_start3A_42 = tpu.memref_slice %arg11[%dma_start3A_40, %dma_start3A_41] : memref<1x128xi32, #tpu.memory_space<vmem>> -> memref<1x128xi32, #tpu.memory_space<vmem>>
    %dma_start3A_43 = tpu.memref_squeeze %dma_start3A_42 : memref<1x128xi32, #tpu.memory_space<vmem>> -> memref<128xi32, #tpu.memory_space<vmem>>
    %dma_start3A_44 = arith.constant 0 : i32
    %dma_start3A_45 = arith.constant 0 : i32
    %dma_start3A_46 = tpu.memref_slice %arg2[%dma_start3A_44, %dma_start3A_45] : memref<10000x128xf32, #tpu.memory_space<hbm>> -> memref<10000x128xf32, #tpu.memory_space<hbm>>
    tpu.enqueue_indirect_dma source(%dma_start3A_46 : memref<10000x128xf32, #tpu.memory_space<hbm>>) target(%arg13 : memref<128x128xf32, #tpu.memory_space<vmem>>) offsets(%dma_start3A_43 : memref<128xi32, #tpu.memory_space<vmem>>) semaphore(%arg18 : memref<!tpu.dma_semaphore, #tpu.memory_space<semaphore_mem>>)
    %jit3A_47 = arith.constant 2 : i32
    %div3A = arith.divsi %select_n3A_8, %jit3A_47 : i32
    %sign3A = arith.constant 0 : i32
    %sign3A_48 = arith.cmpi sgt, %select_n3A_8, %sign3A : i32
    %sign3A_49 = arith.extui %sign3A_48 : i1 to i32
    %sign3A_50 = arith.constant 0 : i32
    %sign3A_51 = arith.cmpi slt, %select_n3A_8, %sign3A_50 : i32
    %sign3A_52 = arith.extui %sign3A_51 : i1 to i32
    %sign3A_53 = arith.subi %sign3A_49, %sign3A_52 : i32
    %sign3A_54 = arith.constant 0 : i32
    %sign3A_55 = arith.cmpi sgt, %jit3A_47, %sign3A_54 : i32
    %sign3A_56 = arith.extui %sign3A_55 : i1 to i32
    %sign3A_57 = arith.constant 0 : i32
    %sign3A_58 = arith.cmpi slt, %jit3A_47, %sign3A_57 : i32
    %sign3A_59 = arith.extui %sign3A_58 : i1 to i32
    %sign3A_60 = arith.subi %sign3A_56, %sign3A_59 : i32
    %ne3A = arith.cmpi ne, %sign3A_53, %sign3A_60 : i32
    %rem3A = arith.remsi %select_n3A_8, %jit3A_47 : i32
    %ne3A_61 = arith.constant 0 : i32
    %ne3A_62 = arith.cmpi ne, %rem3A, %ne3A_61 : i32
    %and3A = arith.andi %ne3A, %ne3A_62 : i1
    %sub3A = arith.constant 1 : i32
    %sub3A_63 = arith.subi %div3A, %sub3A : i32
    %select_n3A_64 = arith.select %and3A, %sub3A_63, %div3A : i32
    %while3A = arith.constant 0 : i32
    %while3A_65 = arith.constant 0 : i32
    %while3A_66 = arith.subi %select_n3A_64, %while3A_65 : i32
    %while3A_67 = arith.addi %while3A_65, %while3A_66 : i32
    %while3A_68 = arith.constant 1 : i32
    %while3A_69 = arith.divsi %while3A_66, %while3A_68 : i32
    %while3A_70 = arith.muli %while3A_69, %while3A_68 : i32
    %while3A_71 = arith.addi %while3A_65, %while3A_70 : i32
    %while3A_72 = arith.constant 1 : i32
    scf.for %while3A_159 = %while3A_65 to %while3A_71 step %while3A_72  : i32 {
      %mul3A_160 = arith.constant 2 : i32
      %mul3A_161 = arith.muli %mul3A_160, %while3A_159 : i32
      %dma_wait3A_162 = arith.constant 0 : i32
      %dma_wait3A_163 = arith.constant 0 : i32
      %dma_wait3A_164 = tpu.memref_slice %arg10[%dma_wait3A_162, %dma_wait3A_163] : memref<1x128xi32, #tpu.memory_space<vmem>> -> memref<1x128xi32, #tpu.memory_space<vmem>>
      %dma_wait3A_165 = tpu.memref_squeeze %dma_wait3A_164 : memref<1x128xi32, #tpu.memory_space<vmem>> -> memref<128xi32, #tpu.memory_space<vmem>>
      %dma_wait3A_166 = arith.constant 0 : i32
      %dma_wait3A_167 = arith.constant 0 : i32
      %dma_wait3A_168 = tpu.memref_slice %arg2[%dma_wait3A_166, %dma_wait3A_167] : memref<10000x128xf32, #tpu.memory_space<hbm>> -> memref<10000x128xf32, #tpu.memory_space<hbm>>
      tpu.wait_indirect_dma semaphore(%arg17 : memref<!tpu.dma_semaphore, #tpu.memory_space<semaphore_mem>>) src(%dma_wait3A_168 : memref<10000x128xf32, #tpu.memory_space<hbm>>) dst(%arg12 : memref<128x128xf32, #tpu.memory_space<vmem>>)
      %add3A_169 = arith.constant 0 : i32
      %add3A_170 = arith.addi %mul3A_161, %add3A_169 : i32
      %add3A_171 = arith.constant 2 : i32
      %add3A_172 = arith.addi %add3A_170, %add3A_171 : i32
      %lt3A = arith.cmpi slt, %add3A_172, %select_n3A_8 : i32
      %convert_element_type3A = arith.extui %lt3A : i1 to i32
      %cond3A = arith.constant 0 : i32
      %cond3A_173 = arith.cmpi ne, %convert_element_type3A, %cond3A : i32
      scf.if %cond3A_173 {
        %add3A_209 = arith.addi %select_n3A, %mul3A_161 : i32
        %add3A_210 = arith.constant 0 : i32
        %add3A_211 = arith.addi %add3A_209, %add3A_210 : i32
        %add3A_212 = arith.constant 2 : i32
        %add3A_213 = arith.addi %add3A_211, %add3A_212 : i32
        %dma_start3A_214 = arith.constant 0 : i32
        %dma_start3A_215 = tpu.memref_slice %arg4[%add3A_213, %dma_start3A_214] : memref<2560x128xi32, #tpu.memory_space<hbm>> -> memref<1x128xi32, #tpu.memory_space<hbm>>
        %dma_start3A_216 = arith.constant 0 : i32
        %dma_start3A_217 = tpu.memref_slice %arg4[%add3A_213, %dma_start3A_216] : memref<2560x128xi32, #tpu.memory_space<hbm>> -> memref<1x128xi32, #tpu.memory_space<hbm>>
        tpu.enqueue_dma source(%dma_start3A_217 : memref<1x128xi32, #tpu.memory_space<hbm>>) target(%arg10 : memref<1x128xi32, #tpu.memory_space<vmem>>) target_semaphore(%arg15 : memref<!tpu.dma_semaphore, #tpu.memory_space<semaphore_mem>>)
      } else {
      }
      %add3A_174 = arith.constant 0 : i32
      %add3A_175 = arith.addi %mul3A_161, %add3A_174 : i32
      "tpu.region"() ({
        %run_scoped3A = tpu.sem_alloc : memref<!tpu.dma_semaphore, #tpu.memory_space<semaphore_mem>>
        %dma_start3A_209 = arith.constant 0 : i32
        %dma_start3A_210 = tpu.memref_slice %arg9[%add3A_175, %dma_start3A_209] : memref<80x128xi32, #tpu.memory_space<vmem>> -> memref<1x128xi32, #tpu.memory_space<vmem>>
        %dma_start3A_211 = tpu.memref_squeeze %dma_start3A_210 : memref<1x128xi32, #tpu.memory_space<vmem>> -> memref<128xi32, #tpu.memory_space<vmem>>
        %dma_start3A_212 = arith.constant 0 : i32
        %dma_start3A_213 = arith.constant 0 : i32
        %dma_start3A_214 = tpu.memref_slice %arg14[%dma_start3A_212, %dma_start3A_213] : memref<10112x128xf32, #tpu.memory_space<vmem_shared>> -> memref<10112x128xf32, #tpu.memory_space<vmem_shared>>
        tpu.enqueue_indirect_dma source(%arg12 : memref<128x128xf32, #tpu.memory_space<vmem>>) target(%dma_start3A_214 : memref<10112x128xf32, #tpu.memory_space<vmem_shared>>) offsets(%dma_start3A_211 : memref<128xi32, #tpu.memory_space<vmem>>) semaphore(%run_scoped3A : memref<!tpu.dma_semaphore, #tpu.memory_space<semaphore_mem>>) {add = true}
        %dma_wait3A_215 = arith.constant 0 : i32
        %dma_wait3A_216 = tpu.memref_slice %arg9[%add3A_175, %dma_wait3A_215] : memref<80x128xi32, #tpu.memory_space<vmem>> -> memref<1x128xi32, #tpu.memory_space<vmem>>
        %dma_wait3A_217 = tpu.memref_squeeze %dma_wait3A_216 : memref<1x128xi32, #tpu.memory_space<vmem>> -> memref<128xi32, #tpu.memory_space<vmem>>
        %dma_wait3A_218 = arith.constant 0 : i32
        %dma_wait3A_219 = arith.constant 0 : i32
        %dma_wait3A_220 = tpu.memref_slice %arg14[%dma_wait3A_218, %dma_wait3A_219] : memref<10112x128xf32, #tpu.memory_space<vmem_shared>> -> memref<10112x128xf32, #tpu.memory_space<vmem_shared>>
        tpu.wait_indirect_dma semaphore(%run_scoped3A : memref<!tpu.dma_semaphore, #tpu.memory_space<semaphore_mem>>) src(%arg12 : memref<128x128xf32, #tpu.memory_space<vmem>>) dst(%dma_wait3A_220 : memref<10112x128xf32, #tpu.memory_space<vmem_shared>>)
        tpu.yield
      }) : () -> ()
      %add3A_176 = arith.constant 0 : i32
      %add3A_177 = arith.addi %mul3A_161, %add3A_176 : i32
      %add3A_178 = arith.constant 2 : i32
      %add3A_179 = arith.addi %add3A_177, %add3A_178 : i32
      %lt3A_180 = arith.cmpi slt, %add3A_179, %select_n3A_8 : i32
      %convert_element_type3A_181 = arith.extui %lt3A_180 : i1 to i32
      %cond3A_182 = arith.constant 0 : i32
      %cond3A_183 = arith.cmpi ne, %convert_element_type3A_181, %cond3A_182 : i32
      scf.if %cond3A_183 {
        %add3A_209 = arith.addi %select_n3A, %mul3A_161 : i32
        %add3A_210 = arith.constant 0 : i32
        %add3A_211 = arith.addi %add3A_209, %add3A_210 : i32
        %add3A_212 = arith.constant 2 : i32
        %add3A_213 = arith.addi %add3A_211, %add3A_212 : i32
        %dma_wait3A_214 = arith.constant 0 : i32
        %dma_wait3A_215 = tpu.memref_slice %arg4[%add3A_213, %dma_wait3A_214] : memref<2560x128xi32, #tpu.memory_space<hbm>> -> memref<1x128xi32, #tpu.memory_space<hbm>>
        %dma_wait3A_216 = arith.constant 0 : i32
        %dma_wait3A_217 = tpu.memref_slice %arg4[%add3A_213, %dma_wait3A_216] : memref<2560x128xi32, #tpu.memory_space<hbm>> -> memref<1x128xi32, #tpu.memory_space<hbm>>
        tpu.wait_dma2 semaphore(%arg15 : memref<!tpu.dma_semaphore, #tpu.memory_space<semaphore_mem>>) src(%dma_wait3A_217 : memref<1x128xi32, #tpu.memory_space<hbm>>) dst(%arg10 : memref<1x128xi32, #tpu.memory_space<vmem>>)
        %dma_start3A_218 = arith.constant 0 : i32
        %dma_start3A_219 = arith.constant 0 : i32
        %dma_start3A_220 = tpu.memref_slice %arg10[%dma_start3A_218, %dma_start3A_219] : memref<1x128xi32, #tpu.memory_space<vmem>> -> memref<1x128xi32, #tpu.memory_space<vmem>>
        %dma_start3A_221 = tpu.memref_squeeze %dma_start3A_220 : memref<1x128xi32, #tpu.memory_space<vmem>> -> memref<128xi32, #tpu.memory_space<vmem>>
        %dma_start3A_222 = arith.constant 0 : i32
        %dma_start3A_223 = arith.constant 0 : i32
        %dma_start3A_224 = tpu.memref_slice %arg2[%dma_start3A_222, %dma_start3A_223] : memref<10000x128xf32, #tpu.memory_space<hbm>> -> memref<10000x128xf32, #tpu.memory_space<hbm>>
        tpu.enqueue_indirect_dma source(%dma_start3A_224 : memref<10000x128xf32, #tpu.memory_space<hbm>>) target(%arg12 : memref<128x128xf32, #tpu.memory_space<vmem>>) offsets(%dma_start3A_221 : memref<128xi32, #tpu.memory_space<vmem>>) semaphore(%arg17 : memref<!tpu.dma_semaphore, #tpu.memory_space<semaphore_mem>>)
      } else {
      }
      %dma_wait3A_184 = arith.constant 0 : i32
      %dma_wait3A_185 = arith.constant 0 : i32
      %dma_wait3A_186 = tpu.memref_slice %arg11[%dma_wait3A_184, %dma_wait3A_185] : memref<1x128xi32, #tpu.memory_space<vmem>> -> memref<1x128xi32, #tpu.memory_space<vmem>>
      %dma_wait3A_187 = tpu.memref_squeeze %dma_wait3A_186 : memref<1x128xi32, #tpu.memory_space<vmem>> -> memref<128xi32, #tpu.memory_space<vmem>>
      %dma_wait3A_188 = arith.constant 0 : i32
      %dma_wait3A_189 = arith.constant 0 : i32
      %dma_wait3A_190 = tpu.memref_slice %arg2[%dma_wait3A_188, %dma_wait3A_189] : memref<10000x128xf32, #tpu.memory_space<hbm>> -> memref<10000x128xf32, #tpu.memory_space<hbm>>
      tpu.wait_indirect_dma semaphore(%arg18 : memref<!tpu.dma_semaphore, #tpu.memory_space<semaphore_mem>>) src(%dma_wait3A_190 : memref<10000x128xf32, #tpu.memory_space<hbm>>) dst(%arg13 : memref<128x128xf32, #tpu.memory_space<vmem>>)
      %add3A_191 = arith.constant 1 : i32
      %add3A_192 = arith.addi %mul3A_161, %add3A_191 : i32
      %add3A_193 = arith.constant 2 : i32
      %add3A_194 = arith.addi %add3A_192, %add3A_193 : i32
      %lt3A_195 = arith.cmpi slt, %add3A_194, %select_n3A_8 : i32
      %convert_element_type3A_196 = arith.extui %lt3A_195 : i1 to i32
      %cond3A_197 = arith.constant 0 : i32
      %cond3A_198 = arith.cmpi ne, %convert_element_type3A_196, %cond3A_197 : i32
      scf.if %cond3A_198 {
        %add3A_209 = arith.addi %select_n3A, %mul3A_161 : i32
        %add3A_210 = arith.constant 1 : i32
        %add3A_211 = arith.addi %add3A_209, %add3A_210 : i32
        %add3A_212 = arith.constant 2 : i32
        %add3A_213 = arith.addi %add3A_211, %add3A_212 : i32
        %dma_start3A_214 = arith.constant 0 : i32
        %dma_start3A_215 = tpu.memref_slice %arg4[%add3A_213, %dma_start3A_214] : memref<2560x128xi32, #tpu.memory_space<hbm>> -> memref<1x128xi32, #tpu.memory_space<hbm>>
        %dma_start3A_216 = arith.constant 0 : i32
        %dma_start3A_217 = tpu.memref_slice %arg4[%add3A_213, %dma_start3A_216] : memref<2560x128xi32, #tpu.memory_space<hbm>> -> memref<1x128xi32, #tpu.memory_space<hbm>>
        tpu.enqueue_dma source(%dma_start3A_217 : memref<1x128xi32, #tpu.memory_space<hbm>>) target(%arg11 : memref<1x128xi32, #tpu.memory_space<vmem>>) target_semaphore(%arg16 : memref<!tpu.dma_semaphore, #tpu.memory_space<semaphore_mem>>)
      } else {
      }
      %add3A_199 = arith.constant 1 : i32
      %add3A_200 = arith.addi %mul3A_161, %add3A_199 : i32
      "tpu.region"() ({
        %run_scoped3A = tpu.sem_alloc : memref<!tpu.dma_semaphore, #tpu.memory_space<semaphore_mem>>
        %dma_start3A_209 = arith.constant 0 : i32
        %dma_start3A_210 = tpu.memref_slice %arg9[%add3A_200, %dma_start3A_209] : memref<80x128xi32, #tpu.memory_space<vmem>> -> memref<1x128xi32, #tpu.memory_space<vmem>>
        %dma_start3A_211 = tpu.memref_squeeze %dma_start3A_210 : memref<1x128xi32, #tpu.memory_space<vmem>> -> memref<128xi32, #tpu.memory_space<vmem>>
        %dma_start3A_212 = arith.constant 0 : i32
        %dma_start3A_213 = arith.constant 0 : i32
        %dma_start3A_214 = tpu.memref_slice %arg14[%dma_start3A_212, %dma_start3A_213] : memref<10112x128xf32, #tpu.memory_space<vmem_shared>> -> memref<10112x128xf32, #tpu.memory_space<vmem_shared>>
        tpu.enqueue_indirect_dma source(%arg13 : memref<128x128xf32, #tpu.memory_space<vmem>>) target(%dma_start3A_214 : memref<10112x128xf32, #tpu.memory_space<vmem_shared>>) offsets(%dma_start3A_211 : memref<128xi32, #tpu.memory_space<vmem>>) semaphore(%run_scoped3A : memref<!tpu.dma_semaphore, #tpu.memory_space<semaphore_mem>>) {add = true}
        %dma_wait3A_215 = arith.constant 0 : i32
        %dma_wait3A_216 = tpu.memref_slice %arg9[%add3A_200, %dma_wait3A_215] : memref<80x128xi32, #tpu.memory_space<vmem>> -> memref<1x128xi32, #tpu.memory_space<vmem>>
        %dma_wait3A_217 = tpu.memref_squeeze %dma_wait3A_216 : memref<1x128xi32, #tpu.memory_space<vmem>> -> memref<128xi32, #tpu.memory_space<vmem>>
        %dma_wait3A_218 = arith.constant 0 : i32
        %dma_wait3A_219 = arith.constant 0 : i32
        %dma_wait3A_220 = tpu.memref_slice %arg14[%dma_wait3A_218, %dma_wait3A_219] : memref<10112x128xf32, #tpu.memory_space<vmem_shared>> -> memref<10112x128xf32, #tpu.memory_space<vmem_shared>>
        tpu.wait_indirect_dma semaphore(%run_scoped3A : memref<!tpu.dma_semaphore, #tpu.memory_space<semaphore_mem>>) src(%arg13 : memref<128x128xf32, #tpu.memory_space<vmem>>) dst(%dma_wait3A_220 : memref<10112x128xf32, #tpu.memory_space<vmem_shared>>)
        tpu.yield
      }) : () -> ()
      %add3A_201 = arith.constant 1 : i32
      %add3A_202 = arith.addi %mul3A_161, %add3A_201 : i32
      %add3A_203 = arith.constant 2 : i32
      %add3A_204 = arith.addi %add3A_202, %add3A_203 : i32
      %lt3A_205 = arith.cmpi slt, %add3A_204, %select_n3A_8 : i32
      %convert_element_type3A_206 = arith.extui %lt3A_205 : i1 to i32
      %cond3A_207 = arith.constant 0 : i32
      %cond3A_208 = arith.cmpi ne, %convert_element_type3A_206, %cond3A_207 : i32
      scf.if %cond3A_208 {
        %add3A_209 = arith.addi %select_n3A, %mul3A_161 : i32
        %add3A_210 = arith.constant 1 : i32
        %add3A_211 = arith.addi %add3A_209, %add3A_210 : i32
        %add3A_212 = arith.constant 2 : i32
        %add3A_213 = arith.addi %add3A_211, %add3A_212 : i32
        %dma_wait3A_214 = arith.constant 0 : i32
        %dma_wait3A_215 = tpu.memref_slice %arg4[%add3A_213, %dma_wait3A_214] : memref<2560x128xi32, #tpu.memory_space<hbm>> -> memref<1x128xi32, #tpu.memory_space<hbm>>
        %dma_wait3A_216 = arith.constant 0 : i32
        %dma_wait3A_217 = tpu.memref_slice %arg4[%add3A_213, %dma_wait3A_216] : memref<2560x128xi32, #tpu.memory_space<hbm>> -> memref<1x128xi32, #tpu.memory_space<hbm>>
        tpu.wait_dma2 semaphore(%arg16 : memref<!tpu.dma_semaphore, #tpu.memory_space<semaphore_mem>>) src(%dma_wait3A_217 : memref<1x128xi32, #tpu.memory_space<hbm>>) dst(%arg11 : memref<1x128xi32, #tpu.memory_space<vmem>>)
        %dma_start3A_218 = arith.constant 0 : i32
        %dma_start3A_219 = arith.constant 0 : i32
        %dma_start3A_220 = tpu.memref_slice %arg11[%dma_start3A_218, %dma_start3A_219] : memref<1x128xi32, #tpu.memory_space<vmem>> -> memref<1x128xi32, #tpu.memory_space<vmem>>
        %dma_start3A_221 = tpu.memref_squeeze %dma_start3A_220 : memref<1x128xi32, #tpu.memory_space<vmem>> -> memref<128xi32, #tpu.memory_space<vmem>>
        %dma_start3A_222 = arith.constant 0 : i32
        %dma_start3A_223 = arith.constant 0 : i32
        %dma_start3A_224 = tpu.memref_slice %arg2[%dma_start3A_222, %dma_start3A_223] : memref<10000x128xf32, #tpu.memory_space<hbm>> -> memref<10000x128xf32, #tpu.memory_space<hbm>>
        tpu.enqueue_indirect_dma source(%dma_start3A_224 : memref<10000x128xf32, #tpu.memory_space<hbm>>) target(%arg13 : memref<128x128xf32, #tpu.memory_space<vmem>>) offsets(%dma_start3A_221 : memref<128xi32, #tpu.memory_space<vmem>>) semaphore(%arg18 : memref<!tpu.dma_semaphore, #tpu.memory_space<semaphore_mem>>)
      } else {
      }
    }
    %while3A_73 = arith.constant 1 : i32
    scf.for %while3A_159 = %while3A_71 to %while3A_67 step %while3A_73  : i32 {
      %mul3A_160 = arith.constant 2 : i32
      %mul3A_161 = arith.muli %mul3A_160, %while3A_159 : i32
      %dma_wait3A_162 = arith.constant 0 : i32
      %dma_wait3A_163 = arith.constant 0 : i32
      %dma_wait3A_164 = tpu.memref_slice %arg10[%dma_wait3A_162, %dma_wait3A_163] : memref<1x128xi32, #tpu.memory_space<vmem>> -> memref<1x128xi32, #tpu.memory_space<vmem>>
      %dma_wait3A_165 = tpu.memref_squeeze %dma_wait3A_164 : memref<1x128xi32, #tpu.memory_space<vmem>> -> memref<128xi32, #tpu.memory_space<vmem>>
      %dma_wait3A_166 = arith.constant 0 : i32
      %dma_wait3A_167 = arith.constant 0 : i32
      %dma_wait3A_168 = tpu.memref_slice %arg2[%dma_wait3A_166, %dma_wait3A_167] : memref<10000x128xf32, #tpu.memory_space<hbm>> -> memref<10000x128xf32, #tpu.memory_space<hbm>>
      tpu.wait_indirect_dma semaphore(%arg17 : memref<!tpu.dma_semaphore, #tpu.memory_space<semaphore_mem>>) src(%dma_wait3A_168 : memref<10000x128xf32, #tpu.memory_space<hbm>>) dst(%arg12 : memref<128x128xf32, #tpu.memory_space<vmem>>)
      %add3A_169 = arith.constant 0 : i32
      %add3A_170 = arith.addi %mul3A_161, %add3A_169 : i32
      %add3A_171 = arith.constant 2 : i32
      %add3A_172 = arith.addi %add3A_170, %add3A_171 : i32
      %lt3A = arith.cmpi slt, %add3A_172, %select_n3A_8 : i32
      %convert_element_type3A = arith.extui %lt3A : i1 to i32
      %cond3A = arith.constant 0 : i32
      %cond3A_173 = arith.cmpi ne, %convert_element_type3A, %cond3A : i32
      scf.if %cond3A_173 {
        %add3A_209 = arith.addi %select_n3A, %mul3A_161 : i32
        %add3A_210 = arith.constant 0 : i32
        %add3A_211 = arith.addi %add3A_209, %add3A_210 : i32
        %add3A_212 = arith.constant 2 : i32
        %add3A_213 = arith.addi %add3A_211, %add3A_212 : i32
        %dma_start3A_214 = arith.constant 0 : i32
        %dma_start3A_215 = tpu.memref_slice %arg4[%add3A_213, %dma_start3A_214] : memref<2560x128xi32, #tpu.memory_space<hbm>> -> memref<1x128xi32, #tpu.memory_space<hbm>>
        %dma_start3A_216 = arith.constant 0 : i32
        %dma_start3A_217 = tpu.memref_slice %arg4[%add3A_213, %dma_start3A_216] : memref<2560x128xi32, #tpu.memory_space<hbm>> -> memref<1x128xi32, #tpu.memory_space<hbm>>
        tpu.enqueue_dma source(%dma_start3A_217 : memref<1x128xi32, #tpu.memory_space<hbm>>) target(%arg10 : memref<1x128xi32, #tpu.memory_space<vmem>>) target_semaphore(%arg15 : memref<!tpu.dma_semaphore, #tpu.memory_space<semaphore_mem>>)
      } else {
      }
      %add3A_174 = arith.constant 0 : i32
      %add3A_175 = arith.addi %mul3A_161, %add3A_174 : i32
      "tpu.region"() ({
        %run_scoped3A = tpu.sem_alloc : memref<!tpu.dma_semaphore, #tpu.memory_space<semaphore_mem>>
        %dma_start3A_209 = arith.constant 0 : i32
        %dma_start3A_210 = tpu.memref_slice %arg9[%add3A_175, %dma_start3A_209] : memref<80x128xi32, #tpu.memory_space<vmem>> -> memref<1x128xi32, #tpu.memory_space<vmem>>
        %dma_start3A_211 = tpu.memref_squeeze %dma_start3A_210 : memref<1x128xi32, #tpu.memory_space<vmem>> -> memref<128xi32, #tpu.memory_space<vmem>>
        %dma_start3A_212 = arith.constant 0 : i32
        %dma_start3A_213 = arith.constant 0 : i32
        %dma_start3A_214 = tpu.memref_slice %arg14[%dma_start3A_212, %dma_start3A_213] : memref<10112x128xf32, #tpu.memory_space<vmem_shared>> -> memref<10112x128xf32, #tpu.memory_space<vmem_shared>>
        tpu.enqueue_indirect_dma source(%arg12 : memref<128x128xf32, #tpu.memory_space<vmem>>) target(%dma_start3A_214 : memref<10112x128xf32, #tpu.memory_space<vmem_shared>>) offsets(%dma_start3A_211 : memref<128xi32, #tpu.memory_space<vmem>>) semaphore(%run_scoped3A : memref<!tpu.dma_semaphore, #tpu.memory_space<semaphore_mem>>) {add = true}
        %dma_wait3A_215 = arith.constant 0 : i32
        %dma_wait3A_216 = tpu.memref_slice %arg9[%add3A_175, %dma_wait3A_215] : memref<80x128xi32, #tpu.memory_space<vmem>> -> memref<1x128xi32, #tpu.memory_space<vmem>>
        %dma_wait3A_217 = tpu.memref_squeeze %dma_wait3A_216 : memref<1x128xi32, #tpu.memory_space<vmem>> -> memref<128xi32, #tpu.memory_space<vmem>>
        %dma_wait3A_218 = arith.constant 0 : i32
        %dma_wait3A_219 = arith.constant 0 : i32
        %dma_wait3A_220 = tpu.memref_slice %arg14[%dma_wait3A_218, %dma_wait3A_219] : memref<10112x128xf32, #tpu.memory_space<vmem_shared>> -> memref<10112x128xf32, #tpu.memory_space<vmem_shared>>
        tpu.wait_indirect_dma semaphore(%run_scoped3A : memref<!tpu.dma_semaphore, #tpu.memory_space<semaphore_mem>>) src(%arg12 : memref<128x128xf32, #tpu.memory_space<vmem>>) dst(%dma_wait3A_220 : memref<10112x128xf32, #tpu.memory_space<vmem_shared>>)
        tpu.yield
      }) : () -> ()
      %add3A_176 = arith.constant 0 : i32
      %add3A_177 = arith.addi %mul3A_161, %add3A_176 : i32
      %add3A_178 = arith.constant 2 : i32
      %add3A_179 = arith.addi %add3A_177, %add3A_178 : i32
      %lt3A_180 = arith.cmpi slt, %add3A_179, %select_n3A_8 : i32
      %convert_element_type3A_181 = arith.extui %lt3A_180 : i1 to i32
      %cond3A_182 = arith.constant 0 : i32
      %cond3A_183 = arith.cmpi ne, %convert_element_type3A_181, %cond3A_182 : i32
      scf.if %cond3A_183 {
        %add3A_209 = arith.addi %select_n3A, %mul3A_161 : i32
        %add3A_210 = arith.constant 0 : i32
        %add3A_211 = arith.addi %add3A_209, %add3A_210 : i32
        %add3A_212 = arith.constant 2 : i32
        %add3A_213 = arith.addi %add3A_211, %add3A_212 : i32
        %dma_wait3A_214 = arith.constant 0 : i32
        %dma_wait3A_215 = tpu.memref_slice %arg4[%add3A_213, %dma_wait3A_214] : memref<2560x128xi32, #tpu.memory_space<hbm>> -> memref<1x128xi32, #tpu.memory_space<hbm>>
        %dma_wait3A_216 = arith.constant 0 : i32
        %dma_wait3A_217 = tpu.memref_slice %arg4[%add3A_213, %dma_wait3A_216] : memref<2560x128xi32, #tpu.memory_space<hbm>> -> memref<1x128xi32, #tpu.memory_space<hbm>>
        tpu.wait_dma2 semaphore(%arg15 : memref<!tpu.dma_semaphore, #tpu.memory_space<semaphore_mem>>) src(%dma_wait3A_217 : memref<1x128xi32, #tpu.memory_space<hbm>>) dst(%arg10 : memref<1x128xi32, #tpu.memory_space<vmem>>)
        %dma_start3A_218 = arith.constant 0 : i32
        %dma_start3A_219 = arith.constant 0 : i32
        %dma_start3A_220 = tpu.memref_slice %arg10[%dma_start3A_218, %dma_start3A_219] : memref<1x128xi32, #tpu.memory_space<vmem>> -> memref<1x128xi32, #tpu.memory_space<vmem>>
        %dma_start3A_221 = tpu.memref_squeeze %dma_start3A_220 : memref<1x128xi32, #tpu.memory_space<vmem>> -> memref<128xi32, #tpu.memory_space<vmem>>
        %dma_start3A_222 = arith.constant 0 : i32
        %dma_start3A_223 = arith.constant 0 : i32
        %dma_start3A_224 = tpu.memref_slice %arg2[%dma_start3A_222, %dma_start3A_223] : memref<10000x128xf32, #tpu.memory_space<hbm>> -> memref<10000x128xf32, #tpu.memory_space<hbm>>
        tpu.enqueue_indirect_dma source(%dma_start3A_224 : memref<10000x128xf32, #tpu.memory_space<hbm>>) target(%arg12 : memref<128x128xf32, #tpu.memory_space<vmem>>) offsets(%dma_start3A_221 : memref<128xi32, #tpu.memory_space<vmem>>) semaphore(%arg17 : memref<!tpu.dma_semaphore, #tpu.memory_space<semaphore_mem>>)
      } else {
      }
      %dma_wait3A_184 = arith.constant 0 : i32
      %dma_wait3A_185 = arith.constant 0 : i32
      %dma_wait3A_186 = tpu.memref_slice %arg11[%dma_wait3A_184, %dma_wait3A_185] : memref<1x128xi32, #tpu.memory_space<vmem>> -> memref<1x128xi32, #tpu.memory_space<vmem>>
      %dma_wait3A_187 = tpu.memref_squeeze %dma_wait3A_186 : memref<1x128xi32, #tpu.memory_space<vmem>> -> memref<128xi32, #tpu.memory_space<vmem>>
      %dma_wait3A_188 = arith.constant 0 : i32
      %dma_wait3A_189 = arith.constant 0 : i32
      %dma_wait3A_190 = tpu.memref_slice %arg2[%dma_wait3A_188, %dma_wait3A_189] : memref<10000x128xf32, #tpu.memory_space<hbm>> -> memref<10000x128xf32, #tpu.memory_space<hbm>>
      tpu.wait_indirect_dma semaphore(%arg18 : memref<!tpu.dma_semaphore, #tpu.memory_space<semaphore_mem>>) src(%dma_wait3A_190 : memref<10000x128xf32, #tpu.memory_space<hbm>>) dst(%arg13 : memref<128x128xf32, #tpu.memory_space<vmem>>)
      %add3A_191 = arith.constant 1 : i32
      %add3A_192 = arith.addi %mul3A_161, %add3A_191 : i32
      %add3A_193 = arith.constant 2 : i32
      %add3A_194 = arith.addi %add3A_192, %add3A_193 : i32
      %lt3A_195 = arith.cmpi slt, %add3A_194, %select_n3A_8 : i32
      %convert_element_type3A_196 = arith.extui %lt3A_195 : i1 to i32
      %cond3A_197 = arith.constant 0 : i32
      %cond3A_198 = arith.cmpi ne, %convert_element_type3A_196, %cond3A_197 : i32
      scf.if %cond3A_198 {
        %add3A_209 = arith.addi %select_n3A, %mul3A_161 : i32
        %add3A_210 = arith.constant 1 : i32
        %add3A_211 = arith.addi %add3A_209, %add3A_210 : i32
        %add3A_212 = arith.constant 2 : i32
        %add3A_213 = arith.addi %add3A_211, %add3A_212 : i32
        %dma_start3A_214 = arith.constant 0 : i32
        %dma_start3A_215 = tpu.memref_slice %arg4[%add3A_213, %dma_start3A_214] : memref<2560x128xi32, #tpu.memory_space<hbm>> -> memref<1x128xi32, #tpu.memory_space<hbm>>
        %dma_start3A_216 = arith.constant 0 : i32
        %dma_start3A_217 = tpu.memref_slice %arg4[%add3A_213, %dma_start3A_216] : memref<2560x128xi32, #tpu.memory_space<hbm>> -> memref<1x128xi32, #tpu.memory_space<hbm>>
        tpu.enqueue_dma source(%dma_start3A_217 : memref<1x128xi32, #tpu.memory_space<hbm>>) target(%arg11 : memref<1x128xi32, #tpu.memory_space<vmem>>) target_semaphore(%arg16 : memref<!tpu.dma_semaphore, #tpu.memory_space<semaphore_mem>>)
      } else {
      }
      %add3A_199 = arith.constant 1 : i32
      %add3A_200 = arith.addi %mul3A_161, %add3A_199 : i32
      "tpu.region"() ({
        %run_scoped3A = tpu.sem_alloc : memref<!tpu.dma_semaphore, #tpu.memory_space<semaphore_mem>>
        %dma_start3A_209 = arith.constant 0 : i32
        %dma_start3A_210 = tpu.memref_slice %arg9[%add3A_200, %dma_start3A_209] : memref<80x128xi32, #tpu.memory_space<vmem>> -> memref<1x128xi32, #tpu.memory_space<vmem>>
        %dma_start3A_211 = tpu.memref_squeeze %dma_start3A_210 : memref<1x128xi32, #tpu.memory_space<vmem>> -> memref<128xi32, #tpu.memory_space<vmem>>
        %dma_start3A_212 = arith.constant 0 : i32
        %dma_start3A_213 = arith.constant 0 : i32
        %dma_start3A_214 = tpu.memref_slice %arg14[%dma_start3A_212, %dma_start3A_213] : memref<10112x128xf32, #tpu.memory_space<vmem_shared>> -> memref<10112x128xf32, #tpu.memory_space<vmem_shared>>
        tpu.enqueue_indirect_dma source(%arg13 : memref<128x128xf32, #tpu.memory_space<vmem>>) target(%dma_start3A_214 : memref<10112x128xf32, #tpu.memory_space<vmem_shared>>) offsets(%dma_start3A_211 : memref<128xi32, #tpu.memory_space<vmem>>) semaphore(%run_scoped3A : memref<!tpu.dma_semaphore, #tpu.memory_space<semaphore_mem>>) {add = true}
        %dma_wait3A_215 = arith.constant 0 : i32
        %dma_wait3A_216 = tpu.memref_slice %arg9[%add3A_200, %dma_wait3A_215] : memref<80x128xi32, #tpu.memory_space<vmem>> -> memref<1x128xi32, #tpu.memory_space<vmem>>
        %dma_wait3A_217 = tpu.memref_squeeze %dma_wait3A_216 : memref<1x128xi32, #tpu.memory_space<vmem>> -> memref<128xi32, #tpu.memory_space<vmem>>
        %dma_wait3A_218 = arith.constant 0 : i32
        %dma_wait3A_219 = arith.constant 0 : i32
        %dma_wait3A_220 = tpu.memref_slice %arg14[%dma_wait3A_218, %dma_wait3A_219] : memref<10112x128xf32, #tpu.memory_space<vmem_shared>> -> memref<10112x128xf32, #tpu.memory_space<vmem_shared>>
        tpu.wait_indirect_dma semaphore(%run_scoped3A : memref<!tpu.dma_semaphore, #tpu.memory_space<semaphore_mem>>) src(%arg13 : memref<128x128xf32, #tpu.memory_space<vmem>>) dst(%dma_wait3A_220 : memref<10112x128xf32, #tpu.memory_space<vmem_shared>>)
        tpu.yield
      }) : () -> ()
      %add3A_201 = arith.constant 1 : i32
      %add3A_202 = arith.addi %mul3A_161, %add3A_201 : i32
      %add3A_203 = arith.constant 2 : i32
      %add3A_204 = arith.addi %add3A_202, %add3A_203 : i32
      %lt3A_205 = arith.cmpi slt, %add3A_204, %select_n3A_8 : i32
      %convert_element_type3A_206 = arith.extui %lt3A_205 : i1 to i32
      %cond3A_207 = arith.constant 0 : i32
      %cond3A_208 = arith.cmpi ne, %convert_element_type3A_206, %cond3A_207 : i32
      scf.if %cond3A_208 {
        %add3A_209 = arith.addi %select_n3A, %mul3A_161 : i32
        %add3A_210 = arith.constant 1 : i32
        %add3A_211 = arith.addi %add3A_209, %add3A_210 : i32
        %add3A_212 = arith.constant 2 : i32
        %add3A_213 = arith.addi %add3A_211, %add3A_212 : i32
        %dma_wait3A_214 = arith.constant 0 : i32
        %dma_wait3A_215 = tpu.memref_slice %arg4[%add3A_213, %dma_wait3A_214] : memref<2560x128xi32, #tpu.memory_space<hbm>> -> memref<1x128xi32, #tpu.memory_space<hbm>>
        %dma_wait3A_216 = arith.constant 0 : i32
        %dma_wait3A_217 = tpu.memref_slice %arg4[%add3A_213, %dma_wait3A_216] : memref<2560x128xi32, #tpu.memory_space<hbm>> -> memref<1x128xi32, #tpu.memory_space<hbm>>
        tpu.wait_dma2 semaphore(%arg16 : memref<!tpu.dma_semaphore, #tpu.memory_space<semaphore_mem>>) src(%dma_wait3A_217 : memref<1x128xi32, #tpu.memory_space<hbm>>) dst(%arg11 : memref<1x128xi32, #tpu.memory_space<vmem>>)
        %dma_start3A_218 = arith.constant 0 : i32
        %dma_start3A_219 = arith.constant 0 : i32
        %dma_start3A_220 = tpu.memref_slice %arg11[%dma_start3A_218, %dma_start3A_219] : memref<1x128xi32, #tpu.memory_space<vmem>> -> memref<1x128xi32, #tpu.memory_space<vmem>>
        %dma_start3A_221 = tpu.memref_squeeze %dma_start3A_220 : memref<1x128xi32, #tpu.memory_space<vmem>> -> memref<128xi32, #tpu.memory_space<vmem>>
        %dma_start3A_222 = arith.constant 0 : i32
        %dma_start3A_223 = arith.constant 0 : i32
        %dma_start3A_224 = tpu.memref_slice %arg2[%dma_start3A_222, %dma_start3A_223] : memref<10000x128xf32, #tpu.memory_space<hbm>> -> memref<10000x128xf32, #tpu.memory_space<hbm>>
        tpu.enqueue_indirect_dma source(%dma_start3A_224 : memref<10000x128xf32, #tpu.memory_space<hbm>>) target(%arg13 : memref<128x128xf32, #tpu.memory_space<vmem>>) offsets(%dma_start3A_221 : memref<128xi32, #tpu.memory_space<vmem>>) semaphore(%arg18 : memref<!tpu.dma_semaphore, #tpu.memory_space<semaphore_mem>>)
      } else {
      }
    }
    %barrier3A_74 = arith.constant 0 : index
    tpu.barrier barrier_id(%barrier3A_74)
    %mul3A_75 = arith.constant 632 : i32
    %mul3A_76 = arith.muli %arg1, %mul3A_75 : i32
    %mul3A_77 = arith.constant 632 : i32
    %mul3A_78 = arith.muli %arg1, %mul3A_77 : i32
    "tpu.region"() ({
      %run_scoped3A = tpu.sem_alloc : memref<!tpu.dma_semaphore, #tpu.memory_space<semaphore_mem>>
      %dma_start3A_159 = arith.constant 0 : i32
      %dma_start3A_160 = tpu.memref_slice %arg7[%arg0, %mul3A_78, %dma_start3A_159] : memref<2x10112x128xf32, #tpu.memory_space<hbm>> -> memref<1x632x128xf32, #tpu.memory_space<hbm>>
      %dma_start3A_161 = tpu.memref_squeeze %dma_start3A_160 : memref<1x632x128xf32, #tpu.memory_space<hbm>> -> memref<632x128xf32, #tpu.memory_space<hbm>>
      %dma_start3A_162 = arith.constant 0 : i32
      %dma_start3A_163 = tpu.memref_slice %arg14[%mul3A_76, %dma_start3A_162] : memref<10112x128xf32, #tpu.memory_space<vmem_shared>> -> memref<632x128xf32, #tpu.memory_space<vmem_shared>>
      tpu.enqueue_dma source(%dma_start3A_163 : memref<632x128xf32, #tpu.memory_space<vmem_shared>>) target(%dma_start3A_161 : memref<632x128xf32, #tpu.memory_space<hbm>>) target_semaphore(%run_scoped3A : memref<!tpu.dma_semaphore, #tpu.memory_space<semaphore_mem>>)
      %dma_wait3A_164 = arith.constant 0 : i32
      %dma_wait3A_165 = tpu.memref_slice %arg7[%arg0, %mul3A_78, %dma_wait3A_164] : memref<2x10112x128xf32, #tpu.memory_space<hbm>> -> memref<1x632x128xf32, #tpu.memory_space<hbm>>
      %dma_wait3A_166 = tpu.memref_squeeze %dma_wait3A_165 : memref<1x632x128xf32, #tpu.memory_space<hbm>> -> memref<632x128xf32, #tpu.memory_space<hbm>>
      %dma_wait3A_167 = arith.constant 0 : i32
      %dma_wait3A_168 = tpu.memref_slice %arg14[%mul3A_76, %dma_wait3A_167] : memref<10112x128xf32, #tpu.memory_space<vmem_shared>> -> memref<632x128xf32, #tpu.memory_space<vmem_shared>>
      tpu.wait_dma2 semaphore(%run_scoped3A : memref<!tpu.dma_semaphore, #tpu.memory_space<semaphore_mem>>) src(%dma_wait3A_168 : memref<632x128xf32, #tpu.memory_space<vmem_shared>>) dst(%dma_wait3A_166 : memref<632x128xf32, #tpu.memory_space<hbm>>)
      tpu.yield
    }) : () -> ()
    %mul3A_79 = arith.constant 632 : i32
    %mul3A_80 = arith.muli %arg1, %mul3A_79 : i32
    "tpu.region"() ({
      %run_scoped3A = tpu.sem_alloc : memref<!tpu.dma_semaphore, #tpu.memory_space<semaphore_mem>>
      %dma_start3A_159 = arith.constant 0 : i32
      %dma_start3A_160 = tpu.memref_slice %arg14[%mul3A_80, %dma_start3A_159] : memref<10112x128xf32, #tpu.memory_space<vmem_shared>> -> memref<632x128xf32, #tpu.memory_space<vmem_shared>>
      tpu.enqueue_dma source(%arg6 : memref<632x128xf32, #tpu.memory_space<hbm>>) target(%dma_start3A_160 : memref<632x128xf32, #tpu.memory_space<vmem_shared>>) target_semaphore(%run_scoped3A : memref<!tpu.dma_semaphore, #tpu.memory_space<semaphore_mem>>)
      %dma_wait3A_161 = arith.constant 0 : i32
      %dma_wait3A_162 = tpu.memref_slice %arg14[%mul3A_80, %dma_wait3A_161] : memref<10112x128xf32, #tpu.memory_space<vmem_shared>> -> memref<632x128xf32, #tpu.memory_space<vmem_shared>>
      tpu.wait_dma2 semaphore(%run_scoped3A : memref<!tpu.dma_semaphore, #tpu.memory_space<semaphore_mem>>) src(%arg6 : memref<632x128xf32, #tpu.memory_space<hbm>>) dst(%dma_wait3A_162 : memref<632x128xf32, #tpu.memory_space<vmem_shared>>)
      tpu.yield
    }) : () -> ()
    %barrier3A_81 = arith.constant 0 : index
    tpu.barrier barrier_id(%barrier3A_81)
    %add3A_82 = arith.constant 0 : i32
    %add3A_83 = arith.addi %select_n3A, %add3A_82 : i32
    %dma_start3A_84 = arith.constant 0 : i32
    %dma_start3A_85 = tpu.memref_slice %arg4[%add3A_83, %dma_start3A_84] : memref<2560x128xi32, #tpu.memory_space<hbm>> -> memref<1x128xi32, #tpu.memory_space<hbm>>
    %dma_start3A_86 = arith.constant 0 : i32
    %dma_start3A_87 = tpu.memref_slice %arg4[%add3A_83, %dma_start3A_86] : memref<2560x128xi32, #tpu.memory_space<hbm>> -> memref<1x128xi32, #tpu.memory_space<hbm>>
    tpu.enqueue_dma source(%dma_start3A_87 : memref<1x128xi32, #tpu.memory_space<hbm>>) target(%arg10 : memref<1x128xi32, #tpu.memory_space<vmem>>) target_semaphore(%arg15 : memref<!tpu.dma_semaphore, #tpu.memory_space<semaphore_mem>>)
    %add3A_88 = arith.constant 1 : i32
    %add3A_89 = arith.addi %select_n3A, %add3A_88 : i32
    %dma_start3A_90 = arith.constant 0 : i32
    %dma_start3A_91 = tpu.memref_slice %arg4[%add3A_89, %dma_start3A_90] : memref<2560x128xi32, #tpu.memory_space<hbm>> -> memref<1x128xi32, #tpu.memory_space<hbm>>
    %dma_start3A_92 = arith.constant 0 : i32
    %dma_start3A_93 = tpu.memref_slice %arg4[%add3A_89, %dma_start3A_92] : memref<2560x128xi32, #tpu.memory_space<hbm>> -> memref<1x128xi32, #tpu.memory_space<hbm>>
    tpu.enqueue_dma source(%dma_start3A_93 : memref<1x128xi32, #tpu.memory_space<hbm>>) target(%arg11 : memref<1x128xi32, #tpu.memory_space<vmem>>) target_semaphore(%arg16 : memref<!tpu.dma_semaphore, #tpu.memory_space<semaphore_mem>>)
    %add3A_94 = arith.constant 0 : i32
    %add3A_95 = arith.addi %select_n3A, %add3A_94 : i32
    %dma_wait3A_96 = arith.constant 0 : i32
    %dma_wait3A_97 = tpu.memref_slice %arg4[%add3A_95, %dma_wait3A_96] : memref<2560x128xi32, #tpu.memory_space<hbm>> -> memref<1x128xi32, #tpu.memory_space<hbm>>
    %dma_wait3A_98 = arith.constant 0 : i32
    %dma_wait3A_99 = tpu.memref_slice %arg4[%add3A_95, %dma_wait3A_98] : memref<2560x128xi32, #tpu.memory_space<hbm>> -> memref<1x128xi32, #tpu.memory_space<hbm>>
    tpu.wait_dma2 semaphore(%arg15 : memref<!tpu.dma_semaphore, #tpu.memory_space<semaphore_mem>>) src(%dma_wait3A_99 : memref<1x128xi32, #tpu.memory_space<hbm>>) dst(%arg10 : memref<1x128xi32, #tpu.memory_space<vmem>>)
    %dma_start3A_100 = arith.constant 0 : i32
    %dma_start3A_101 = arith.constant 0 : i32
    %dma_start3A_102 = tpu.memref_slice %arg10[%dma_start3A_100, %dma_start3A_101] : memref<1x128xi32, #tpu.memory_space<vmem>> -> memref<1x128xi32, #tpu.memory_space<vmem>>
    %dma_start3A_103 = tpu.memref_squeeze %dma_start3A_102 : memref<1x128xi32, #tpu.memory_space<vmem>> -> memref<128xi32, #tpu.memory_space<vmem>>
    %dma_start3A_104 = arith.constant 0 : i32
    %dma_start3A_105 = arith.constant 0 : i32
    %dma_start3A_106 = tpu.memref_slice %arg3[%dma_start3A_104, %dma_start3A_105] : memref<10000x128xf32, #tpu.memory_space<hbm>> -> memref<10000x128xf32, #tpu.memory_space<hbm>>
    tpu.enqueue_indirect_dma source(%dma_start3A_106 : memref<10000x128xf32, #tpu.memory_space<hbm>>) target(%arg12 : memref<128x128xf32, #tpu.memory_space<vmem>>) offsets(%dma_start3A_103 : memref<128xi32, #tpu.memory_space<vmem>>) semaphore(%arg17 : memref<!tpu.dma_semaphore, #tpu.memory_space<semaphore_mem>>)
    %add3A_107 = arith.constant 1 : i32
    %add3A_108 = arith.addi %select_n3A, %add3A_107 : i32
    %dma_wait3A_109 = arith.constant 0 : i32
    %dma_wait3A_110 = tpu.memref_slice %arg4[%add3A_108, %dma_wait3A_109] : memref<2560x128xi32, #tpu.memory_space<hbm>> -> memref<1x128xi32, #tpu.memory_space<hbm>>
    %dma_wait3A_111 = arith.constant 0 : i32
    %dma_wait3A_112 = tpu.memref_slice %arg4[%add3A_108, %dma_wait3A_111] : memref<2560x128xi32, #tpu.memory_space<hbm>> -> memref<1x128xi32, #tpu.memory_space<hbm>>
    tpu.wait_dma2 semaphore(%arg16 : memref<!tpu.dma_semaphore, #tpu.memory_space<semaphore_mem>>) src(%dma_wait3A_112 : memref<1x128xi32, #tpu.memory_space<hbm>>) dst(%arg11 : memref<1x128xi32, #tpu.memory_space<vmem>>)
    %dma_start3A_113 = arith.constant 0 : i32
    %dma_start3A_114 = arith.constant 0 : i32
    %dma_start3A_115 = tpu.memref_slice %arg11[%dma_start3A_113, %dma_start3A_114] : memref<1x128xi32, #tpu.memory_space<vmem>> -> memref<1x128xi32, #tpu.memory_space<vmem>>
    %dma_start3A_116 = tpu.memref_squeeze %dma_start3A_115 : memref<1x128xi32, #tpu.memory_space<vmem>> -> memref<128xi32, #tpu.memory_space<vmem>>
    %dma_start3A_117 = arith.constant 0 : i32
    %dma_start3A_118 = arith.constant 0 : i32
    %dma_start3A_119 = tpu.memref_slice %arg3[%dma_start3A_117, %dma_start3A_118] : memref<10000x128xf32, #tpu.memory_space<hbm>> -> memref<10000x128xf32, #tpu.memory_space<hbm>>
    tpu.enqueue_indirect_dma source(%dma_start3A_119 : memref<10000x128xf32, #tpu.memory_space<hbm>>) target(%arg13 : memref<128x128xf32, #tpu.memory_space<vmem>>) offsets(%dma_start3A_116 : memref<128xi32, #tpu.memory_space<vmem>>) semaphore(%arg18 : memref<!tpu.dma_semaphore, #tpu.memory_space<semaphore_mem>>)
    %jit3A_120 = arith.constant 2 : i32
    %div3A_121 = arith.divsi %select_n3A_8, %jit3A_120 : i32
    %sign3A_122 = arith.constant 0 : i32
    %sign3A_123 = arith.cmpi sgt, %select_n3A_8, %sign3A_122 : i32
    %sign3A_124 = arith.extui %sign3A_123 : i1 to i32
    %sign3A_125 = arith.constant 0 : i32
    %sign3A_126 = arith.cmpi slt, %select_n3A_8, %sign3A_125 : i32
    %sign3A_127 = arith.extui %sign3A_126 : i1 to i32
    %sign3A_128 = arith.subi %sign3A_124, %sign3A_127 : i32
    %sign3A_129 = arith.constant 0 : i32
    %sign3A_130 = arith.cmpi sgt, %jit3A_120, %sign3A_129 : i32
    %sign3A_131 = arith.extui %sign3A_130 : i1 to i32
    %sign3A_132 = arith.constant 0 : i32
    %sign3A_133 = arith.cmpi slt, %jit3A_120, %sign3A_132 : i32
    %sign3A_134 = arith.extui %sign3A_133 : i1 to i32
    %sign3A_135 = arith.subi %sign3A_131, %sign3A_134 : i32
    %ne3A_136 = arith.cmpi ne, %sign3A_128, %sign3A_135 : i32
    %rem3A_137 = arith.remsi %select_n3A_8, %jit3A_120 : i32
    %ne3A_138 = arith.constant 0 : i32
    %ne3A_139 = arith.cmpi ne, %rem3A_137, %ne3A_138 : i32
    %and3A_140 = arith.andi %ne3A_136, %ne3A_139 : i1
    %sub3A_141 = arith.constant 1 : i32
    %sub3A_142 = arith.subi %div3A_121, %sub3A_141 : i32
    %select_n3A_143 = arith.select %and3A_140, %sub3A_142, %div3A_121 : i32
    %while3A_144 = arith.constant 0 : i32
    %while3A_145 = arith.constant 0 : i32
    %while3A_146 = arith.subi %select_n3A_143, %while3A_145 : i32
    %while3A_147 = arith.addi %while3A_145, %while3A_146 : i32
    %while3A_148 = arith.constant 1 : i32
    %while3A_149 = arith.divsi %while3A_146, %while3A_148 : i32
    %while3A_150 = arith.muli %while3A_149, %while3A_148 : i32
    %while3A_151 = arith.addi %while3A_145, %while3A_150 : i32
    %while3A_152 = arith.constant 1 : i32
    scf.for %while3A_159 = %while3A_145 to %while3A_151 step %while3A_152  : i32 {
      %mul3A_160 = arith.constant 2 : i32
      %mul3A_161 = arith.muli %mul3A_160, %while3A_159 : i32
      %dma_wait3A_162 = arith.constant 0 : i32
      %dma_wait3A_163 = arith.constant 0 : i32
      %dma_wait3A_164 = tpu.memref_slice %arg10[%dma_wait3A_162, %dma_wait3A_163] : memref<1x128xi32, #tpu.memory_space<vmem>> -> memref<1x128xi32, #tpu.memory_space<vmem>>
      %dma_wait3A_165 = tpu.memref_squeeze %dma_wait3A_164 : memref<1x128xi32, #tpu.memory_space<vmem>> -> memref<128xi32, #tpu.memory_space<vmem>>
      %dma_wait3A_166 = arith.constant 0 : i32
      %dma_wait3A_167 = arith.constant 0 : i32
      %dma_wait3A_168 = tpu.memref_slice %arg3[%dma_wait3A_166, %dma_wait3A_167] : memref<10000x128xf32, #tpu.memory_space<hbm>> -> memref<10000x128xf32, #tpu.memory_space<hbm>>
      tpu.wait_indirect_dma semaphore(%arg17 : memref<!tpu.dma_semaphore, #tpu.memory_space<semaphore_mem>>) src(%dma_wait3A_168 : memref<10000x128xf32, #tpu.memory_space<hbm>>) dst(%arg12 : memref<128x128xf32, #tpu.memory_space<vmem>>)
      %add3A_169 = arith.constant 0 : i32
      %add3A_170 = arith.addi %mul3A_161, %add3A_169 : i32
      %add3A_171 = arith.constant 2 : i32
      %add3A_172 = arith.addi %add3A_170, %add3A_171 : i32
      %lt3A = arith.cmpi slt, %add3A_172, %select_n3A_8 : i32
      %convert_element_type3A = arith.extui %lt3A : i1 to i32
      %cond3A = arith.constant 0 : i32
      %cond3A_173 = arith.cmpi ne, %convert_element_type3A, %cond3A : i32
      scf.if %cond3A_173 {
        %add3A_209 = arith.addi %select_n3A, %mul3A_161 : i32
        %add3A_210 = arith.constant 0 : i32
        %add3A_211 = arith.addi %add3A_209, %add3A_210 : i32
        %add3A_212 = arith.constant 2 : i32
        %add3A_213 = arith.addi %add3A_211, %add3A_212 : i32
        %dma_start3A_214 = arith.constant 0 : i32
        %dma_start3A_215 = tpu.memref_slice %arg4[%add3A_213, %dma_start3A_214] : memref<2560x128xi32, #tpu.memory_space<hbm>> -> memref<1x128xi32, #tpu.memory_space<hbm>>
        %dma_start3A_216 = arith.constant 0 : i32
        %dma_start3A_217 = tpu.memref_slice %arg4[%add3A_213, %dma_start3A_216] : memref<2560x128xi32, #tpu.memory_space<hbm>> -> memref<1x128xi32, #tpu.memory_space<hbm>>
        tpu.enqueue_dma source(%dma_start3A_217 : memref<1x128xi32, #tpu.memory_space<hbm>>) target(%arg10 : memref<1x128xi32, #tpu.memory_space<vmem>>) target_semaphore(%arg15 : memref<!tpu.dma_semaphore, #tpu.memory_space<semaphore_mem>>)
      } else {
      }
      %add3A_174 = arith.constant 0 : i32
      %add3A_175 = arith.addi %mul3A_161, %add3A_174 : i32
      "tpu.region"() ({
        %run_scoped3A = tpu.sem_alloc : memref<!tpu.dma_semaphore, #tpu.memory_space<semaphore_mem>>
        %dma_start3A_209 = arith.constant 0 : i32
        %dma_start3A_210 = tpu.memref_slice %arg9[%add3A_175, %dma_start3A_209] : memref<80x128xi32, #tpu.memory_space<vmem>> -> memref<1x128xi32, #tpu.memory_space<vmem>>
        %dma_start3A_211 = tpu.memref_squeeze %dma_start3A_210 : memref<1x128xi32, #tpu.memory_space<vmem>> -> memref<128xi32, #tpu.memory_space<vmem>>
        %dma_start3A_212 = arith.constant 0 : i32
        %dma_start3A_213 = arith.constant 0 : i32
        %dma_start3A_214 = tpu.memref_slice %arg14[%dma_start3A_212, %dma_start3A_213] : memref<10112x128xf32, #tpu.memory_space<vmem_shared>> -> memref<10112x128xf32, #tpu.memory_space<vmem_shared>>
        tpu.enqueue_indirect_dma source(%arg12 : memref<128x128xf32, #tpu.memory_space<vmem>>) target(%dma_start3A_214 : memref<10112x128xf32, #tpu.memory_space<vmem_shared>>) offsets(%dma_start3A_211 : memref<128xi32, #tpu.memory_space<vmem>>) semaphore(%run_scoped3A : memref<!tpu.dma_semaphore, #tpu.memory_space<semaphore_mem>>) {add = true}
        %dma_wait3A_215 = arith.constant 0 : i32
        %dma_wait3A_216 = tpu.memref_slice %arg9[%add3A_175, %dma_wait3A_215] : memref<80x128xi32, #tpu.memory_space<vmem>> -> memref<1x128xi32, #tpu.memory_space<vmem>>
        %dma_wait3A_217 = tpu.memref_squeeze %dma_wait3A_216 : memref<1x128xi32, #tpu.memory_space<vmem>> -> memref<128xi32, #tpu.memory_space<vmem>>
        %dma_wait3A_218 = arith.constant 0 : i32
        %dma_wait3A_219 = arith.constant 0 : i32
        %dma_wait3A_220 = tpu.memref_slice %arg14[%dma_wait3A_218, %dma_wait3A_219] : memref<10112x128xf32, #tpu.memory_space<vmem_shared>> -> memref<10112x128xf32, #tpu.memory_space<vmem_shared>>
        tpu.wait_indirect_dma semaphore(%run_scoped3A : memref<!tpu.dma_semaphore, #tpu.memory_space<semaphore_mem>>) src(%arg12 : memref<128x128xf32, #tpu.memory_space<vmem>>) dst(%dma_wait3A_220 : memref<10112x128xf32, #tpu.memory_space<vmem_shared>>)
        tpu.yield
      }) : () -> ()
      %add3A_176 = arith.constant 0 : i32
      %add3A_177 = arith.addi %mul3A_161, %add3A_176 : i32
      %add3A_178 = arith.constant 2 : i32
      %add3A_179 = arith.addi %add3A_177, %add3A_178 : i32
      %lt3A_180 = arith.cmpi slt, %add3A_179, %select_n3A_8 : i32
      %convert_element_type3A_181 = arith.extui %lt3A_180 : i1 to i32
      %cond3A_182 = arith.constant 0 : i32
      %cond3A_183 = arith.cmpi ne, %convert_element_type3A_181, %cond3A_182 : i32
      scf.if %cond3A_183 {
        %add3A_209 = arith.addi %select_n3A, %mul3A_161 : i32
        %add3A_210 = arith.constant 0 : i32
        %add3A_211 = arith.addi %add3A_209, %add3A_210 : i32
        %add3A_212 = arith.constant 2 : i32
        %add3A_213 = arith.addi %add3A_211, %add3A_212 : i32
        %dma_wait3A_214 = arith.constant 0 : i32
        %dma_wait3A_215 = tpu.memref_slice %arg4[%add3A_213, %dma_wait3A_214] : memref<2560x128xi32, #tpu.memory_space<hbm>> -> memref<1x128xi32, #tpu.memory_space<hbm>>
        %dma_wait3A_216 = arith.constant 0 : i32
        %dma_wait3A_217 = tpu.memref_slice %arg4[%add3A_213, %dma_wait3A_216] : memref<2560x128xi32, #tpu.memory_space<hbm>> -> memref<1x128xi32, #tpu.memory_space<hbm>>
        tpu.wait_dma2 semaphore(%arg15 : memref<!tpu.dma_semaphore, #tpu.memory_space<semaphore_mem>>) src(%dma_wait3A_217 : memref<1x128xi32, #tpu.memory_space<hbm>>) dst(%arg10 : memref<1x128xi32, #tpu.memory_space<vmem>>)
        %dma_start3A_218 = arith.constant 0 : i32
        %dma_start3A_219 = arith.constant 0 : i32
        %dma_start3A_220 = tpu.memref_slice %arg10[%dma_start3A_218, %dma_start3A_219] : memref<1x128xi32, #tpu.memory_space<vmem>> -> memref<1x128xi32, #tpu.memory_space<vmem>>
        %dma_start3A_221 = tpu.memref_squeeze %dma_start3A_220 : memref<1x128xi32, #tpu.memory_space<vmem>> -> memref<128xi32, #tpu.memory_space<vmem>>
        %dma_start3A_222 = arith.constant 0 : i32
        %dma_start3A_223 = arith.constant 0 : i32
        %dma_start3A_224 = tpu.memref_slice %arg3[%dma_start3A_222, %dma_start3A_223] : memref<10000x128xf32, #tpu.memory_space<hbm>> -> memref<10000x128xf32, #tpu.memory_space<hbm>>
        tpu.enqueue_indirect_dma source(%dma_start3A_224 : memref<10000x128xf32, #tpu.memory_space<hbm>>) target(%arg12 : memref<128x128xf32, #tpu.memory_space<vmem>>) offsets(%dma_start3A_221 : memref<128xi32, #tpu.memory_space<vmem>>) semaphore(%arg17 : memref<!tpu.dma_semaphore, #tpu.memory_space<semaphore_mem>>)
      } else {
      }
      %dma_wait3A_184 = arith.constant 0 : i32
      %dma_wait3A_185 = arith.constant 0 : i32
      %dma_wait3A_186 = tpu.memref_slice %arg11[%dma_wait3A_184, %dma_wait3A_185] : memref<1x128xi32, #tpu.memory_space<vmem>> -> memref<1x128xi32, #tpu.memory_space<vmem>>
      %dma_wait3A_187 = tpu.memref_squeeze %dma_wait3A_186 : memref<1x128xi32, #tpu.memory_space<vmem>> -> memref<128xi32, #tpu.memory_space<vmem>>
      %dma_wait3A_188 = arith.constant 0 : i32
      %dma_wait3A_189 = arith.constant 0 : i32
      %dma_wait3A_190 = tpu.memref_slice %arg3[%dma_wait3A_188, %dma_wait3A_189] : memref<10000x128xf32, #tpu.memory_space<hbm>> -> memref<10000x128xf32, #tpu.memory_space<hbm>>
      tpu.wait_indirect_dma semaphore(%arg18 : memref<!tpu.dma_semaphore, #tpu.memory_space<semaphore_mem>>) src(%dma_wait3A_190 : memref<10000x128xf32, #tpu.memory_space<hbm>>) dst(%arg13 : memref<128x128xf32, #tpu.memory_space<vmem>>)
      %add3A_191 = arith.constant 1 : i32
      %add3A_192 = arith.addi %mul3A_161, %add3A_191 : i32
      %add3A_193 = arith.constant 2 : i32
      %add3A_194 = arith.addi %add3A_192, %add3A_193 : i32
      %lt3A_195 = arith.cmpi slt, %add3A_194, %select_n3A_8 : i32
      %convert_element_type3A_196 = arith.extui %lt3A_195 : i1 to i32
      %cond3A_197 = arith.constant 0 : i32
      %cond3A_198 = arith.cmpi ne, %convert_element_type3A_196, %cond3A_197 : i32
      scf.if %cond3A_198 {
        %add3A_209 = arith.addi %select_n3A, %mul3A_161 : i32
        %add3A_210 = arith.constant 1 : i32
        %add3A_211 = arith.addi %add3A_209, %add3A_210 : i32
        %add3A_212 = arith.constant 2 : i32
        %add3A_213 = arith.addi %add3A_211, %add3A_212 : i32
        %dma_start3A_214 = arith.constant 0 : i32
        %dma_start3A_215 = tpu.memref_slice %arg4[%add3A_213, %dma_start3A_214] : memref<2560x128xi32, #tpu.memory_space<hbm>> -> memref<1x128xi32, #tpu.memory_space<hbm>>
        %dma_start3A_216 = arith.constant 0 : i32
        %dma_start3A_217 = tpu.memref_slice %arg4[%add3A_213, %dma_start3A_216] : memref<2560x128xi32, #tpu.memory_space<hbm>> -> memref<1x128xi32, #tpu.memory_space<hbm>>
        tpu.enqueue_dma source(%dma_start3A_217 : memref<1x128xi32, #tpu.memory_space<hbm>>) target(%arg11 : memref<1x128xi32, #tpu.memory_space<vmem>>) target_semaphore(%arg16 : memref<!tpu.dma_semaphore, #tpu.memory_space<semaphore_mem>>)
      } else {
      }
      %add3A_199 = arith.constant 1 : i32
      %add3A_200 = arith.addi %mul3A_161, %add3A_199 : i32
      "tpu.region"() ({
        %run_scoped3A = tpu.sem_alloc : memref<!tpu.dma_semaphore, #tpu.memory_space<semaphore_mem>>
        %dma_start3A_209 = arith.constant 0 : i32
        %dma_start3A_210 = tpu.memref_slice %arg9[%add3A_200, %dma_start3A_209] : memref<80x128xi32, #tpu.memory_space<vmem>> -> memref<1x128xi32, #tpu.memory_space<vmem>>
        %dma_start3A_211 = tpu.memref_squeeze %dma_start3A_210 : memref<1x128xi32, #tpu.memory_space<vmem>> -> memref<128xi32, #tpu.memory_space<vmem>>
        %dma_start3A_212 = arith.constant 0 : i32
        %dma_start3A_213 = arith.constant 0 : i32
        %dma_start3A_214 = tpu.memref_slice %arg14[%dma_start3A_212, %dma_start3A_213] : memref<10112x128xf32, #tpu.memory_space<vmem_shared>> -> memref<10112x128xf32, #tpu.memory_space<vmem_shared>>
        tpu.enqueue_indirect_dma source(%arg13 : memref<128x128xf32, #tpu.memory_space<vmem>>) target(%dma_start3A_214 : memref<10112x128xf32, #tpu.memory_space<vmem_shared>>) offsets(%dma_start3A_211 : memref<128xi32, #tpu.memory_space<vmem>>) semaphore(%run_scoped3A : memref<!tpu.dma_semaphore, #tpu.memory_space<semaphore_mem>>) {add = true}
        %dma_wait3A_215 = arith.constant 0 : i32
        %dma_wait3A_216 = tpu.memref_slice %arg9[%add3A_200, %dma_wait3A_215] : memref<80x128xi32, #tpu.memory_space<vmem>> -> memref<1x128xi32, #tpu.memory_space<vmem>>
        %dma_wait3A_217 = tpu.memref_squeeze %dma_wait3A_216 : memref<1x128xi32, #tpu.memory_space<vmem>> -> memref<128xi32, #tpu.memory_space<vmem>>
        %dma_wait3A_218 = arith.constant 0 : i32
        %dma_wait3A_219 = arith.constant 0 : i32
        %dma_wait3A_220 = tpu.memref_slice %arg14[%dma_wait3A_218, %dma_wait3A_219] : memref<10112x128xf32, #tpu.memory_space<vmem_shared>> -> memref<10112x128xf32, #tpu.memory_space<vmem_shared>>
        tpu.wait_indirect_dma semaphore(%run_scoped3A : memref<!tpu.dma_semaphore, #tpu.memory_space<semaphore_mem>>) src(%arg13 : memref<128x128xf32, #tpu.memory_space<vmem>>) dst(%dma_wait3A_220 : memref<10112x128xf32, #tpu.memory_space<vmem_shared>>)
        tpu.yield
      }) : () -> ()
      %add3A_201 = arith.constant 1 : i32
      %add3A_202 = arith.addi %mul3A_161, %add3A_201 : i32
      %add3A_203 = arith.constant 2 : i32
      %add3A_204 = arith.addi %add3A_202, %add3A_203 : i32
      %lt3A_205 = arith.cmpi slt, %add3A_204, %select_n3A_8 : i32
      %convert_element_type3A_206 = arith.extui %lt3A_205 : i1 to i32
      %cond3A_207 = arith.constant 0 : i32
      %cond3A_208 = arith.cmpi ne, %convert_element_type3A_206, %cond3A_207 : i32
      scf.if %cond3A_208 {
        %add3A_209 = arith.addi %select_n3A, %mul3A_161 : i32
        %add3A_210 = arith.constant 1 : i32
        %add3A_211 = arith.addi %add3A_209, %add3A_210 : i32
        %add3A_212 = arith.constant 2 : i32
        %add3A_213 = arith.addi %add3A_211, %add3A_212 : i32
        %dma_wait3A_214 = arith.constant 0 : i32
        %dma_wait3A_215 = tpu.memref_slice %arg4[%add3A_213, %dma_wait3A_214] : memref<2560x128xi32, #tpu.memory_space<hbm>> -> memref<1x128xi32, #tpu.memory_space<hbm>>
        %dma_wait3A_216 = arith.constant 0 : i32
        %dma_wait3A_217 = tpu.memref_slice %arg4[%add3A_213, %dma_wait3A_216] : memref<2560x128xi32, #tpu.memory_space<hbm>> -> memref<1x128xi32, #tpu.memory_space<hbm>>
        tpu.wait_dma2 semaphore(%arg16 : memref<!tpu.dma_semaphore, #tpu.memory_space<semaphore_mem>>) src(%dma_wait3A_217 : memref<1x128xi32, #tpu.memory_space<hbm>>) dst(%arg11 : memref<1x128xi32, #tpu.memory_space<vmem>>)
        %dma_start3A_218 = arith.constant 0 : i32
        %dma_start3A_219 = arith.constant 0 : i32
        %dma_start3A_220 = tpu.memref_slice %arg11[%dma_start3A_218, %dma_start3A_219] : memref<1x128xi32, #tpu.memory_space<vmem>> -> memref<1x128xi32, #tpu.memory_space<vmem>>
        %dma_start3A_221 = tpu.memref_squeeze %dma_start3A_220 : memref<1x128xi32, #tpu.memory_space<vmem>> -> memref<128xi32, #tpu.memory_space<vmem>>
        %dma_start3A_222 = arith.constant 0 : i32
        %dma_start3A_223 = arith.constant 0 : i32
        %dma_start3A_224 = tpu.memref_slice %arg3[%dma_start3A_222, %dma_start3A_223] : memref<10000x128xf32, #tpu.memory_space<hbm>> -> memref<10000x128xf32, #tpu.memory_space<hbm>>
        tpu.enqueue_indirect_dma source(%dma_start3A_224 : memref<10000x128xf32, #tpu.memory_space<hbm>>) target(%arg13 : memref<128x128xf32, #tpu.memory_space<vmem>>) offsets(%dma_start3A_221 : memref<128xi32, #tpu.memory_space<vmem>>) semaphore(%arg18 : memref<!tpu.dma_semaphore, #tpu.memory_space<semaphore_mem>>)
      } else {
      }
    }
    %while3A_153 = arith.constant 1 : i32
    scf.for %while3A_159 = %while3A_151 to %while3A_147 step %while3A_153  : i32 {
      %mul3A_160 = arith.constant 2 : i32
      %mul3A_161 = arith.muli %mul3A_160, %while3A_159 : i32
      %dma_wait3A_162 = arith.constant 0 : i32
      %dma_wait3A_163 = arith.constant 0 : i32
      %dma_wait3A_164 = tpu.memref_slice %arg10[%dma_wait3A_162, %dma_wait3A_163] : memref<1x128xi32, #tpu.memory_space<vmem>> -> memref<1x128xi32, #tpu.memory_space<vmem>>
      %dma_wait3A_165 = tpu.memref_squeeze %dma_wait3A_164 : memref<1x128xi32, #tpu.memory_space<vmem>> -> memref<128xi32, #tpu.memory_space<vmem>>
      %dma_wait3A_166 = arith.constant 0 : i32
      %dma_wait3A_167 = arith.constant 0 : i32
      %dma_wait3A_168 = tpu.memref_slice %arg3[%dma_wait3A_166, %dma_wait3A_167] : memref<10000x128xf32, #tpu.memory_space<hbm>> -> memref<10000x128xf32, #tpu.memory_space<hbm>>
      tpu.wait_indirect_dma semaphore(%arg17 : memref<!tpu.dma_semaphore, #tpu.memory_space<semaphore_mem>>) src(%dma_wait3A_168 : memref<10000x128xf32, #tpu.memory_space<hbm>>) dst(%arg12 : memref<128x128xf32, #tpu.memory_space<vmem>>)
      %add3A_169 = arith.constant 0 : i32
      %add3A_170 = arith.addi %mul3A_161, %add3A_169 : i32
      %add3A_171 = arith.constant 2 : i32
      %add3A_172 = arith.addi %add3A_170, %add3A_171 : i32
      %lt3A = arith.cmpi slt, %add3A_172, %select_n3A_8 : i32
      %convert_element_type3A = arith.extui %lt3A : i1 to i32
      %cond3A = arith.constant 0 : i32
      %cond3A_173 = arith.cmpi ne, %convert_element_type3A, %cond3A : i32
      scf.if %cond3A_173 {
        %add3A_209 = arith.addi %select_n3A, %mul3A_161 : i32
        %add3A_210 = arith.constant 0 : i32
        %add3A_211 = arith.addi %add3A_209, %add3A_210 : i32
        %add3A_212 = arith.constant 2 : i32
        %add3A_213 = arith.addi %add3A_211, %add3A_212 : i32
        %dma_start3A_214 = arith.constant 0 : i32
        %dma_start3A_215 = tpu.memref_slice %arg4[%add3A_213, %dma_start3A_214] : memref<2560x128xi32, #tpu.memory_space<hbm>> -> memref<1x128xi32, #tpu.memory_space<hbm>>
        %dma_start3A_216 = arith.constant 0 : i32
        %dma_start3A_217 = tpu.memref_slice %arg4[%add3A_213, %dma_start3A_216] : memref<2560x128xi32, #tpu.memory_space<hbm>> -> memref<1x128xi32, #tpu.memory_space<hbm>>
        tpu.enqueue_dma source(%dma_start3A_217 : memref<1x128xi32, #tpu.memory_space<hbm>>) target(%arg10 : memref<1x128xi32, #tpu.memory_space<vmem>>) target_semaphore(%arg15 : memref<!tpu.dma_semaphore, #tpu.memory_space<semaphore_mem>>)
      } else {
      }
      %add3A_174 = arith.constant 0 : i32
      %add3A_175 = arith.addi %mul3A_161, %add3A_174 : i32
      "tpu.region"() ({
        %run_scoped3A = tpu.sem_alloc : memref<!tpu.dma_semaphore, #tpu.memory_space<semaphore_mem>>
        %dma_start3A_209 = arith.constant 0 : i32
        %dma_start3A_210 = tpu.memref_slice %arg9[%add3A_175, %dma_start3A_209] : memref<80x128xi32, #tpu.memory_space<vmem>> -> memref<1x128xi32, #tpu.memory_space<vmem>>
        %dma_start3A_211 = tpu.memref_squeeze %dma_start3A_210 : memref<1x128xi32, #tpu.memory_space<vmem>> -> memref<128xi32, #tpu.memory_space<vmem>>
        %dma_start3A_212 = arith.constant 0 : i32
        %dma_start3A_213 = arith.constant 0 : i32
        %dma_start3A_214 = tpu.memref_slice %arg14[%dma_start3A_212, %dma_start3A_213] : memref<10112x128xf32, #tpu.memory_space<vmem_shared>> -> memref<10112x128xf32, #tpu.memory_space<vmem_shared>>
        tpu.enqueue_indirect_dma source(%arg12 : memref<128x128xf32, #tpu.memory_space<vmem>>) target(%dma_start3A_214 : memref<10112x128xf32, #tpu.memory_space<vmem_shared>>) offsets(%dma_start3A_211 : memref<128xi32, #tpu.memory_space<vmem>>) semaphore(%run_scoped3A : memref<!tpu.dma_semaphore, #tpu.memory_space<semaphore_mem>>) {add = true}
        %dma_wait3A_215 = arith.constant 0 : i32
        %dma_wait3A_216 = tpu.memref_slice %arg9[%add3A_175, %dma_wait3A_215] : memref<80x128xi32, #tpu.memory_space<vmem>> -> memref<1x128xi32, #tpu.memory_space<vmem>>
        %dma_wait3A_217 = tpu.memref_squeeze %dma_wait3A_216 : memref<1x128xi32, #tpu.memory_space<vmem>> -> memref<128xi32, #tpu.memory_space<vmem>>
        %dma_wait3A_218 = arith.constant 0 : i32
        %dma_wait3A_219 = arith.constant 0 : i32
        %dma_wait3A_220 = tpu.memref_slice %arg14[%dma_wait3A_218, %dma_wait3A_219] : memref<10112x128xf32, #tpu.memory_space<vmem_shared>> -> memref<10112x128xf32, #tpu.memory_space<vmem_shared>>
        tpu.wait_indirect_dma semaphore(%run_scoped3A : memref<!tpu.dma_semaphore, #tpu.memory_space<semaphore_mem>>) src(%arg12 : memref<128x128xf32, #tpu.memory_space<vmem>>) dst(%dma_wait3A_220 : memref<10112x128xf32, #tpu.memory_space<vmem_shared>>)
        tpu.yield
      }) : () -> ()
      %add3A_176 = arith.constant 0 : i32
      %add3A_177 = arith.addi %mul3A_161, %add3A_176 : i32
      %add3A_178 = arith.constant 2 : i32
      %add3A_179 = arith.addi %add3A_177, %add3A_178 : i32
      %lt3A_180 = arith.cmpi slt, %add3A_179, %select_n3A_8 : i32
      %convert_element_type3A_181 = arith.extui %lt3A_180 : i1 to i32
      %cond3A_182 = arith.constant 0 : i32
      %cond3A_183 = arith.cmpi ne, %convert_element_type3A_181, %cond3A_182 : i32
      scf.if %cond3A_183 {
        %add3A_209 = arith.addi %select_n3A, %mul3A_161 : i32
        %add3A_210 = arith.constant 0 : i32
        %add3A_211 = arith.addi %add3A_209, %add3A_210 : i32
        %add3A_212 = arith.constant 2 : i32
        %add3A_213 = arith.addi %add3A_211, %add3A_212 : i32
        %dma_wait3A_214 = arith.constant 0 : i32
        %dma_wait3A_215 = tpu.memref_slice %arg4[%add3A_213, %dma_wait3A_214] : memref<2560x128xi32, #tpu.memory_space<hbm>> -> memref<1x128xi32, #tpu.memory_space<hbm>>
        %dma_wait3A_216 = arith.constant 0 : i32
        %dma_wait3A_217 = tpu.memref_slice %arg4[%add3A_213, %dma_wait3A_216] : memref<2560x128xi32, #tpu.memory_space<hbm>> -> memref<1x128xi32, #tpu.memory_space<hbm>>
        tpu.wait_dma2 semaphore(%arg15 : memref<!tpu.dma_semaphore, #tpu.memory_space<semaphore_mem>>) src(%dma_wait3A_217 : memref<1x128xi32, #tpu.memory_space<hbm>>) dst(%arg10 : memref<1x128xi32, #tpu.memory_space<vmem>>)
        %dma_start3A_218 = arith.constant 0 : i32
        %dma_start3A_219 = arith.constant 0 : i32
        %dma_start3A_220 = tpu.memref_slice %arg10[%dma_start3A_218, %dma_start3A_219] : memref<1x128xi32, #tpu.memory_space<vmem>> -> memref<1x128xi32, #tpu.memory_space<vmem>>
        %dma_start3A_221 = tpu.memref_squeeze %dma_start3A_220 : memref<1x128xi32, #tpu.memory_space<vmem>> -> memref<128xi32, #tpu.memory_space<vmem>>
        %dma_start3A_222 = arith.constant 0 : i32
        %dma_start3A_223 = arith.constant 0 : i32
        %dma_start3A_224 = tpu.memref_slice %arg3[%dma_start3A_222, %dma_start3A_223] : memref<10000x128xf32, #tpu.memory_space<hbm>> -> memref<10000x128xf32, #tpu.memory_space<hbm>>
        tpu.enqueue_indirect_dma source(%dma_start3A_224 : memref<10000x128xf32, #tpu.memory_space<hbm>>) target(%arg12 : memref<128x128xf32, #tpu.memory_space<vmem>>) offsets(%dma_start3A_221 : memref<128xi32, #tpu.memory_space<vmem>>) semaphore(%arg17 : memref<!tpu.dma_semaphore, #tpu.memory_space<semaphore_mem>>)
      } else {
      }
      %dma_wait3A_184 = arith.constant 0 : i32
      %dma_wait3A_185 = arith.constant 0 : i32
      %dma_wait3A_186 = tpu.memref_slice %arg11[%dma_wait3A_184, %dma_wait3A_185] : memref<1x128xi32, #tpu.memory_space<vmem>> -> memref<1x128xi32, #tpu.memory_space<vmem>>
      %dma_wait3A_187 = tpu.memref_squeeze %dma_wait3A_186 : memref<1x128xi32, #tpu.memory_space<vmem>> -> memref<128xi32, #tpu.memory_space<vmem>>
      %dma_wait3A_188 = arith.constant 0 : i32
      %dma_wait3A_189 = arith.constant 0 : i32
      %dma_wait3A_190 = tpu.memref_slice %arg3[%dma_wait3A_188, %dma_wait3A_189] : memref<10000x128xf32, #tpu.memory_space<hbm>> -> memref<10000x128xf32, #tpu.memory_space<hbm>>
      tpu.wait_indirect_dma semaphore(%arg18 : memref<!tpu.dma_semaphore, #tpu.memory_space<semaphore_mem>>) src(%dma_wait3A_190 : memref<10000x128xf32, #tpu.memory_space<hbm>>) dst(%arg13 : memref<128x128xf32, #tpu.memory_space<vmem>>)
      %add3A_191 = arith.constant 1 : i32
      %add3A_192 = arith.addi %mul3A_161, %add3A_191 : i32
      %add3A_193 = arith.constant 2 : i32
      %add3A_194 = arith.addi %add3A_192, %add3A_193 : i32
      %lt3A_195 = arith.cmpi slt, %add3A_194, %select_n3A_8 : i32
      %convert_element_type3A_196 = arith.extui %lt3A_195 : i1 to i32
      %cond3A_197 = arith.constant 0 : i32
      %cond3A_198 = arith.cmpi ne, %convert_element_type3A_196, %cond3A_197 : i32
      scf.if %cond3A_198 {
        %add3A_209 = arith.addi %select_n3A, %mul3A_161 : i32
        %add3A_210 = arith.constant 1 : i32
        %add3A_211 = arith.addi %add3A_209, %add3A_210 : i32
        %add3A_212 = arith.constant 2 : i32
        %add3A_213 = arith.addi %add3A_211, %add3A_212 : i32
        %dma_start3A_214 = arith.constant 0 : i32
        %dma_start3A_215 = tpu.memref_slice %arg4[%add3A_213, %dma_start3A_214] : memref<2560x128xi32, #tpu.memory_space<hbm>> -> memref<1x128xi32, #tpu.memory_space<hbm>>
        %dma_start3A_216 = arith.constant 0 : i32
        %dma_start3A_217 = tpu.memref_slice %arg4[%add3A_213, %dma_start3A_216] : memref<2560x128xi32, #tpu.memory_space<hbm>> -> memref<1x128xi32, #tpu.memory_space<hbm>>
        tpu.enqueue_dma source(%dma_start3A_217 : memref<1x128xi32, #tpu.memory_space<hbm>>) target(%arg11 : memref<1x128xi32, #tpu.memory_space<vmem>>) target_semaphore(%arg16 : memref<!tpu.dma_semaphore, #tpu.memory_space<semaphore_mem>>)
      } else {
      }
      %add3A_199 = arith.constant 1 : i32
      %add3A_200 = arith.addi %mul3A_161, %add3A_199 : i32
      "tpu.region"() ({
        %run_scoped3A = tpu.sem_alloc : memref<!tpu.dma_semaphore, #tpu.memory_space<semaphore_mem>>
        %dma_start3A_209 = arith.constant 0 : i32
        %dma_start3A_210 = tpu.memref_slice %arg9[%add3A_200, %dma_start3A_209] : memref<80x128xi32, #tpu.memory_space<vmem>> -> memref<1x128xi32, #tpu.memory_space<vmem>>
        %dma_start3A_211 = tpu.memref_squeeze %dma_start3A_210 : memref<1x128xi32, #tpu.memory_space<vmem>> -> memref<128xi32, #tpu.memory_space<vmem>>
        %dma_start3A_212 = arith.constant 0 : i32
        %dma_start3A_213 = arith.constant 0 : i32
        %dma_start3A_214 = tpu.memref_slice %arg14[%dma_start3A_212, %dma_start3A_213] : memref<10112x128xf32, #tpu.memory_space<vmem_shared>> -> memref<10112x128xf32, #tpu.memory_space<vmem_shared>>
        tpu.enqueue_indirect_dma source(%arg13 : memref<128x128xf32, #tpu.memory_space<vmem>>) target(%dma_start3A_214 : memref<10112x128xf32, #tpu.memory_space<vmem_shared>>) offsets(%dma_start3A_211 : memref<128xi32, #tpu.memory_space<vmem>>) semaphore(%run_scoped3A : memref<!tpu.dma_semaphore, #tpu.memory_space<semaphore_mem>>) {add = true}
        %dma_wait3A_215 = arith.constant 0 : i32
        %dma_wait3A_216 = tpu.memref_slice %arg9[%add3A_200, %dma_wait3A_215] : memref<80x128xi32, #tpu.memory_space<vmem>> -> memref<1x128xi32, #tpu.memory_space<vmem>>
        %dma_wait3A_217 = tpu.memref_squeeze %dma_wait3A_216 : memref<1x128xi32, #tpu.memory_space<vmem>> -> memref<128xi32, #tpu.memory_space<vmem>>
        %dma_wait3A_218 = arith.constant 0 : i32
        %dma_wait3A_219 = arith.constant 0 : i32
        %dma_wait3A_220 = tpu.memref_slice %arg14[%dma_wait3A_218, %dma_wait3A_219] : memref<10112x128xf32, #tpu.memory_space<vmem_shared>> -> memref<10112x128xf32, #tpu.memory_space<vmem_shared>>
        tpu.wait_indirect_dma semaphore(%run_scoped3A : memref<!tpu.dma_semaphore, #tpu.memory_space<semaphore_mem>>) src(%arg13 : memref<128x128xf32, #tpu.memory_space<vmem>>) dst(%dma_wait3A_220 : memref<10112x128xf32, #tpu.memory_space<vmem_shared>>)
        tpu.yield
      }) : () -> ()
      %add3A_201 = arith.constant 1 : i32
      %add3A_202 = arith.addi %mul3A_161, %add3A_201 : i32
      %add3A_203 = arith.constant 2 : i32
      %add3A_204 = arith.addi %add3A_202, %add3A_203 : i32
      %lt3A_205 = arith.cmpi slt, %add3A_204, %select_n3A_8 : i32
      %convert_element_type3A_206 = arith.extui %lt3A_205 : i1 to i32
      %cond3A_207 = arith.constant 0 : i32
      %cond3A_208 = arith.cmpi ne, %convert_element_type3A_206, %cond3A_207 : i32
      scf.if %cond3A_208 {
        %add3A_209 = arith.addi %select_n3A, %mul3A_161 : i32
        %add3A_210 = arith.constant 1 : i32
        %add3A_211 = arith.addi %add3A_209, %add3A_210 : i32
        %add3A_212 = arith.constant 2 : i32
        %add3A_213 = arith.addi %add3A_211, %add3A_212 : i32
        %dma_wait3A_214 = arith.constant 0 : i32
        %dma_wait3A_215 = tpu.memref_slice %arg4[%add3A_213, %dma_wait3A_214] : memref<2560x128xi32, #tpu.memory_space<hbm>> -> memref<1x128xi32, #tpu.memory_space<hbm>>
        %dma_wait3A_216 = arith.constant 0 : i32
        %dma_wait3A_217 = tpu.memref_slice %arg4[%add3A_213, %dma_wait3A_216] : memref<2560x128xi32, #tpu.memory_space<hbm>> -> memref<1x128xi32, #tpu.memory_space<hbm>>
        tpu.wait_dma2 semaphore(%arg16 : memref<!tpu.dma_semaphore, #tpu.memory_space<semaphore_mem>>) src(%dma_wait3A_217 : memref<1x128xi32, #tpu.memory_space<hbm>>) dst(%arg11 : memref<1x128xi32, #tpu.memory_space<vmem>>)
        %dma_start3A_218 = arith.constant 0 : i32
        %dma_start3A_219 = arith.constant 0 : i32
        %dma_start3A_220 = tpu.memref_slice %arg11[%dma_start3A_218, %dma_start3A_219] : memref<1x128xi32, #tpu.memory_space<vmem>> -> memref<1x128xi32, #tpu.memory_space<vmem>>
        %dma_start3A_221 = tpu.memref_squeeze %dma_start3A_220 : memref<1x128xi32, #tpu.memory_space<vmem>> -> memref<128xi32, #tpu.memory_space<vmem>>
        %dma_start3A_222 = arith.constant 0 : i32
        %dma_start3A_223 = arith.constant 0 : i32
        %dma_start3A_224 = tpu.memref_slice %arg3[%dma_start3A_222, %dma_start3A_223] : memref<10000x128xf32, #tpu.memory_space<hbm>> -> memref<10000x128xf32, #tpu.memory_space<hbm>>
        tpu.enqueue_indirect_dma source(%dma_start3A_224 : memref<10000x128xf32, #tpu.memory_space<hbm>>) target(%arg13 : memref<128x128xf32, #tpu.memory_space<vmem>>) offsets(%dma_start3A_221 : memref<128xi32, #tpu.memory_space<vmem>>) semaphore(%arg18 : memref<!tpu.dma_semaphore, #tpu.memory_space<semaphore_mem>>)
      } else {
      }
    }
    %barrier3A_154 = arith.constant 0 : index
    tpu.barrier barrier_id(%barrier3A_154)
    %mul3A_155 = arith.constant 632 : i32
    %mul3A_156 = arith.muli %arg1, %mul3A_155 : i32
    %mul3A_157 = arith.constant 632 : i32
    %mul3A_158 = arith.muli %arg1, %mul3A_157 : i32
    "tpu.region"() ({
      %run_scoped3A = tpu.sem_alloc : memref<!tpu.dma_semaphore, #tpu.memory_space<semaphore_mem>>
      %dma_start3A_159 = arith.constant 0 : i32
      %dma_start3A_160 = tpu.memref_slice %arg8[%arg0, %mul3A_158, %dma_start3A_159] : memref<2x10112x128xf32, #tpu.memory_space<hbm>> -> memref<1x632x128xf32, #tpu.memory_space<hbm>>
      %dma_start3A_161 = tpu.memref_squeeze %dma_start3A_160 : memref<1x632x128xf32, #tpu.memory_space<hbm>> -> memref<632x128xf32, #tpu.memory_space<hbm>>
      %dma_start3A_162 = arith.constant 0 : i32
      %dma_start3A_163 = tpu.memref_slice %arg14[%mul3A_156, %dma_start3A_162] : memref<10112x128xf32, #tpu.memory_space<vmem_shared>> -> memref<632x128xf32, #tpu.memory_space<vmem_shared>>
      tpu.enqueue_dma source(%dma_start3A_163 : memref<632x128xf32, #tpu.memory_space<vmem_shared>>) target(%dma_start3A_161 : memref<632x128xf32, #tpu.memory_space<hbm>>) target_semaphore(%run_scoped3A : memref<!tpu.dma_semaphore, #tpu.memory_space<semaphore_mem>>)
      %dma_wait3A_164 = arith.constant 0 : i32
      %dma_wait3A_165 = tpu.memref_slice %arg8[%arg0, %mul3A_158, %dma_wait3A_164] : memref<2x10112x128xf32, #tpu.memory_space<hbm>> -> memref<1x632x128xf32, #tpu.memory_space<hbm>>
      %dma_wait3A_166 = tpu.memref_squeeze %dma_wait3A_165 : memref<1x632x128xf32, #tpu.memory_space<hbm>> -> memref<632x128xf32, #tpu.memory_space<hbm>>
      %dma_wait3A_167 = arith.constant 0 : i32
      %dma_wait3A_168 = tpu.memref_slice %arg14[%mul3A_156, %dma_wait3A_167] : memref<10112x128xf32, #tpu.memory_space<vmem_shared>> -> memref<632x128xf32, #tpu.memory_space<vmem_shared>>
      tpu.wait_dma2 semaphore(%run_scoped3A : memref<!tpu.dma_semaphore, #tpu.memory_space<semaphore_mem>>) src(%dma_wait3A_168 : memref<632x128xf32, #tpu.memory_space<vmem_shared>>) dst(%dma_wait3A_166 : memref<632x128xf32, #tpu.memory_space<hbm>>)
      tpu.yield
    }) : () -> ()
    return
  }
}

#map = affine_map<(d0, d1) -> (0, 0)>
#map1 = affine_map<(d0, d1) -> (0, 0, 0)>
module attributes {stable_mosaic.version = 14 : i64} {
  func.func @_agg_body(%arg0: i32, %arg1: i32, %arg2: memref<10000x128xf32, #tpu.memory_space<hbm>>, %arg3: memref<2560x128xi32, #tpu.memory_space<hbm>>, %arg4: memref<2560x128xi32, #tpu.memory_space<hbm>>, %arg5: memref<632x128xf32, #tpu.memory_space<hbm>>, %arg6: memref<2x10112x128xf32, #tpu.memory_space<hbm>>, %arg7: memref<80x128xi32, #tpu.memory_space<vmem>>, %arg8: memref<1x128xi32, #tpu.memory_space<vmem>>, %arg9: memref<1x128xi32, #tpu.memory_space<vmem>>, %arg10: memref<128x128xf32, #tpu.memory_space<vmem>>, %arg11: memref<128x128xf32, #tpu.memory_space<vmem>>, %arg12: memref<10112x128xf32, #tpu.memory_space<vmem_shared>>, %arg13: memref<!tpu.dma_semaphore, #tpu.memory_space<semaphore_mem>>, %arg14: memref<!tpu.dma_semaphore, #tpu.memory_space<semaphore_mem>>, %arg15: memref<!tpu.dma_semaphore, #tpu.memory_space<semaphore_mem>>, %arg16: memref<!tpu.dma_semaphore, #tpu.memory_space<semaphore_mem>>) attributes {dimension_semantics = [#tpu.dimension_semantics<core_parallel>, #tpu.dimension_semantics<subcore_parallel>], iteration_bounds = array<i64: 2, 16>, scalar_prefetch = 0 : i64, scratch_operands = 10 : i64, tpu.core_type = #tpu.core_type<sc_vector_subcore>, window_params = [{transform_indices = #map}, {transform_indices = #map}, {transform_indices = #map}, {transform_indices = #map}, {transform_indices = #map1}]} {
    %eq3A = arith.constant 1 : i32
    %eq3A_0 = arith.cmpi eq, %arg0, %eq3A : i32
    %mul3A = arith.constant 80 : i32
    %mul3A_1 = arith.muli %arg1, %mul3A : i32
    %mul3A_2 = arith.constant 80 : i32
    %mul3A_3 = arith.muli %arg1, %mul3A_2 : i32
    %add3A = arith.constant 1280 : i32
    %add3A_4 = arith.addi %add3A, %mul3A_3 : i32
    %select_n3A = arith.select %eq3A_0, %mul3A_1, %add3A_4 : i32
    %eq3A_5 = arith.constant 1 : i32
    %eq3A_6 = arith.cmpi eq, %arg0, %eq3A_5 : i32
    %jit3A = arith.constant 80 : i32
    %jit3A_7 = arith.constant 80 : i32
    %select_n3A_8 = arith.select %eq3A_6, %jit3A, %jit3A_7 : i32
    %mul3A_9 = arith.constant 632 : i32
    %mul3A_10 = arith.muli %arg1, %mul3A_9 : i32
    "tpu.region"() ({
      %run_scoped3A = tpu.sem_alloc : memref<!tpu.dma_semaphore, #tpu.memory_space<semaphore_mem>>
      %dma_start3A_79 = arith.constant 0 : i32
      %dma_start3A_80 = tpu.memref_slice %arg12[%mul3A_10, %dma_start3A_79] : memref<10112x128xf32, #tpu.memory_space<vmem_shared>> -> memref<632x128xf32, #tpu.memory_space<vmem_shared>>
      tpu.enqueue_dma source(%arg5 : memref<632x128xf32, #tpu.memory_space<hbm>>) target(%dma_start3A_80 : memref<632x128xf32, #tpu.memory_space<vmem_shared>>) target_semaphore(%run_scoped3A : memref<!tpu.dma_semaphore, #tpu.memory_space<semaphore_mem>>)
      %dma_wait3A_81 = arith.constant 0 : i32
      %dma_wait3A_82 = tpu.memref_slice %arg12[%mul3A_10, %dma_wait3A_81] : memref<10112x128xf32, #tpu.memory_space<vmem_shared>> -> memref<632x128xf32, #tpu.memory_space<vmem_shared>>
      tpu.wait_dma2 semaphore(%run_scoped3A : memref<!tpu.dma_semaphore, #tpu.memory_space<semaphore_mem>>) src(%arg5 : memref<632x128xf32, #tpu.memory_space<hbm>>) dst(%dma_wait3A_82 : memref<632x128xf32, #tpu.memory_space<vmem_shared>>)
      tpu.yield
    }) : () -> ()
    "tpu.region"() ({
      %run_scoped3A = tpu.sem_alloc : memref<!tpu.dma_semaphore, #tpu.memory_space<semaphore_mem>>
      %dma_start3A_79 = arith.constant 0 : i32
      %dma_start3A_80 = tpu.memref_slice %arg4[%select_n3A, %dma_start3A_79] : memref<2560x128xi32, #tpu.memory_space<hbm>> -> memref<80x128xi32, #tpu.memory_space<hbm>>
      %dma_start3A_81 = arith.constant 0 : i32
      %dma_start3A_82 = tpu.memref_slice %arg4[%select_n3A, %dma_start3A_81] : memref<2560x128xi32, #tpu.memory_space<hbm>> -> memref<80x128xi32, #tpu.memory_space<hbm>>
      tpu.enqueue_dma source(%dma_start3A_82 : memref<80x128xi32, #tpu.memory_space<hbm>>) target(%arg7 : memref<80x128xi32, #tpu.memory_space<vmem>>) target_semaphore(%run_scoped3A : memref<!tpu.dma_semaphore, #tpu.memory_space<semaphore_mem>>)
      %dma_wait3A_83 = arith.constant 0 : i32
      %dma_wait3A_84 = tpu.memref_slice %arg4[%select_n3A, %dma_wait3A_83] : memref<2560x128xi32, #tpu.memory_space<hbm>> -> memref<80x128xi32, #tpu.memory_space<hbm>>
      %dma_wait3A_85 = arith.constant 0 : i32
      %dma_wait3A_86 = tpu.memref_slice %arg4[%select_n3A, %dma_wait3A_85] : memref<2560x128xi32, #tpu.memory_space<hbm>> -> memref<80x128xi32, #tpu.memory_space<hbm>>
      tpu.wait_dma2 semaphore(%run_scoped3A : memref<!tpu.dma_semaphore, #tpu.memory_space<semaphore_mem>>) src(%dma_wait3A_86 : memref<80x128xi32, #tpu.memory_space<hbm>>) dst(%arg7 : memref<80x128xi32, #tpu.memory_space<vmem>>)
      tpu.yield
    }) : () -> ()
    %barrier3A = arith.constant 0 : index
    tpu.barrier barrier_id(%barrier3A)
    %add3A_11 = arith.constant 0 : i32
    %add3A_12 = arith.addi %select_n3A, %add3A_11 : i32
    %dma_start3A = arith.constant 0 : i32
    %dma_start3A_13 = tpu.memref_slice %arg3[%add3A_12, %dma_start3A] : memref<2560x128xi32, #tpu.memory_space<hbm>> -> memref<1x128xi32, #tpu.memory_space<hbm>>
    %dma_start3A_14 = arith.constant 0 : i32
    %dma_start3A_15 = tpu.memref_slice %arg3[%add3A_12, %dma_start3A_14] : memref<2560x128xi32, #tpu.memory_space<hbm>> -> memref<1x128xi32, #tpu.memory_space<hbm>>
    tpu.enqueue_dma source(%dma_start3A_15 : memref<1x128xi32, #tpu.memory_space<hbm>>) target(%arg8 : memref<1x128xi32, #tpu.memory_space<vmem>>) target_semaphore(%arg13 : memref<!tpu.dma_semaphore, #tpu.memory_space<semaphore_mem>>)
    %add3A_16 = arith.constant 1 : i32
    %add3A_17 = arith.addi %select_n3A, %add3A_16 : i32
    %dma_start3A_18 = arith.constant 0 : i32
    %dma_start3A_19 = tpu.memref_slice %arg3[%add3A_17, %dma_start3A_18] : memref<2560x128xi32, #tpu.memory_space<hbm>> -> memref<1x128xi32, #tpu.memory_space<hbm>>
    %dma_start3A_20 = arith.constant 0 : i32
    %dma_start3A_21 = tpu.memref_slice %arg3[%add3A_17, %dma_start3A_20] : memref<2560x128xi32, #tpu.memory_space<hbm>> -> memref<1x128xi32, #tpu.memory_space<hbm>>
    tpu.enqueue_dma source(%dma_start3A_21 : memref<1x128xi32, #tpu.memory_space<hbm>>) target(%arg9 : memref<1x128xi32, #tpu.memory_space<vmem>>) target_semaphore(%arg14 : memref<!tpu.dma_semaphore, #tpu.memory_space<semaphore_mem>>)
    %add3A_22 = arith.constant 0 : i32
    %add3A_23 = arith.addi %select_n3A, %add3A_22 : i32
    %dma_wait3A = arith.constant 0 : i32
    %dma_wait3A_24 = tpu.memref_slice %arg3[%add3A_23, %dma_wait3A] : memref<2560x128xi32, #tpu.memory_space<hbm>> -> memref<1x128xi32, #tpu.memory_space<hbm>>
    %dma_wait3A_25 = arith.constant 0 : i32
    %dma_wait3A_26 = tpu.memref_slice %arg3[%add3A_23, %dma_wait3A_25] : memref<2560x128xi32, #tpu.memory_space<hbm>> -> memref<1x128xi32, #tpu.memory_space<hbm>>
    tpu.wait_dma2 semaphore(%arg13 : memref<!tpu.dma_semaphore, #tpu.memory_space<semaphore_mem>>) src(%dma_wait3A_26 : memref<1x128xi32, #tpu.memory_space<hbm>>) dst(%arg8 : memref<1x128xi32, #tpu.memory_space<vmem>>)
    %dma_start3A_27 = arith.constant 0 : i32
    %dma_start3A_28 = arith.constant 0 : i32
    %dma_start3A_29 = tpu.memref_slice %arg8[%dma_start3A_27, %dma_start3A_28] : memref<1x128xi32, #tpu.memory_space<vmem>> -> memref<1x128xi32, #tpu.memory_space<vmem>>
    %dma_start3A_30 = tpu.memref_squeeze %dma_start3A_29 : memref<1x128xi32, #tpu.memory_space<vmem>> -> memref<128xi32, #tpu.memory_space<vmem>>
    %dma_start3A_31 = arith.constant 0 : i32
    %dma_start3A_32 = arith.constant 0 : i32
    %dma_start3A_33 = tpu.memref_slice %arg2[%dma_start3A_31, %dma_start3A_32] : memref<10000x128xf32, #tpu.memory_space<hbm>> -> memref<10000x128xf32, #tpu.memory_space<hbm>>
    tpu.enqueue_indirect_dma source(%dma_start3A_33 : memref<10000x128xf32, #tpu.memory_space<hbm>>) target(%arg10 : memref<128x128xf32, #tpu.memory_space<vmem>>) offsets(%dma_start3A_30 : memref<128xi32, #tpu.memory_space<vmem>>) semaphore(%arg15 : memref<!tpu.dma_semaphore, #tpu.memory_space<semaphore_mem>>)
    %add3A_34 = arith.constant 1 : i32
    %add3A_35 = arith.addi %select_n3A, %add3A_34 : i32
    %dma_wait3A_36 = arith.constant 0 : i32
    %dma_wait3A_37 = tpu.memref_slice %arg3[%add3A_35, %dma_wait3A_36] : memref<2560x128xi32, #tpu.memory_space<hbm>> -> memref<1x128xi32, #tpu.memory_space<hbm>>
    %dma_wait3A_38 = arith.constant 0 : i32
    %dma_wait3A_39 = tpu.memref_slice %arg3[%add3A_35, %dma_wait3A_38] : memref<2560x128xi32, #tpu.memory_space<hbm>> -> memref<1x128xi32, #tpu.memory_space<hbm>>
    tpu.wait_dma2 semaphore(%arg14 : memref<!tpu.dma_semaphore, #tpu.memory_space<semaphore_mem>>) src(%dma_wait3A_39 : memref<1x128xi32, #tpu.memory_space<hbm>>) dst(%arg9 : memref<1x128xi32, #tpu.memory_space<vmem>>)
    %dma_start3A_40 = arith.constant 0 : i32
    %dma_start3A_41 = arith.constant 0 : i32
    %dma_start3A_42 = tpu.memref_slice %arg9[%dma_start3A_40, %dma_start3A_41] : memref<1x128xi32, #tpu.memory_space<vmem>> -> memref<1x128xi32, #tpu.memory_space<vmem>>
    %dma_start3A_43 = tpu.memref_squeeze %dma_start3A_42 : memref<1x128xi32, #tpu.memory_space<vmem>> -> memref<128xi32, #tpu.memory_space<vmem>>
    %dma_start3A_44 = arith.constant 0 : i32
    %dma_start3A_45 = arith.constant 0 : i32
    %dma_start3A_46 = tpu.memref_slice %arg2[%dma_start3A_44, %dma_start3A_45] : memref<10000x128xf32, #tpu.memory_space<hbm>> -> memref<10000x128xf32, #tpu.memory_space<hbm>>
    tpu.enqueue_indirect_dma source(%dma_start3A_46 : memref<10000x128xf32, #tpu.memory_space<hbm>>) target(%arg11 : memref<128x128xf32, #tpu.memory_space<vmem>>) offsets(%dma_start3A_43 : memref<128xi32, #tpu.memory_space<vmem>>) semaphore(%arg16 : memref<!tpu.dma_semaphore, #tpu.memory_space<semaphore_mem>>)
    %jit3A_47 = arith.constant 2 : i32
    %div3A = arith.divsi %select_n3A_8, %jit3A_47 : i32
    %sign3A = arith.constant 0 : i32
    %sign3A_48 = arith.cmpi sgt, %select_n3A_8, %sign3A : i32
    %sign3A_49 = arith.extui %sign3A_48 : i1 to i32
    %sign3A_50 = arith.constant 0 : i32
    %sign3A_51 = arith.cmpi slt, %select_n3A_8, %sign3A_50 : i32
    %sign3A_52 = arith.extui %sign3A_51 : i1 to i32
    %sign3A_53 = arith.subi %sign3A_49, %sign3A_52 : i32
    %sign3A_54 = arith.constant 0 : i32
    %sign3A_55 = arith.cmpi sgt, %jit3A_47, %sign3A_54 : i32
    %sign3A_56 = arith.extui %sign3A_55 : i1 to i32
    %sign3A_57 = arith.constant 0 : i32
    %sign3A_58 = arith.cmpi slt, %jit3A_47, %sign3A_57 : i32
    %sign3A_59 = arith.extui %sign3A_58 : i1 to i32
    %sign3A_60 = arith.subi %sign3A_56, %sign3A_59 : i32
    %ne3A = arith.cmpi ne, %sign3A_53, %sign3A_60 : i32
    %rem3A = arith.remsi %select_n3A_8, %jit3A_47 : i32
    %ne3A_61 = arith.constant 0 : i32
    %ne3A_62 = arith.cmpi ne, %rem3A, %ne3A_61 : i32
    %and3A = arith.andi %ne3A, %ne3A_62 : i1
    %sub3A = arith.constant 1 : i32
    %sub3A_63 = arith.subi %div3A, %sub3A : i32
    %select_n3A_64 = arith.select %and3A, %sub3A_63, %div3A : i32
    %while3A = arith.constant 0 : i32
    %while3A_65 = arith.constant 0 : i32
    %while3A_66 = arith.subi %select_n3A_64, %while3A_65 : i32
    %while3A_67 = arith.addi %while3A_65, %while3A_66 : i32
    %while3A_68 = arith.constant 1 : i32
    %while3A_69 = arith.divsi %while3A_66, %while3A_68 : i32
    %while3A_70 = arith.muli %while3A_69, %while3A_68 : i32
    %while3A_71 = arith.addi %while3A_65, %while3A_70 : i32
    %while3A_72 = arith.constant 1 : i32
    scf.for %while3A_79 = %while3A_65 to %while3A_71 step %while3A_72  : i32 {
      %mul3A_80 = arith.constant 2 : i32
      %mul3A_81 = arith.muli %mul3A_80, %while3A_79 : i32
      %dma_wait3A_82 = arith.constant 0 : i32
      %dma_wait3A_83 = arith.constant 0 : i32
      %dma_wait3A_84 = tpu.memref_slice %arg8[%dma_wait3A_82, %dma_wait3A_83] : memref<1x128xi32, #tpu.memory_space<vmem>> -> memref<1x128xi32, #tpu.memory_space<vmem>>
      %dma_wait3A_85 = tpu.memref_squeeze %dma_wait3A_84 : memref<1x128xi32, #tpu.memory_space<vmem>> -> memref<128xi32, #tpu.memory_space<vmem>>
      %dma_wait3A_86 = arith.constant 0 : i32
      %dma_wait3A_87 = arith.constant 0 : i32
      %dma_wait3A_88 = tpu.memref_slice %arg2[%dma_wait3A_86, %dma_wait3A_87] : memref<10000x128xf32, #tpu.memory_space<hbm>> -> memref<10000x128xf32, #tpu.memory_space<hbm>>
      tpu.wait_indirect_dma semaphore(%arg15 : memref<!tpu.dma_semaphore, #tpu.memory_space<semaphore_mem>>) src(%dma_wait3A_88 : memref<10000x128xf32, #tpu.memory_space<hbm>>) dst(%arg10 : memref<128x128xf32, #tpu.memory_space<vmem>>)
      %add3A_89 = arith.constant 0 : i32
      %add3A_90 = arith.addi %mul3A_81, %add3A_89 : i32
      %add3A_91 = arith.constant 2 : i32
      %add3A_92 = arith.addi %add3A_90, %add3A_91 : i32
      %lt3A = arith.cmpi slt, %add3A_92, %select_n3A_8 : i32
      %convert_element_type3A = arith.extui %lt3A : i1 to i32
      %cond3A = arith.constant 0 : i32
      %cond3A_93 = arith.cmpi ne, %convert_element_type3A, %cond3A : i32
      scf.if %cond3A_93 {
        %add3A_129 = arith.addi %select_n3A, %mul3A_81 : i32
        %add3A_130 = arith.constant 0 : i32
        %add3A_131 = arith.addi %add3A_129, %add3A_130 : i32
        %add3A_132 = arith.constant 2 : i32
        %add3A_133 = arith.addi %add3A_131, %add3A_132 : i32
        %dma_start3A_134 = arith.constant 0 : i32
        %dma_start3A_135 = tpu.memref_slice %arg3[%add3A_133, %dma_start3A_134] : memref<2560x128xi32, #tpu.memory_space<hbm>> -> memref<1x128xi32, #tpu.memory_space<hbm>>
        %dma_start3A_136 = arith.constant 0 : i32
        %dma_start3A_137 = tpu.memref_slice %arg3[%add3A_133, %dma_start3A_136] : memref<2560x128xi32, #tpu.memory_space<hbm>> -> memref<1x128xi32, #tpu.memory_space<hbm>>
        tpu.enqueue_dma source(%dma_start3A_137 : memref<1x128xi32, #tpu.memory_space<hbm>>) target(%arg8 : memref<1x128xi32, #tpu.memory_space<vmem>>) target_semaphore(%arg13 : memref<!tpu.dma_semaphore, #tpu.memory_space<semaphore_mem>>)
      } else {
      }
      %add3A_94 = arith.constant 0 : i32
      %add3A_95 = arith.addi %mul3A_81, %add3A_94 : i32
      "tpu.region"() ({
        %run_scoped3A = tpu.sem_alloc : memref<!tpu.dma_semaphore, #tpu.memory_space<semaphore_mem>>
        %dma_start3A_129 = arith.constant 0 : i32
        %dma_start3A_130 = tpu.memref_slice %arg7[%add3A_95, %dma_start3A_129] : memref<80x128xi32, #tpu.memory_space<vmem>> -> memref<1x128xi32, #tpu.memory_space<vmem>>
        %dma_start3A_131 = tpu.memref_squeeze %dma_start3A_130 : memref<1x128xi32, #tpu.memory_space<vmem>> -> memref<128xi32, #tpu.memory_space<vmem>>
        %dma_start3A_132 = arith.constant 0 : i32
        %dma_start3A_133 = arith.constant 0 : i32
        %dma_start3A_134 = tpu.memref_slice %arg12[%dma_start3A_132, %dma_start3A_133] : memref<10112x128xf32, #tpu.memory_space<vmem_shared>> -> memref<10112x128xf32, #tpu.memory_space<vmem_shared>>
        tpu.enqueue_indirect_dma source(%arg10 : memref<128x128xf32, #tpu.memory_space<vmem>>) target(%dma_start3A_134 : memref<10112x128xf32, #tpu.memory_space<vmem_shared>>) offsets(%dma_start3A_131 : memref<128xi32, #tpu.memory_space<vmem>>) semaphore(%run_scoped3A : memref<!tpu.dma_semaphore, #tpu.memory_space<semaphore_mem>>) {add = true}
        %dma_wait3A_135 = arith.constant 0 : i32
        %dma_wait3A_136 = tpu.memref_slice %arg7[%add3A_95, %dma_wait3A_135] : memref<80x128xi32, #tpu.memory_space<vmem>> -> memref<1x128xi32, #tpu.memory_space<vmem>>
        %dma_wait3A_137 = tpu.memref_squeeze %dma_wait3A_136 : memref<1x128xi32, #tpu.memory_space<vmem>> -> memref<128xi32, #tpu.memory_space<vmem>>
        %dma_wait3A_138 = arith.constant 0 : i32
        %dma_wait3A_139 = arith.constant 0 : i32
        %dma_wait3A_140 = tpu.memref_slice %arg12[%dma_wait3A_138, %dma_wait3A_139] : memref<10112x128xf32, #tpu.memory_space<vmem_shared>> -> memref<10112x128xf32, #tpu.memory_space<vmem_shared>>
        tpu.wait_indirect_dma semaphore(%run_scoped3A : memref<!tpu.dma_semaphore, #tpu.memory_space<semaphore_mem>>) src(%arg10 : memref<128x128xf32, #tpu.memory_space<vmem>>) dst(%dma_wait3A_140 : memref<10112x128xf32, #tpu.memory_space<vmem_shared>>)
        tpu.yield
      }) : () -> ()
      %add3A_96 = arith.constant 0 : i32
      %add3A_97 = arith.addi %mul3A_81, %add3A_96 : i32
      %add3A_98 = arith.constant 2 : i32
      %add3A_99 = arith.addi %add3A_97, %add3A_98 : i32
      %lt3A_100 = arith.cmpi slt, %add3A_99, %select_n3A_8 : i32
      %convert_element_type3A_101 = arith.extui %lt3A_100 : i1 to i32
      %cond3A_102 = arith.constant 0 : i32
      %cond3A_103 = arith.cmpi ne, %convert_element_type3A_101, %cond3A_102 : i32
      scf.if %cond3A_103 {
        %add3A_129 = arith.addi %select_n3A, %mul3A_81 : i32
        %add3A_130 = arith.constant 0 : i32
        %add3A_131 = arith.addi %add3A_129, %add3A_130 : i32
        %add3A_132 = arith.constant 2 : i32
        %add3A_133 = arith.addi %add3A_131, %add3A_132 : i32
        %dma_wait3A_134 = arith.constant 0 : i32
        %dma_wait3A_135 = tpu.memref_slice %arg3[%add3A_133, %dma_wait3A_134] : memref<2560x128xi32, #tpu.memory_space<hbm>> -> memref<1x128xi32, #tpu.memory_space<hbm>>
        %dma_wait3A_136 = arith.constant 0 : i32
        %dma_wait3A_137 = tpu.memref_slice %arg3[%add3A_133, %dma_wait3A_136] : memref<2560x128xi32, #tpu.memory_space<hbm>> -> memref<1x128xi32, #tpu.memory_space<hbm>>
        tpu.wait_dma2 semaphore(%arg13 : memref<!tpu.dma_semaphore, #tpu.memory_space<semaphore_mem>>) src(%dma_wait3A_137 : memref<1x128xi32, #tpu.memory_space<hbm>>) dst(%arg8 : memref<1x128xi32, #tpu.memory_space<vmem>>)
        %dma_start3A_138 = arith.constant 0 : i32
        %dma_start3A_139 = arith.constant 0 : i32
        %dma_start3A_140 = tpu.memref_slice %arg8[%dma_start3A_138, %dma_start3A_139] : memref<1x128xi32, #tpu.memory_space<vmem>> -> memref<1x128xi32, #tpu.memory_space<vmem>>
        %dma_start3A_141 = tpu.memref_squeeze %dma_start3A_140 : memref<1x128xi32, #tpu.memory_space<vmem>> -> memref<128xi32, #tpu.memory_space<vmem>>
        %dma_start3A_142 = arith.constant 0 : i32
        %dma_start3A_143 = arith.constant 0 : i32
        %dma_start3A_144 = tpu.memref_slice %arg2[%dma_start3A_142, %dma_start3A_143] : memref<10000x128xf32, #tpu.memory_space<hbm>> -> memref<10000x128xf32, #tpu.memory_space<hbm>>
        tpu.enqueue_indirect_dma source(%dma_start3A_144 : memref<10000x128xf32, #tpu.memory_space<hbm>>) target(%arg10 : memref<128x128xf32, #tpu.memory_space<vmem>>) offsets(%dma_start3A_141 : memref<128xi32, #tpu.memory_space<vmem>>) semaphore(%arg15 : memref<!tpu.dma_semaphore, #tpu.memory_space<semaphore_mem>>)
      } else {
      }
      %dma_wait3A_104 = arith.constant 0 : i32
      %dma_wait3A_105 = arith.constant 0 : i32
      %dma_wait3A_106 = tpu.memref_slice %arg9[%dma_wait3A_104, %dma_wait3A_105] : memref<1x128xi32, #tpu.memory_space<vmem>> -> memref<1x128xi32, #tpu.memory_space<vmem>>
      %dma_wait3A_107 = tpu.memref_squeeze %dma_wait3A_106 : memref<1x128xi32, #tpu.memory_space<vmem>> -> memref<128xi32, #tpu.memory_space<vmem>>
      %dma_wait3A_108 = arith.constant 0 : i32
      %dma_wait3A_109 = arith.constant 0 : i32
      %dma_wait3A_110 = tpu.memref_slice %arg2[%dma_wait3A_108, %dma_wait3A_109] : memref<10000x128xf32, #tpu.memory_space<hbm>> -> memref<10000x128xf32, #tpu.memory_space<hbm>>
      tpu.wait_indirect_dma semaphore(%arg16 : memref<!tpu.dma_semaphore, #tpu.memory_space<semaphore_mem>>) src(%dma_wait3A_110 : memref<10000x128xf32, #tpu.memory_space<hbm>>) dst(%arg11 : memref<128x128xf32, #tpu.memory_space<vmem>>)
      %add3A_111 = arith.constant 1 : i32
      %add3A_112 = arith.addi %mul3A_81, %add3A_111 : i32
      %add3A_113 = arith.constant 2 : i32
      %add3A_114 = arith.addi %add3A_112, %add3A_113 : i32
      %lt3A_115 = arith.cmpi slt, %add3A_114, %select_n3A_8 : i32
      %convert_element_type3A_116 = arith.extui %lt3A_115 : i1 to i32
      %cond3A_117 = arith.constant 0 : i32
      %cond3A_118 = arith.cmpi ne, %convert_element_type3A_116, %cond3A_117 : i32
      scf.if %cond3A_118 {
        %add3A_129 = arith.addi %select_n3A, %mul3A_81 : i32
        %add3A_130 = arith.constant 1 : i32
        %add3A_131 = arith.addi %add3A_129, %add3A_130 : i32
        %add3A_132 = arith.constant 2 : i32
        %add3A_133 = arith.addi %add3A_131, %add3A_132 : i32
        %dma_start3A_134 = arith.constant 0 : i32
        %dma_start3A_135 = tpu.memref_slice %arg3[%add3A_133, %dma_start3A_134] : memref<2560x128xi32, #tpu.memory_space<hbm>> -> memref<1x128xi32, #tpu.memory_space<hbm>>
        %dma_start3A_136 = arith.constant 0 : i32
        %dma_start3A_137 = tpu.memref_slice %arg3[%add3A_133, %dma_start3A_136] : memref<2560x128xi32, #tpu.memory_space<hbm>> -> memref<1x128xi32, #tpu.memory_space<hbm>>
        tpu.enqueue_dma source(%dma_start3A_137 : memref<1x128xi32, #tpu.memory_space<hbm>>) target(%arg9 : memref<1x128xi32, #tpu.memory_space<vmem>>) target_semaphore(%arg14 : memref<!tpu.dma_semaphore, #tpu.memory_space<semaphore_mem>>)
      } else {
      }
      %add3A_119 = arith.constant 1 : i32
      %add3A_120 = arith.addi %mul3A_81, %add3A_119 : i32
      "tpu.region"() ({
        %run_scoped3A = tpu.sem_alloc : memref<!tpu.dma_semaphore, #tpu.memory_space<semaphore_mem>>
        %dma_start3A_129 = arith.constant 0 : i32
        %dma_start3A_130 = tpu.memref_slice %arg7[%add3A_120, %dma_start3A_129] : memref<80x128xi32, #tpu.memory_space<vmem>> -> memref<1x128xi32, #tpu.memory_space<vmem>>
        %dma_start3A_131 = tpu.memref_squeeze %dma_start3A_130 : memref<1x128xi32, #tpu.memory_space<vmem>> -> memref<128xi32, #tpu.memory_space<vmem>>
        %dma_start3A_132 = arith.constant 0 : i32
        %dma_start3A_133 = arith.constant 0 : i32
        %dma_start3A_134 = tpu.memref_slice %arg12[%dma_start3A_132, %dma_start3A_133] : memref<10112x128xf32, #tpu.memory_space<vmem_shared>> -> memref<10112x128xf32, #tpu.memory_space<vmem_shared>>
        tpu.enqueue_indirect_dma source(%arg11 : memref<128x128xf32, #tpu.memory_space<vmem>>) target(%dma_start3A_134 : memref<10112x128xf32, #tpu.memory_space<vmem_shared>>) offsets(%dma_start3A_131 : memref<128xi32, #tpu.memory_space<vmem>>) semaphore(%run_scoped3A : memref<!tpu.dma_semaphore, #tpu.memory_space<semaphore_mem>>) {add = true}
        %dma_wait3A_135 = arith.constant 0 : i32
        %dma_wait3A_136 = tpu.memref_slice %arg7[%add3A_120, %dma_wait3A_135] : memref<80x128xi32, #tpu.memory_space<vmem>> -> memref<1x128xi32, #tpu.memory_space<vmem>>
        %dma_wait3A_137 = tpu.memref_squeeze %dma_wait3A_136 : memref<1x128xi32, #tpu.memory_space<vmem>> -> memref<128xi32, #tpu.memory_space<vmem>>
        %dma_wait3A_138 = arith.constant 0 : i32
        %dma_wait3A_139 = arith.constant 0 : i32
        %dma_wait3A_140 = tpu.memref_slice %arg12[%dma_wait3A_138, %dma_wait3A_139] : memref<10112x128xf32, #tpu.memory_space<vmem_shared>> -> memref<10112x128xf32, #tpu.memory_space<vmem_shared>>
        tpu.wait_indirect_dma semaphore(%run_scoped3A : memref<!tpu.dma_semaphore, #tpu.memory_space<semaphore_mem>>) src(%arg11 : memref<128x128xf32, #tpu.memory_space<vmem>>) dst(%dma_wait3A_140 : memref<10112x128xf32, #tpu.memory_space<vmem_shared>>)
        tpu.yield
      }) : () -> ()
      %add3A_121 = arith.constant 1 : i32
      %add3A_122 = arith.addi %mul3A_81, %add3A_121 : i32
      %add3A_123 = arith.constant 2 : i32
      %add3A_124 = arith.addi %add3A_122, %add3A_123 : i32
      %lt3A_125 = arith.cmpi slt, %add3A_124, %select_n3A_8 : i32
      %convert_element_type3A_126 = arith.extui %lt3A_125 : i1 to i32
      %cond3A_127 = arith.constant 0 : i32
      %cond3A_128 = arith.cmpi ne, %convert_element_type3A_126, %cond3A_127 : i32
      scf.if %cond3A_128 {
        %add3A_129 = arith.addi %select_n3A, %mul3A_81 : i32
        %add3A_130 = arith.constant 1 : i32
        %add3A_131 = arith.addi %add3A_129, %add3A_130 : i32
        %add3A_132 = arith.constant 2 : i32
        %add3A_133 = arith.addi %add3A_131, %add3A_132 : i32
        %dma_wait3A_134 = arith.constant 0 : i32
        %dma_wait3A_135 = tpu.memref_slice %arg3[%add3A_133, %dma_wait3A_134] : memref<2560x128xi32, #tpu.memory_space<hbm>> -> memref<1x128xi32, #tpu.memory_space<hbm>>
        %dma_wait3A_136 = arith.constant 0 : i32
        %dma_wait3A_137 = tpu.memref_slice %arg3[%add3A_133, %dma_wait3A_136] : memref<2560x128xi32, #tpu.memory_space<hbm>> -> memref<1x128xi32, #tpu.memory_space<hbm>>
        tpu.wait_dma2 semaphore(%arg14 : memref<!tpu.dma_semaphore, #tpu.memory_space<semaphore_mem>>) src(%dma_wait3A_137 : memref<1x128xi32, #tpu.memory_space<hbm>>) dst(%arg9 : memref<1x128xi32, #tpu.memory_space<vmem>>)
        %dma_start3A_138 = arith.constant 0 : i32
        %dma_start3A_139 = arith.constant 0 : i32
        %dma_start3A_140 = tpu.memref_slice %arg9[%dma_start3A_138, %dma_start3A_139] : memref<1x128xi32, #tpu.memory_space<vmem>> -> memref<1x128xi32, #tpu.memory_space<vmem>>
        %dma_start3A_141 = tpu.memref_squeeze %dma_start3A_140 : memref<1x128xi32, #tpu.memory_space<vmem>> -> memref<128xi32, #tpu.memory_space<vmem>>
        %dma_start3A_142 = arith.constant 0 : i32
        %dma_start3A_143 = arith.constant 0 : i32
        %dma_start3A_144 = tpu.memref_slice %arg2[%dma_start3A_142, %dma_start3A_143] : memref<10000x128xf32, #tpu.memory_space<hbm>> -> memref<10000x128xf32, #tpu.memory_space<hbm>>
        tpu.enqueue_indirect_dma source(%dma_start3A_144 : memref<10000x128xf32, #tpu.memory_space<hbm>>) target(%arg11 : memref<128x128xf32, #tpu.memory_space<vmem>>) offsets(%dma_start3A_141 : memref<128xi32, #tpu.memory_space<vmem>>) semaphore(%arg16 : memref<!tpu.dma_semaphore, #tpu.memory_space<semaphore_mem>>)
      } else {
      }
    }
    %while3A_73 = arith.constant 1 : i32
    scf.for %while3A_79 = %while3A_71 to %while3A_67 step %while3A_73  : i32 {
      %mul3A_80 = arith.constant 2 : i32
      %mul3A_81 = arith.muli %mul3A_80, %while3A_79 : i32
      %dma_wait3A_82 = arith.constant 0 : i32
      %dma_wait3A_83 = arith.constant 0 : i32
      %dma_wait3A_84 = tpu.memref_slice %arg8[%dma_wait3A_82, %dma_wait3A_83] : memref<1x128xi32, #tpu.memory_space<vmem>> -> memref<1x128xi32, #tpu.memory_space<vmem>>
      %dma_wait3A_85 = tpu.memref_squeeze %dma_wait3A_84 : memref<1x128xi32, #tpu.memory_space<vmem>> -> memref<128xi32, #tpu.memory_space<vmem>>
      %dma_wait3A_86 = arith.constant 0 : i32
      %dma_wait3A_87 = arith.constant 0 : i32
      %dma_wait3A_88 = tpu.memref_slice %arg2[%dma_wait3A_86, %dma_wait3A_87] : memref<10000x128xf32, #tpu.memory_space<hbm>> -> memref<10000x128xf32, #tpu.memory_space<hbm>>
      tpu.wait_indirect_dma semaphore(%arg15 : memref<!tpu.dma_semaphore, #tpu.memory_space<semaphore_mem>>) src(%dma_wait3A_88 : memref<10000x128xf32, #tpu.memory_space<hbm>>) dst(%arg10 : memref<128x128xf32, #tpu.memory_space<vmem>>)
      %add3A_89 = arith.constant 0 : i32
      %add3A_90 = arith.addi %mul3A_81, %add3A_89 : i32
      %add3A_91 = arith.constant 2 : i32
      %add3A_92 = arith.addi %add3A_90, %add3A_91 : i32
      %lt3A = arith.cmpi slt, %add3A_92, %select_n3A_8 : i32
      %convert_element_type3A = arith.extui %lt3A : i1 to i32
      %cond3A = arith.constant 0 : i32
      %cond3A_93 = arith.cmpi ne, %convert_element_type3A, %cond3A : i32
      scf.if %cond3A_93 {
        %add3A_129 = arith.addi %select_n3A, %mul3A_81 : i32
        %add3A_130 = arith.constant 0 : i32
        %add3A_131 = arith.addi %add3A_129, %add3A_130 : i32
        %add3A_132 = arith.constant 2 : i32
        %add3A_133 = arith.addi %add3A_131, %add3A_132 : i32
        %dma_start3A_134 = arith.constant 0 : i32
        %dma_start3A_135 = tpu.memref_slice %arg3[%add3A_133, %dma_start3A_134] : memref<2560x128xi32, #tpu.memory_space<hbm>> -> memref<1x128xi32, #tpu.memory_space<hbm>>
        %dma_start3A_136 = arith.constant 0 : i32
        %dma_start3A_137 = tpu.memref_slice %arg3[%add3A_133, %dma_start3A_136] : memref<2560x128xi32, #tpu.memory_space<hbm>> -> memref<1x128xi32, #tpu.memory_space<hbm>>
        tpu.enqueue_dma source(%dma_start3A_137 : memref<1x128xi32, #tpu.memory_space<hbm>>) target(%arg8 : memref<1x128xi32, #tpu.memory_space<vmem>>) target_semaphore(%arg13 : memref<!tpu.dma_semaphore, #tpu.memory_space<semaphore_mem>>)
      } else {
      }
      %add3A_94 = arith.constant 0 : i32
      %add3A_95 = arith.addi %mul3A_81, %add3A_94 : i32
      "tpu.region"() ({
        %run_scoped3A = tpu.sem_alloc : memref<!tpu.dma_semaphore, #tpu.memory_space<semaphore_mem>>
        %dma_start3A_129 = arith.constant 0 : i32
        %dma_start3A_130 = tpu.memref_slice %arg7[%add3A_95, %dma_start3A_129] : memref<80x128xi32, #tpu.memory_space<vmem>> -> memref<1x128xi32, #tpu.memory_space<vmem>>
        %dma_start3A_131 = tpu.memref_squeeze %dma_start3A_130 : memref<1x128xi32, #tpu.memory_space<vmem>> -> memref<128xi32, #tpu.memory_space<vmem>>
        %dma_start3A_132 = arith.constant 0 : i32
        %dma_start3A_133 = arith.constant 0 : i32
        %dma_start3A_134 = tpu.memref_slice %arg12[%dma_start3A_132, %dma_start3A_133] : memref<10112x128xf32, #tpu.memory_space<vmem_shared>> -> memref<10112x128xf32, #tpu.memory_space<vmem_shared>>
        tpu.enqueue_indirect_dma source(%arg10 : memref<128x128xf32, #tpu.memory_space<vmem>>) target(%dma_start3A_134 : memref<10112x128xf32, #tpu.memory_space<vmem_shared>>) offsets(%dma_start3A_131 : memref<128xi32, #tpu.memory_space<vmem>>) semaphore(%run_scoped3A : memref<!tpu.dma_semaphore, #tpu.memory_space<semaphore_mem>>) {add = true}
        %dma_wait3A_135 = arith.constant 0 : i32
        %dma_wait3A_136 = tpu.memref_slice %arg7[%add3A_95, %dma_wait3A_135] : memref<80x128xi32, #tpu.memory_space<vmem>> -> memref<1x128xi32, #tpu.memory_space<vmem>>
        %dma_wait3A_137 = tpu.memref_squeeze %dma_wait3A_136 : memref<1x128xi32, #tpu.memory_space<vmem>> -> memref<128xi32, #tpu.memory_space<vmem>>
        %dma_wait3A_138 = arith.constant 0 : i32
        %dma_wait3A_139 = arith.constant 0 : i32
        %dma_wait3A_140 = tpu.memref_slice %arg12[%dma_wait3A_138, %dma_wait3A_139] : memref<10112x128xf32, #tpu.memory_space<vmem_shared>> -> memref<10112x128xf32, #tpu.memory_space<vmem_shared>>
        tpu.wait_indirect_dma semaphore(%run_scoped3A : memref<!tpu.dma_semaphore, #tpu.memory_space<semaphore_mem>>) src(%arg10 : memref<128x128xf32, #tpu.memory_space<vmem>>) dst(%dma_wait3A_140 : memref<10112x128xf32, #tpu.memory_space<vmem_shared>>)
        tpu.yield
      }) : () -> ()
      %add3A_96 = arith.constant 0 : i32
      %add3A_97 = arith.addi %mul3A_81, %add3A_96 : i32
      %add3A_98 = arith.constant 2 : i32
      %add3A_99 = arith.addi %add3A_97, %add3A_98 : i32
      %lt3A_100 = arith.cmpi slt, %add3A_99, %select_n3A_8 : i32
      %convert_element_type3A_101 = arith.extui %lt3A_100 : i1 to i32
      %cond3A_102 = arith.constant 0 : i32
      %cond3A_103 = arith.cmpi ne, %convert_element_type3A_101, %cond3A_102 : i32
      scf.if %cond3A_103 {
        %add3A_129 = arith.addi %select_n3A, %mul3A_81 : i32
        %add3A_130 = arith.constant 0 : i32
        %add3A_131 = arith.addi %add3A_129, %add3A_130 : i32
        %add3A_132 = arith.constant 2 : i32
        %add3A_133 = arith.addi %add3A_131, %add3A_132 : i32
        %dma_wait3A_134 = arith.constant 0 : i32
        %dma_wait3A_135 = tpu.memref_slice %arg3[%add3A_133, %dma_wait3A_134] : memref<2560x128xi32, #tpu.memory_space<hbm>> -> memref<1x128xi32, #tpu.memory_space<hbm>>
        %dma_wait3A_136 = arith.constant 0 : i32
        %dma_wait3A_137 = tpu.memref_slice %arg3[%add3A_133, %dma_wait3A_136] : memref<2560x128xi32, #tpu.memory_space<hbm>> -> memref<1x128xi32, #tpu.memory_space<hbm>>
        tpu.wait_dma2 semaphore(%arg13 : memref<!tpu.dma_semaphore, #tpu.memory_space<semaphore_mem>>) src(%dma_wait3A_137 : memref<1x128xi32, #tpu.memory_space<hbm>>) dst(%arg8 : memref<1x128xi32, #tpu.memory_space<vmem>>)
        %dma_start3A_138 = arith.constant 0 : i32
        %dma_start3A_139 = arith.constant 0 : i32
        %dma_start3A_140 = tpu.memref_slice %arg8[%dma_start3A_138, %dma_start3A_139] : memref<1x128xi32, #tpu.memory_space<vmem>> -> memref<1x128xi32, #tpu.memory_space<vmem>>
        %dma_start3A_141 = tpu.memref_squeeze %dma_start3A_140 : memref<1x128xi32, #tpu.memory_space<vmem>> -> memref<128xi32, #tpu.memory_space<vmem>>
        %dma_start3A_142 = arith.constant 0 : i32
        %dma_start3A_143 = arith.constant 0 : i32
        %dma_start3A_144 = tpu.memref_slice %arg2[%dma_start3A_142, %dma_start3A_143] : memref<10000x128xf32, #tpu.memory_space<hbm>> -> memref<10000x128xf32, #tpu.memory_space<hbm>>
        tpu.enqueue_indirect_dma source(%dma_start3A_144 : memref<10000x128xf32, #tpu.memory_space<hbm>>) target(%arg10 : memref<128x128xf32, #tpu.memory_space<vmem>>) offsets(%dma_start3A_141 : memref<128xi32, #tpu.memory_space<vmem>>) semaphore(%arg15 : memref<!tpu.dma_semaphore, #tpu.memory_space<semaphore_mem>>)
      } else {
      }
      %dma_wait3A_104 = arith.constant 0 : i32
      %dma_wait3A_105 = arith.constant 0 : i32
      %dma_wait3A_106 = tpu.memref_slice %arg9[%dma_wait3A_104, %dma_wait3A_105] : memref<1x128xi32, #tpu.memory_space<vmem>> -> memref<1x128xi32, #tpu.memory_space<vmem>>
      %dma_wait3A_107 = tpu.memref_squeeze %dma_wait3A_106 : memref<1x128xi32, #tpu.memory_space<vmem>> -> memref<128xi32, #tpu.memory_space<vmem>>
      %dma_wait3A_108 = arith.constant 0 : i32
      %dma_wait3A_109 = arith.constant 0 : i32
      %dma_wait3A_110 = tpu.memref_slice %arg2[%dma_wait3A_108, %dma_wait3A_109] : memref<10000x128xf32, #tpu.memory_space<hbm>> -> memref<10000x128xf32, #tpu.memory_space<hbm>>
      tpu.wait_indirect_dma semaphore(%arg16 : memref<!tpu.dma_semaphore, #tpu.memory_space<semaphore_mem>>) src(%dma_wait3A_110 : memref<10000x128xf32, #tpu.memory_space<hbm>>) dst(%arg11 : memref<128x128xf32, #tpu.memory_space<vmem>>)
      %add3A_111 = arith.constant 1 : i32
      %add3A_112 = arith.addi %mul3A_81, %add3A_111 : i32
      %add3A_113 = arith.constant 2 : i32
      %add3A_114 = arith.addi %add3A_112, %add3A_113 : i32
      %lt3A_115 = arith.cmpi slt, %add3A_114, %select_n3A_8 : i32
      %convert_element_type3A_116 = arith.extui %lt3A_115 : i1 to i32
      %cond3A_117 = arith.constant 0 : i32
      %cond3A_118 = arith.cmpi ne, %convert_element_type3A_116, %cond3A_117 : i32
      scf.if %cond3A_118 {
        %add3A_129 = arith.addi %select_n3A, %mul3A_81 : i32
        %add3A_130 = arith.constant 1 : i32
        %add3A_131 = arith.addi %add3A_129, %add3A_130 : i32
        %add3A_132 = arith.constant 2 : i32
        %add3A_133 = arith.addi %add3A_131, %add3A_132 : i32
        %dma_start3A_134 = arith.constant 0 : i32
        %dma_start3A_135 = tpu.memref_slice %arg3[%add3A_133, %dma_start3A_134] : memref<2560x128xi32, #tpu.memory_space<hbm>> -> memref<1x128xi32, #tpu.memory_space<hbm>>
        %dma_start3A_136 = arith.constant 0 : i32
        %dma_start3A_137 = tpu.memref_slice %arg3[%add3A_133, %dma_start3A_136] : memref<2560x128xi32, #tpu.memory_space<hbm>> -> memref<1x128xi32, #tpu.memory_space<hbm>>
        tpu.enqueue_dma source(%dma_start3A_137 : memref<1x128xi32, #tpu.memory_space<hbm>>) target(%arg9 : memref<1x128xi32, #tpu.memory_space<vmem>>) target_semaphore(%arg14 : memref<!tpu.dma_semaphore, #tpu.memory_space<semaphore_mem>>)
      } else {
      }
      %add3A_119 = arith.constant 1 : i32
      %add3A_120 = arith.addi %mul3A_81, %add3A_119 : i32
      "tpu.region"() ({
        %run_scoped3A = tpu.sem_alloc : memref<!tpu.dma_semaphore, #tpu.memory_space<semaphore_mem>>
        %dma_start3A_129 = arith.constant 0 : i32
        %dma_start3A_130 = tpu.memref_slice %arg7[%add3A_120, %dma_start3A_129] : memref<80x128xi32, #tpu.memory_space<vmem>> -> memref<1x128xi32, #tpu.memory_space<vmem>>
        %dma_start3A_131 = tpu.memref_squeeze %dma_start3A_130 : memref<1x128xi32, #tpu.memory_space<vmem>> -> memref<128xi32, #tpu.memory_space<vmem>>
        %dma_start3A_132 = arith.constant 0 : i32
        %dma_start3A_133 = arith.constant 0 : i32
        %dma_start3A_134 = tpu.memref_slice %arg12[%dma_start3A_132, %dma_start3A_133] : memref<10112x128xf32, #tpu.memory_space<vmem_shared>> -> memref<10112x128xf32, #tpu.memory_space<vmem_shared>>
        tpu.enqueue_indirect_dma source(%arg11 : memref<128x128xf32, #tpu.memory_space<vmem>>) target(%dma_start3A_134 : memref<10112x128xf32, #tpu.memory_space<vmem_shared>>) offsets(%dma_start3A_131 : memref<128xi32, #tpu.memory_space<vmem>>) semaphore(%run_scoped3A : memref<!tpu.dma_semaphore, #tpu.memory_space<semaphore_mem>>) {add = true}
        %dma_wait3A_135 = arith.constant 0 : i32
        %dma_wait3A_136 = tpu.memref_slice %arg7[%add3A_120, %dma_wait3A_135] : memref<80x128xi32, #tpu.memory_space<vmem>> -> memref<1x128xi32, #tpu.memory_space<vmem>>
        %dma_wait3A_137 = tpu.memref_squeeze %dma_wait3A_136 : memref<1x128xi32, #tpu.memory_space<vmem>> -> memref<128xi32, #tpu.memory_space<vmem>>
        %dma_wait3A_138 = arith.constant 0 : i32
        %dma_wait3A_139 = arith.constant 0 : i32
        %dma_wait3A_140 = tpu.memref_slice %arg12[%dma_wait3A_138, %dma_wait3A_139] : memref<10112x128xf32, #tpu.memory_space<vmem_shared>> -> memref<10112x128xf32, #tpu.memory_space<vmem_shared>>
        tpu.wait_indirect_dma semaphore(%run_scoped3A : memref<!tpu.dma_semaphore, #tpu.memory_space<semaphore_mem>>) src(%arg11 : memref<128x128xf32, #tpu.memory_space<vmem>>) dst(%dma_wait3A_140 : memref<10112x128xf32, #tpu.memory_space<vmem_shared>>)
        tpu.yield
      }) : () -> ()
      %add3A_121 = arith.constant 1 : i32
      %add3A_122 = arith.addi %mul3A_81, %add3A_121 : i32
      %add3A_123 = arith.constant 2 : i32
      %add3A_124 = arith.addi %add3A_122, %add3A_123 : i32
      %lt3A_125 = arith.cmpi slt, %add3A_124, %select_n3A_8 : i32
      %convert_element_type3A_126 = arith.extui %lt3A_125 : i1 to i32
      %cond3A_127 = arith.constant 0 : i32
      %cond3A_128 = arith.cmpi ne, %convert_element_type3A_126, %cond3A_127 : i32
      scf.if %cond3A_128 {
        %add3A_129 = arith.addi %select_n3A, %mul3A_81 : i32
        %add3A_130 = arith.constant 1 : i32
        %add3A_131 = arith.addi %add3A_129, %add3A_130 : i32
        %add3A_132 = arith.constant 2 : i32
        %add3A_133 = arith.addi %add3A_131, %add3A_132 : i32
        %dma_wait3A_134 = arith.constant 0 : i32
        %dma_wait3A_135 = tpu.memref_slice %arg3[%add3A_133, %dma_wait3A_134] : memref<2560x128xi32, #tpu.memory_space<hbm>> -> memref<1x128xi32, #tpu.memory_space<hbm>>
        %dma_wait3A_136 = arith.constant 0 : i32
        %dma_wait3A_137 = tpu.memref_slice %arg3[%add3A_133, %dma_wait3A_136] : memref<2560x128xi32, #tpu.memory_space<hbm>> -> memref<1x128xi32, #tpu.memory_space<hbm>>
        tpu.wait_dma2 semaphore(%arg14 : memref<!tpu.dma_semaphore, #tpu.memory_space<semaphore_mem>>) src(%dma_wait3A_137 : memref<1x128xi32, #tpu.memory_space<hbm>>) dst(%arg9 : memref<1x128xi32, #tpu.memory_space<vmem>>)
        %dma_start3A_138 = arith.constant 0 : i32
        %dma_start3A_139 = arith.constant 0 : i32
        %dma_start3A_140 = tpu.memref_slice %arg9[%dma_start3A_138, %dma_start3A_139] : memref<1x128xi32, #tpu.memory_space<vmem>> -> memref<1x128xi32, #tpu.memory_space<vmem>>
        %dma_start3A_141 = tpu.memref_squeeze %dma_start3A_140 : memref<1x128xi32, #tpu.memory_space<vmem>> -> memref<128xi32, #tpu.memory_space<vmem>>
        %dma_start3A_142 = arith.constant 0 : i32
        %dma_start3A_143 = arith.constant 0 : i32
        %dma_start3A_144 = tpu.memref_slice %arg2[%dma_start3A_142, %dma_start3A_143] : memref<10000x128xf32, #tpu.memory_space<hbm>> -> memref<10000x128xf32, #tpu.memory_space<hbm>>
        tpu.enqueue_indirect_dma source(%dma_start3A_144 : memref<10000x128xf32, #tpu.memory_space<hbm>>) target(%arg11 : memref<128x128xf32, #tpu.memory_space<vmem>>) offsets(%dma_start3A_141 : memref<128xi32, #tpu.memory_space<vmem>>) semaphore(%arg16 : memref<!tpu.dma_semaphore, #tpu.memory_space<semaphore_mem>>)
      } else {
      }
    }
    %barrier3A_74 = arith.constant 0 : index
    tpu.barrier barrier_id(%barrier3A_74)
    %mul3A_75 = arith.constant 632 : i32
    %mul3A_76 = arith.muli %arg1, %mul3A_75 : i32
    %mul3A_77 = arith.constant 632 : i32
    %mul3A_78 = arith.muli %arg1, %mul3A_77 : i32
    "tpu.region"() ({
      %run_scoped3A = tpu.sem_alloc : memref<!tpu.dma_semaphore, #tpu.memory_space<semaphore_mem>>
      %dma_start3A_79 = arith.constant 0 : i32
      %dma_start3A_80 = tpu.memref_slice %arg6[%arg0, %mul3A_78, %dma_start3A_79] : memref<2x10112x128xf32, #tpu.memory_space<hbm>> -> memref<1x632x128xf32, #tpu.memory_space<hbm>>
      %dma_start3A_81 = tpu.memref_squeeze %dma_start3A_80 : memref<1x632x128xf32, #tpu.memory_space<hbm>> -> memref<632x128xf32, #tpu.memory_space<hbm>>
      %dma_start3A_82 = arith.constant 0 : i32
      %dma_start3A_83 = tpu.memref_slice %arg12[%mul3A_76, %dma_start3A_82] : memref<10112x128xf32, #tpu.memory_space<vmem_shared>> -> memref<632x128xf32, #tpu.memory_space<vmem_shared>>
      tpu.enqueue_dma source(%dma_start3A_83 : memref<632x128xf32, #tpu.memory_space<vmem_shared>>) target(%dma_start3A_81 : memref<632x128xf32, #tpu.memory_space<hbm>>) target_semaphore(%run_scoped3A : memref<!tpu.dma_semaphore, #tpu.memory_space<semaphore_mem>>)
      %dma_wait3A_84 = arith.constant 0 : i32
      %dma_wait3A_85 = tpu.memref_slice %arg6[%arg0, %mul3A_78, %dma_wait3A_84] : memref<2x10112x128xf32, #tpu.memory_space<hbm>> -> memref<1x632x128xf32, #tpu.memory_space<hbm>>
      %dma_wait3A_86 = tpu.memref_squeeze %dma_wait3A_85 : memref<1x632x128xf32, #tpu.memory_space<hbm>> -> memref<632x128xf32, #tpu.memory_space<hbm>>
      %dma_wait3A_87 = arith.constant 0 : i32
      %dma_wait3A_88 = tpu.memref_slice %arg12[%mul3A_76, %dma_wait3A_87] : memref<10112x128xf32, #tpu.memory_space<vmem_shared>> -> memref<632x128xf32, #tpu.memory_space<vmem_shared>>
      tpu.wait_dma2 semaphore(%run_scoped3A : memref<!tpu.dma_semaphore, #tpu.memory_space<semaphore_mem>>) src(%dma_wait3A_88 : memref<632x128xf32, #tpu.memory_space<vmem_shared>>) dst(%dma_wait3A_86 : memref<632x128xf32, #tpu.memory_space<hbm>>)
      tpu.yield
    }) : () -> ()
    return
  }
}

module attributes {stable_mosaic.version = 14 : i64} {
  func.func @_tc1_body(%arg0: i32, %arg1: memref<2x1000x128xf32, #tpu.memory_space<vmem>>, %arg2: memref<1000x128xf32, #tpu.memory_space<vmem>>, %arg3: memref<1000x128xf32, #tpu.memory_space<vmem>>, %arg4: memref<1000x128xf32, #tpu.memory_space<vmem>>) attributes {dimension_semantics = [#tpu.dimension_semantics<arbitrary>], iteration_bounds = array<i64: 10>, scalar_prefetch = 0 : i64, scratch_operands = 0 : i64, tpu.core_type = #tpu.core_type<tc>, window_params = [{transform_indices = @transform_0, window_bounds = array<i64: 2, 1000, 128>}, {transform_indices = @transform_1, window_bounds = array<i64: 1000, 128>}, {transform_indices = @transform_2, window_bounds = array<i64: 1000, 128>}, {transform_indices = @transform_3, window_bounds = array<i64: 1000, 128>}]} {
    %get3A = arith.constant 0 : index
    %get3A_0 = arith.constant 0 : index
    %get3A_1 = arith.constant 0 : index
    %get3A_2 = vector.load %arg1[%get3A, %get3A_0, %get3A_1] : memref<2x1000x128xf32, #tpu.memory_space<vmem>>, vector<1x1000x128xf32>
    %get3A_3 = vector.shape_cast %get3A_2 : vector<1x1000x128xf32> to vector<1000x128xf32>
    %get3A_4 = arith.constant 1 : index
    %get3A_5 = arith.constant 0 : index
    %get3A_6 = arith.constant 0 : index
    %get3A_7 = vector.load %arg1[%get3A_4, %get3A_5, %get3A_6] : memref<2x1000x128xf32, #tpu.memory_space<vmem>>, vector<1x1000x128xf32>
    %get3A_8 = vector.shape_cast %get3A_7 : vector<1x1000x128xf32> to vector<1000x128xf32>
    %add3A = arith.addf %get3A_3, %get3A_8 : vector<1000x128xf32>
    %add3A_9 = arith.constant 1.000000e+00 : f32
    %add3A_10 = vector.broadcast %add3A_9 : f32 to vector<1000x128xf32>
    %add3A_11 = arith.addf %add3A, %add3A_10 : vector<1000x128xf32>
    %rsqrt3A = math.rsqrt %add3A_11 : vector<1000x128xf32>
    %swap3A = arith.constant 0 : index
    %swap3A_12 = arith.constant 0 : index
    %swap3A_13 = vector.load %arg3[%swap3A, %swap3A_12] : memref<1000x128xf32, #tpu.memory_space<vmem>>, vector<1000x128xf32>
    tpu.vector_store %arg3[%swap3A, %swap3A_12], %rsqrt3A {strides = array<i32>} : memref<1000x128xf32, #tpu.memory_space<vmem>>, vector<1000x128xf32>,
    %get3A_14 = arith.constant 0 : index
    %get3A_15 = arith.constant 0 : index
    %get3A_16 = vector.load %arg2[%get3A_14, %get3A_15] : memref<1000x128xf32, #tpu.memory_space<vmem>>, vector<1000x128xf32>
    %mul3A = arith.mulf %get3A_16, %rsqrt3A : vector<1000x128xf32>
    %swap3A_17 = arith.constant 0 : index
    %swap3A_18 = arith.constant 0 : index
    %swap3A_19 = vector.load %arg4[%swap3A_17, %swap3A_18] : memref<1000x128xf32, #tpu.memory_space<vmem>>, vector<1000x128xf32>
    tpu.vector_store %arg4[%swap3A_17, %swap3A_18], %mul3A {strides = array<i32>} : memref<1000x128xf32, #tpu.memory_space<vmem>>, vector<1000x128xf32>,
    return
  }
  func.func @transform_0(%arg0: i32) -> (i32, i32, i32) {
    %c0_i32 = arith.constant 0 : i32
    %c0_i32_0 = arith.constant 0 : i32
    %c0_i32_1 = arith.constant 0 : i32
    return %c0_i32, %arg0, %c0_i32_0 : i32, i32, i32
  }
  func.func @transform_1(%arg0: i32) -> (i32, i32) {
    %c0_i32 = arith.constant 0 : i32
    %c0_i32_0 = arith.constant 0 : i32
    return %arg0, %c0_i32 : i32, i32
  }
  func.func @transform_2(%arg0: i32) -> (i32, i32) {
    %c0_i32 = arith.constant 0 : i32
    %c0_i32_0 = arith.constant 0 : i32
    return %arg0, %c0_i32 : i32, i32
  }
  func.func @transform_3(%arg0: i32) -> (i32, i32) {
    %c0_i32 = arith.constant 0 : i32
    %c0_i32_0 = arith.constant 0 : i32
    return %arg0, %c0_i32 : i32, i32
  }
}

module attributes {stable_mosaic.version = 14 : i64} {
  func.func @_tc2_body(%arg0: i32, %arg1: memref<2x1000x128xf32, #tpu.memory_space<vmem>>, %arg2: memref<1000x128xf32, #tpu.memory_space<vmem>>, %arg3: memref<1000x128xf32, #tpu.memory_space<vmem>>, %arg4: memref<128x256xf32, #tpu.memory_space<vmem>>, %arg5: memref<1x256xf32, #tpu.memory_space<vmem>>, %arg6: memref<1000x256xf32, #tpu.memory_space<vmem>>, %arg7: memref<1000x128xf32, #tpu.memory_space<vmem>>, %arg8: memref<1000x128xf32, #tpu.memory_space<vmem>>) attributes {dimension_semantics = [#tpu.dimension_semantics<arbitrary>], iteration_bounds = array<i64: 10>, scalar_prefetch = 0 : i64, scratch_operands = 0 : i64, tpu.core_type = #tpu.core_type<tc>, window_params = [{transform_indices = @transform_0, window_bounds = array<i64: 2, 1000, 128>}, {transform_indices = @transform_1, window_bounds = array<i64: 1000, 128>}, {transform_indices = @transform_2, window_bounds = array<i64: 1000, 128>}, {pipeline_mode = #tpu.pipeline_mode<synchronous>, transform_indices = @transform_3, window_bounds = array<i64: 128, 256>}, {pipeline_mode = #tpu.pipeline_mode<synchronous>, transform_indices = @transform_4, window_bounds = array<i64: 1, 256>}, {transform_indices = @transform_5, window_bounds = array<i64: 1000, 256>}, {transform_indices = @transform_6, window_bounds = array<i64: 1000, 128>}, {transform_indices = @transform_7, window_bounds = array<i64: 1000, 128>}]} {
    %get3A = arith.constant 0 : index
    %get3A_0 = arith.constant 0 : index
    %get3A_1 = vector.load %arg3[%get3A, %get3A_0] : memref<1000x128xf32, #tpu.memory_space<vmem>>, vector<1000x128xf32>
    %get3A_2 = arith.constant 0 : index
    %get3A_3 = arith.constant 0 : index
    %get3A_4 = arith.constant 0 : index
    %get3A_5 = vector.load %arg1[%get3A_2, %get3A_3, %get3A_4] : memref<2x1000x128xf32, #tpu.memory_space<vmem>>, vector<1x1000x128xf32>
    %get3A_6 = vector.shape_cast %get3A_5 : vector<1x1000x128xf32> to vector<1000x128xf32>
    %get3A_7 = arith.constant 1 : index
    %get3A_8 = arith.constant 0 : index
    %get3A_9 = arith.constant 0 : index
    %get3A_10 = vector.load %arg1[%get3A_7, %get3A_8, %get3A_9] : memref<2x1000x128xf32, #tpu.memory_space<vmem>>, vector<1x1000x128xf32>
    %get3A_11 = vector.shape_cast %get3A_10 : vector<1x1000x128xf32> to vector<1000x128xf32>
    %add3A = arith.addf %get3A_6, %get3A_11 : vector<1000x128xf32>
    %mul3A = arith.mulf %get3A_1, %add3A : vector<1000x128xf32>
    %mul3A_12 = arith.mulf %get3A_1, %get3A_1 : vector<1000x128xf32>
    %get3A_13 = arith.constant 0 : index
    %get3A_14 = arith.constant 0 : index
    %get3A_15 = vector.load %arg2[%get3A_13, %get3A_14] : memref<1000x128xf32, #tpu.memory_space<vmem>>, vector<1000x128xf32>
    %mul3A_16 = arith.mulf %mul3A_12, %get3A_15 : vector<1000x128xf32>
    %add3A_17 = arith.addf %mul3A, %mul3A_16 : vector<1000x128xf32>
    %get3A_18 = arith.constant 0 : index
    %get3A_19 = arith.constant 0 : index
    %get3A_20 = vector.load %arg4[%get3A_18, %get3A_19] : memref<128x256xf32, #tpu.memory_space<vmem>>, vector<128x256xf32>
    %dot_general3A = arith.constant dense<0.000000e+00> : vector<1000x256xf32>
    %dot_general3A_21 = tpu.matmul %add3A_17, %get3A_20, %dot_general3A {dimension_numbers = #tpu.dot_dimension_numbers<[1], [0], [0], [1], [0, 0, 1, 1], [], []>, precision = #tpu.contract_precision<fp32>, transpose_lhs_hint = false} : vector<1000x128xf32>, vector<128x256xf32>, vector<1000x256xf32> -> vector<1000x256xf32>
    %get3A_22 = arith.constant 0 : index
    %get3A_23 = arith.constant 0 : index
    %get3A_24 = vector.load %arg5[%get3A_22, %get3A_23] : memref<1x256xf32, #tpu.memory_space<vmem>>, vector<1x256xf32>
    %add3A_25 = vector.broadcast %get3A_24 : vector<1x256xf32> to vector<1000x256xf32>
    %add3A_26 = arith.addf %dot_general3A_21, %add3A_25 : vector<1000x256xf32>
    %max3A = arith.constant 0.000000e+00 : f32
    %max3A_27 = vector.broadcast %max3A : f32 to vector<1000x256xf32>
    %max3A_28 = arith.maximumf %add3A_26, %max3A_27 : vector<1000x256xf32>
    %swap3A = arith.constant 0 : index
    %swap3A_29 = arith.constant 0 : index
    %swap3A_30 = vector.load %arg6[%swap3A, %swap3A_29] : memref<1000x256xf32, #tpu.memory_space<vmem>>, vector<1000x256xf32>
    tpu.vector_store %arg6[%swap3A, %swap3A_29], %max3A_28 {strides = array<i32>} : memref<1000x256xf32, #tpu.memory_space<vmem>>, vector<1000x256xf32>,
    %slice3A = vector.extract_strided_slice %get3A_1 {offsets = [0, 0], sizes = [1000, 1], strides = [1, 1]} : vector<1000x128xf32> to vector<1000x1xf32>
    %broadcast_in_dim3A = vector.shape_cast %slice3A : vector<1000x1xf32> to vector<1000x1xf32>
    %broadcast_in_dim3A_31 = vector.broadcast %broadcast_in_dim3A : vector<1000x1xf32> to vector<1000x256xf32>
    %mul3A_32 = arith.mulf %max3A_28, %broadcast_in_dim3A_31 : vector<1000x256xf32>
    %slice3A_33 = vector.extract_strided_slice %mul3A_32 {offsets = [0, 0], sizes = [1000, 128], strides = [1, 1]} : vector<1000x256xf32> to vector<1000x128xf32>
    %swap3A_34 = arith.constant 0 : index
    %swap3A_35 = arith.constant 0 : index
    %swap3A_36 = vector.load %arg7[%swap3A_34, %swap3A_35] : memref<1000x128xf32, #tpu.memory_space<vmem>>, vector<1000x128xf32>
    tpu.vector_store %arg7[%swap3A_34, %swap3A_35], %slice3A_33 {strides = array<i32>} : memref<1000x128xf32, #tpu.memory_space<vmem>>, vector<1000x128xf32>,
    %slice3A_37 = vector.extract_strided_slice %mul3A_32 {offsets = [0, 128], sizes = [1000, 128], strides = [1, 1]} : vector<1000x256xf32> to vector<1000x128xf32>
    %swap3A_38 = arith.constant 0 : index
    %swap3A_39 = arith.constant 0 : index
    %swap3A_40 = vector.load %arg8[%swap3A_38, %swap3A_39] : memref<1000x128xf32, #tpu.memory_space<vmem>>, vector<1000x128xf32>
    tpu.vector_store %arg8[%swap3A_38, %swap3A_39], %slice3A_37 {strides = array<i32>} : memref<1000x128xf32, #tpu.memory_space<vmem>>, vector<1000x128xf32>,
    return
  }
  func.func @transform_0(%arg0: i32) -> (i32, i32, i32) {
    %c0_i32 = arith.constant 0 : i32
    %c0_i32_0 = arith.constant 0 : i32
    %c0_i32_1 = arith.constant 0 : i32
    return %c0_i32, %arg0, %c0_i32_0 : i32, i32, i32
  }
  func.func @transform_1(%arg0: i32) -> (i32, i32) {
    %c0_i32 = arith.constant 0 : i32
    %c0_i32_0 = arith.constant 0 : i32
    return %arg0, %c0_i32 : i32, i32
  }
  func.func @transform_2(%arg0: i32) -> (i32, i32) {
    %c0_i32 = arith.constant 0 : i32
    %c0_i32_0 = arith.constant 0 : i32
    return %arg0, %c0_i32 : i32, i32
  }
  func.func @transform_3(%arg0: i32) -> (i32, i32) {
    %c0_i32 = arith.constant 0 : i32
    %c0_i32_0 = arith.constant 0 : i32
    %c0_i32_1 = arith.constant 0 : i32
    return %c0_i32, %c0_i32_0 : i32, i32
  }
  func.func @transform_4(%arg0: i32) -> (i32, i32) {
    %c0_i32 = arith.constant 0 : i32
    %c0_i32_0 = arith.constant 0 : i32
    %c0_i32_1 = arith.constant 0 : i32
    return %c0_i32, %c0_i32_0 : i32, i32
  }
  func.func @transform_5(%arg0: i32) -> (i32, i32) {
    %c0_i32 = arith.constant 0 : i32
    %c0_i32_0 = arith.constant 0 : i32
    return %arg0, %c0_i32 : i32, i32
  }
  func.func @transform_6(%arg0: i32) -> (i32, i32) {
    %c0_i32 = arith.constant 0 : i32
    %c0_i32_0 = arith.constant 0 : i32
    return %arg0, %c0_i32 : i32, i32
  }
  func.func @transform_7(%arg0: i32) -> (i32, i32) {
    %c0_i32 = arith.constant 0 : i32
    %c0_i32_0 = arith.constant 0 : i32
    return %arg0, %c0_i32 : i32, i32
  }
}

module attributes {stable_mosaic.version = 14 : i64} {
  func.func @_tc3_body(%arg0: i32, %arg1: memref<2x1000x128xf32, #tpu.memory_space<vmem>>, %arg2: memref<2x1000x128xf32, #tpu.memory_space<vmem>>, %arg3: memref<1000x256xf32, #tpu.memory_space<vmem>>, %arg4: memref<1000x128xf32, #tpu.memory_space<vmem>>, %arg5: memref<256x256xf32, #tpu.memory_space<vmem>>, %arg6: memref<1x256xf32, #tpu.memory_space<vmem>>, %arg7: memref<256x128xf32, #tpu.memory_space<vmem>>, %arg8: memref<1000x128xf32, #tpu.memory_space<vmem>>, %arg9: memref<1000x128xf32, #tpu.memory_space<vmem>>) attributes {dimension_semantics = [#tpu.dimension_semantics<arbitrary>], iteration_bounds = array<i64: 10>, scalar_prefetch = 0 : i64, scratch_operands = 0 : i64, tpu.core_type = #tpu.core_type<tc>, window_params = [{transform_indices = @transform_0, window_bounds = array<i64: 2, 1000, 128>}, {transform_indices = @transform_1, window_bounds = array<i64: 2, 1000, 128>}, {transform_indices = @transform_2, window_bounds = array<i64: 1000, 256>}, {transform_indices = @transform_3, window_bounds = array<i64: 1000, 128>}, {pipeline_mode = #tpu.pipeline_mode<synchronous>, transform_indices = @transform_4, window_bounds = array<i64: 256, 256>}, {pipeline_mode = #tpu.pipeline_mode<synchronous>, transform_indices = @transform_5, window_bounds = array<i64: 1, 256>}, {pipeline_mode = #tpu.pipeline_mode<synchronous>, transform_indices = @transform_6, window_bounds = array<i64: 256, 128>}, {transform_indices = @transform_7, window_bounds = array<i64: 1000, 128>}, {transform_indices = @transform_8, window_bounds = array<i64: 1000, 128>}]} {
    %get3A = arith.constant 0 : index
    %get3A_0 = arith.constant 0 : index
    %get3A_1 = vector.load %arg4[%get3A, %get3A_0] : memref<1000x128xf32, #tpu.memory_space<vmem>>, vector<1000x128xf32>
    %slice3A = vector.extract_strided_slice %get3A_1 {offsets = [0, 0], sizes = [1000, 1], strides = [1, 1]} : vector<1000x128xf32> to vector<1000x1xf32>
    %broadcast_in_dim3A = vector.shape_cast %slice3A : vector<1000x1xf32> to vector<1000x1xf32>
    %broadcast_in_dim3A_2 = vector.broadcast %broadcast_in_dim3A : vector<1000x1xf32> to vector<1000x256xf32>
    %get3A_3 = arith.constant 0 : index
    %get3A_4 = arith.constant 0 : index
    %get3A_5 = arith.constant 0 : index
    %get3A_6 = vector.load %arg1[%get3A_3, %get3A_4, %get3A_5] : memref<2x1000x128xf32, #tpu.memory_space<vmem>>, vector<1x1000x128xf32>
    %get3A_7 = vector.shape_cast %get3A_6 : vector<1x1000x128xf32> to vector<1000x128xf32>
    %get3A_8 = arith.constant 1 : index
    %get3A_9 = arith.constant 0 : index
    %get3A_10 = arith.constant 0 : index
    %get3A_11 = vector.load %arg1[%get3A_8, %get3A_9, %get3A_10] : memref<2x1000x128xf32, #tpu.memory_space<vmem>>, vector<1x1000x128xf32>
    %get3A_12 = vector.shape_cast %get3A_11 : vector<1x1000x128xf32> to vector<1000x128xf32>
    %add3A = arith.addf %get3A_7, %get3A_12 : vector<1000x128xf32>
    %get3A_13 = arith.constant 0 : index
    %get3A_14 = arith.constant 0 : index
    %get3A_15 = arith.constant 0 : index
    %get3A_16 = vector.load %arg2[%get3A_13, %get3A_14, %get3A_15] : memref<2x1000x128xf32, #tpu.memory_space<vmem>>, vector<1x1000x128xf32>
    %get3A_17 = vector.shape_cast %get3A_16 : vector<1x1000x128xf32> to vector<1000x128xf32>
    %get3A_18 = arith.constant 1 : index
    %get3A_19 = arith.constant 0 : index
    %get3A_20 = arith.constant 0 : index
    %get3A_21 = vector.load %arg2[%get3A_18, %get3A_19, %get3A_20] : memref<2x1000x128xf32, #tpu.memory_space<vmem>>, vector<1x1000x128xf32>
    %get3A_22 = vector.shape_cast %get3A_21 : vector<1x1000x128xf32> to vector<1000x128xf32>
    %add3A_23 = arith.addf %get3A_17, %get3A_22 : vector<1000x128xf32>
    %concatenate3A = tpu.concatenate %add3A, %add3A_23 in 1 : vector<1000x128xf32>, vector<1000x128xf32> -> vector<1000x256xf32>
    %mul3A = arith.mulf %broadcast_in_dim3A_2, %concatenate3A : vector<1000x256xf32>
    %mul3A_24 = arith.mulf %broadcast_in_dim3A_2, %broadcast_in_dim3A_2 : vector<1000x256xf32>
    %get3A_25 = arith.constant 0 : index
    %get3A_26 = arith.constant 0 : index
    %get3A_27 = vector.load %arg3[%get3A_25, %get3A_26] : memref<1000x256xf32, #tpu.memory_space<vmem>>, vector<1000x256xf32>
    %mul3A_28 = arith.mulf %mul3A_24, %get3A_27 : vector<1000x256xf32>
    %add3A_29 = arith.addf %mul3A, %mul3A_28 : vector<1000x256xf32>
    %get3A_30 = arith.constant 0 : index
    %get3A_31 = arith.constant 0 : index
    %get3A_32 = vector.load %arg5[%get3A_30, %get3A_31] : memref<256x256xf32, #tpu.memory_space<vmem>>, vector<256x256xf32>
    %dot_general3A = arith.constant dense<0.000000e+00> : vector<1000x256xf32>
    %dot_general3A_33 = tpu.matmul %add3A_29, %get3A_32, %dot_general3A {dimension_numbers = #tpu.dot_dimension_numbers<[1], [0], [0], [1], [0, 0, 1, 1], [], []>, precision = #tpu.contract_precision<fp32>, transpose_lhs_hint = false} : vector<1000x256xf32>, vector<256x256xf32>, vector<1000x256xf32> -> vector<1000x256xf32>
    %get3A_34 = arith.constant 0 : index
    %get3A_35 = arith.constant 0 : index
    %get3A_36 = vector.load %arg6[%get3A_34, %get3A_35] : memref<1x256xf32, #tpu.memory_space<vmem>>, vector<1x256xf32>
    %add3A_37 = vector.broadcast %get3A_36 : vector<1x256xf32> to vector<1000x256xf32>
    %add3A_38 = arith.addf %dot_general3A_33, %add3A_37 : vector<1000x256xf32>
    %max3A = arith.constant 0.000000e+00 : f32
    %max3A_39 = vector.broadcast %max3A : f32 to vector<1000x256xf32>
    %max3A_40 = arith.maximumf %add3A_38, %max3A_39 : vector<1000x256xf32>
    %get3A_41 = arith.constant 0 : index
    %get3A_42 = arith.constant 0 : index
    %get3A_43 = vector.load %arg7[%get3A_41, %get3A_42] : memref<256x128xf32, #tpu.memory_space<vmem>>, vector<256x128xf32>
    %dot_general3A_44 = arith.constant dense<0.000000e+00> : vector<1000x128xf32>
    %dot_general3A_45 = tpu.matmul %max3A_40, %get3A_43, %dot_general3A_44 {dimension_numbers = #tpu.dot_dimension_numbers<[1], [0], [0], [1], [0, 0, 1, 1], [], []>, precision = #tpu.contract_precision<fp32>, transpose_lhs_hint = false} : vector<1000x256xf32>, vector<256x128xf32>, vector<1000x128xf32> -> vector<1000x128xf32>
    %swap3A = arith.constant 0 : index
    %swap3A_46 = arith.constant 0 : index
    %swap3A_47 = vector.load %arg8[%swap3A, %swap3A_46] : memref<1000x128xf32, #tpu.memory_space<vmem>>, vector<1000x128xf32>
    tpu.vector_store %arg8[%swap3A, %swap3A_46], %dot_general3A_45 {strides = array<i32>} : memref<1000x128xf32, #tpu.memory_space<vmem>>, vector<1000x128xf32>,
    %mul3A_48 = arith.mulf %dot_general3A_45, %get3A_1 : vector<1000x128xf32>
    %swap3A_49 = arith.constant 0 : index
    %swap3A_50 = arith.constant 0 : index
    %swap3A_51 = vector.load %arg9[%swap3A_49, %swap3A_50] : memref<1000x128xf32, #tpu.memory_space<vmem>>, vector<1000x128xf32>
    tpu.vector_store %arg9[%swap3A_49, %swap3A_50], %mul3A_48 {strides = array<i32>} : memref<1000x128xf32, #tpu.memory_space<vmem>>, vector<1000x128xf32>,
    return
  }
  func.func @transform_0(%arg0: i32) -> (i32, i32, i32) {
    %c0_i32 = arith.constant 0 : i32
    %c0_i32_0 = arith.constant 0 : i32
    %c0_i32_1 = arith.constant 0 : i32
    return %c0_i32, %arg0, %c0_i32_0 : i32, i32, i32
  }
  func.func @transform_1(%arg0: i32) -> (i32, i32, i32) {
    %c0_i32 = arith.constant 0 : i32
    %c0_i32_0 = arith.constant 0 : i32
    %c0_i32_1 = arith.constant 0 : i32
    return %c0_i32, %arg0, %c0_i32_0 : i32, i32, i32
  }
  func.func @transform_2(%arg0: i32) -> (i32, i32) {
    %c0_i32 = arith.constant 0 : i32
    %c0_i32_0 = arith.constant 0 : i32
    return %arg0, %c0_i32 : i32, i32
  }
  func.func @transform_3(%arg0: i32) -> (i32, i32) {
    %c0_i32 = arith.constant 0 : i32
    %c0_i32_0 = arith.constant 0 : i32
    return %arg0, %c0_i32 : i32, i32
  }
  func.func @transform_4(%arg0: i32) -> (i32, i32) {
    %c0_i32 = arith.constant 0 : i32
    %c0_i32_0 = arith.constant 0 : i32
    %c0_i32_1 = arith.constant 0 : i32
    return %c0_i32, %c0_i32_0 : i32, i32
  }
  func.func @transform_5(%arg0: i32) -> (i32, i32) {
    %c0_i32 = arith.constant 0 : i32
    %c0_i32_0 = arith.constant 0 : i32
    %c0_i32_1 = arith.constant 0 : i32
    return %c0_i32, %c0_i32_0 : i32, i32
  }
  func.func @transform_6(%arg0: i32) -> (i32, i32) {
    %c0_i32 = arith.constant 0 : i32
    %c0_i32_0 = arith.constant 0 : i32
    %c0_i32_1 = arith.constant 0 : i32
    return %c0_i32, %c0_i32_0 : i32, i32
  }
  func.func @transform_7(%arg0: i32) -> (i32, i32) {
    %c0_i32 = arith.constant 0 : i32
    %c0_i32_0 = arith.constant 0 : i32
    return %arg0, %c0_i32 : i32, i32
  }
  func.func @transform_8(%arg0: i32) -> (i32, i32) {
    %c0_i32 = arith.constant 0 : i32
    %c0_i32_0 = arith.constant 0 : i32
    return %arg0, %c0_i32 : i32, i32
  }
}

module attributes {stable_mosaic.version = 14 : i64} {
  func.func @_tc4_body(%arg0: i32, %arg1: memref<2x1000x128xf32, #tpu.memory_space<vmem>>, %arg2: memref<1000x128xf32, #tpu.memory_space<vmem>>, %arg3: memref<1000x128xf32, #tpu.memory_space<vmem>>, %arg4: memref<1x128xf32, #tpu.memory_space<vmem>>, %arg5: memref<1000x128xf32, #tpu.memory_space<vmem>>) attributes {dimension_semantics = [#tpu.dimension_semantics<arbitrary>], iteration_bounds = array<i64: 10>, scalar_prefetch = 0 : i64, scratch_operands = 0 : i64, tpu.core_type = #tpu.core_type<tc>, window_params = [{transform_indices = @transform_0, window_bounds = array<i64: 2, 1000, 128>}, {transform_indices = @transform_1, window_bounds = array<i64: 1000, 128>}, {transform_indices = @transform_2, window_bounds = array<i64: 1000, 128>}, {pipeline_mode = #tpu.pipeline_mode<synchronous>, transform_indices = @transform_3, window_bounds = array<i64: 1, 128>}, {transform_indices = @transform_4, window_bounds = array<i64: 1000, 128>}]} {
    %get3A = arith.constant 0 : index
    %get3A_0 = arith.constant 0 : index
    %get3A_1 = vector.load %arg3[%get3A, %get3A_0] : memref<1000x128xf32, #tpu.memory_space<vmem>>, vector<1000x128xf32>
    %get3A_2 = arith.constant 0 : index
    %get3A_3 = arith.constant 0 : index
    %get3A_4 = arith.constant 0 : index
    %get3A_5 = vector.load %arg1[%get3A_2, %get3A_3, %get3A_4] : memref<2x1000x128xf32, #tpu.memory_space<vmem>>, vector<1x1000x128xf32>
    %get3A_6 = vector.shape_cast %get3A_5 : vector<1x1000x128xf32> to vector<1000x128xf32>
    %get3A_7 = arith.constant 1 : index
    %get3A_8 = arith.constant 0 : index
    %get3A_9 = arith.constant 0 : index
    %get3A_10 = vector.load %arg1[%get3A_7, %get3A_8, %get3A_9] : memref<2x1000x128xf32, #tpu.memory_space<vmem>>, vector<1x1000x128xf32>
    %get3A_11 = vector.shape_cast %get3A_10 : vector<1x1000x128xf32> to vector<1000x128xf32>
    %add3A = arith.addf %get3A_6, %get3A_11 : vector<1000x128xf32>
    %mul3A = arith.mulf %get3A_1, %add3A : vector<1000x128xf32>
    %mul3A_12 = arith.mulf %get3A_1, %get3A_1 : vector<1000x128xf32>
    %get3A_13 = arith.constant 0 : index
    %get3A_14 = arith.constant 0 : index
    %get3A_15 = vector.load %arg2[%get3A_13, %get3A_14] : memref<1000x128xf32, #tpu.memory_space<vmem>>, vector<1000x128xf32>
    %mul3A_16 = arith.mulf %mul3A_12, %get3A_15 : vector<1000x128xf32>
    %add3A_17 = arith.addf %mul3A, %mul3A_16 : vector<1000x128xf32>
    %get3A_18 = arith.constant 0 : index
    %get3A_19 = arith.constant 0 : index
    %get3A_20 = vector.load %arg4[%get3A_18, %get3A_19] : memref<1x128xf32, #tpu.memory_space<vmem>>, vector<1x128xf32>
    %add3A_21 = vector.broadcast %get3A_20 : vector<1x128xf32> to vector<1000x128xf32>
    %add3A_22 = arith.addf %add3A_17, %add3A_21 : vector<1000x128xf32>
    %swap3A = arith.constant 0 : index
    %swap3A_23 = arith.constant 0 : index
    %swap3A_24 = vector.load %arg5[%swap3A, %swap3A_23] : memref<1000x128xf32, #tpu.memory_space<vmem>>, vector<1000x128xf32>
    tpu.vector_store %arg5[%swap3A, %swap3A_23], %add3A_22 {strides = array<i32>} : memref<1000x128xf32, #tpu.memory_space<vmem>>, vector<1000x128xf32>,
    return
  }
  func.func @transform_0(%arg0: i32) -> (i32, i32, i32) {
    %c0_i32 = arith.constant 0 : i32
    %c0_i32_0 = arith.constant 0 : i32
    %c0_i32_1 = arith.constant 0 : i32
    return %c0_i32, %arg0, %c0_i32_0 : i32, i32, i32
  }
  func.func @transform_1(%arg0: i32) -> (i32, i32) {
    %c0_i32 = arith.constant 0 : i32
    %c0_i32_0 = arith.constant 0 : i32
    return %arg0, %c0_i32 : i32, i32
  }
  func.func @transform_2(%arg0: i32) -> (i32, i32) {
    %c0_i32 = arith.constant 0 : i32
    %c0_i32_0 = arith.constant 0 : i32
    return %arg0, %c0_i32 : i32, i32
  }
  func.func @transform_3(%arg0: i32) -> (i32, i32) {
    %c0_i32 = arith.constant 0 : i32
    %c0_i32_0 = arith.constant 0 : i32
    %c0_i32_1 = arith.constant 0 : i32
    return %c0_i32, %c0_i32_0 : i32, i32
  }
  func.func @transform_4(%arg0: i32) -> (i32, i32) {
    %c0_i32 = arith.constant 0 : i32
    %c0_i32_0 = arith.constant 0 : i32
    return %arg0, %c0_i32 : i32, i32
  }
}

</mosaic_0001>

<sc_bundles>
// kernel: kernel.10.cloned.1.call-start
scs
__scs_entry_jumppad:
0x0: {  	(pc) =	sbr.rel $0x88, $3  }
0x1: {  	(tag) =	ssettag $0x0;
	lr =	simm.s32 $0x1  }
0x2: {  	[smem:$0x3F99] =	sst lr;
	_ =	strace $0xD0000000  }
0x3: {  	_ = 	snop  }
0x4: {  	_ = 	snop  }
0x5: {  	_ = 	snop  }
0x6: {  	_ = 	snop  }
0x7: {  	_ = 	snop  }
__scs_overlays_trampoline_lowered:
0x8: {  	[smem:$0x3FA8] =	sst s0  }
0x9: {  	[smem:$0x3FA9] =	sst s1  }
0xa: {  	[smem:$0x3FAA] =	sst s2  }
0xb: {  	[smem:$0x3FAB] =	sst s3  }
0xc: {  	[smem:$0x3FAC] =	sst s4  }
0xd: {  	[smem:$0x3FAD] =	sst s5  }
0xe: {  	[smem:$0x3FAE] =	sst s6  }
0xf: {  	[smem:$0x3FAF] =	sst s7  }
0x10: {  	[smem:$0x3FB0] =	sst s8  }
0x11: {  	[smem:$0x3FB1] =	sst s9;
	s0 =	simm.s32 @!p0 $0x0  }
0x12: {  	s1 =	sld [smem:$0x3F97];
	s0 =	simm.s32 @p0 $0x1  }
0x13: {  	[smem:$0x3FB2] =	sst s0;
	s0 =	simm.s32 @!p1 $0x0  }
0x14: {  	s2 =	sld [smem:$0x3F96];
	s0 =	simm.s32 @p1 $0x1  }
0x15: {  	[smem:$0x3FB3] =	sst s0;
	s0 =	simm.s32 @!p2 $0x0  }
0x16: {  	s3 =	sld [smem:$0x3FDB];
	s0 =	simm.s32 @p2 $0x1  }
0x17: {  	s4 =	simm.s32 $0x1BF5;
	[smem:$0x3FB5] =	sst s0  }
0x18: {  	s0 =	sld [smem:$0x3F98];
	_ =	swait.ge [sflag:s4], $0x0  }
0x19: {  	s7 =	sld [smem:$0x3F99]  }
0x1a: {  	s8 =	sadd.s32 $0xFFFFE003, lr  }
0x1b: {  	s9 =	sadd.s32 $0xFFFFFEF7, lr;
	s5 =	simm.s32 $0xFFFFFFFF;
	p2 =	slt.u32 s8, $0xFFFFF086  }
0x1c: {  	p1 =	slt.u32 s9, $0xF7A;
	s5 =	simm.s32 @!p2 $0x0  }
0x1d: {  	s5 =	simm.s32 @p1 $0x1;
	p0 =	seq.s32 s7, s2  }
0x1e: {  	s7 =	smul.u32 @!p0 $0xF7A, s2;
	p2 =	seq.s32 @!p0 s5, $0x0  }
0x1f: {  	s9 =	smul.u32 $0xF7A, s1;
	s8 =	simm.s32 @!p0 $0x1BF5;
	p2 =	por !p2, p0  }
0x20: {  	[sflag:s8] =	ssyncset.s32 @!p0 $0xFFFFF086;
	s6 =	sadd.s32 @!p0 s3, s7;
	s7 =	simm.s32 @!p0 $0x108  }
0x21: {  	s3 =	sadd.s32 s3, s9;
	s6 =	sadd.s32 @!p0 $0x88, s6;
	s7 =	simm.s32 @p2 $0x1082  }
0x22: {  	[simem:s7], [sflag:s8] =	dma.local @!p0 [hbm:s6], $0xF7A  }
0x23: {  	s9 =	sor.u32 $0xD0000000, s2;
	s6 =	simm.s32 $0x108;
	_ =	swait.ge @!p0 [sflag:s8], $0x0  }
0x24: {  	s3 =	sadd.s32 $0x88, s3;
	s6 =	simm.s32 @!p1 $0x1082;
	[sflag:s4] =	ssyncset.s32 $0xFFFFF086  }
0x25: {  	[simem:s6], [sflag:s4] =	dma.local [hbm:s3], $0xF7A  }
0x26: {  	[smem:$0x3F99] =	sst s1;
	(tag) =	ssettag s2;
	_ =	strace s9  }
0x27: {  	s1 =	sld [smem:$0x3FA9]  }
0x28: {  	s2 =	sld [smem:$0x3FAA]  }
0x29: {  	s4 =	sld [smem:$0x3FAC]  }
0x2a: {  	p0 =	seq.s32 s5, $0x0;
	s5 =	sld [smem:$0x3FAD]  }
0x2b: {  	s6 =	sld [smem:$0x3FAE]  }
0x2c: {  	s7 =	sld [smem:$0x3FAF]  }
0x2d: {  	s3 =	simm.s32 $0x108;
	s8 =	sld [smem:$0x3FB0]  }
0x2e: {  	s3 =	simm.s32 @!p0 $0x1082;
	s9 =	sld [smem:$0x3FB1]  }
0x2f: {  	lr =	sadd.s32 s0, s3;
	s0 =	sld [smem:$0x3FA8]  }
0x30: {  	s3 =	sld [smem:$0x3FAB]  }
0x31: {  	[smem:$0x3FB4] =	sst s10  }
0x32: {  	s10 =	sld [smem:$0x3FB2];
	_ =	sdelay $0x3  }
0x33: {  	p0 =	seq.s32 s10, $0x1;
	s10 =	sld [smem:$0x3FB4];
	_ =	sdelay $0x3  }
0x34: {  	[smem:$0x3FB4] =	sst s10  }
0x35: {  	s10 =	sld [smem:$0x3FB3];
	_ =	sdelay $0x3  }
0x36: {  	p1 =	seq.s32 s10, $0x1;
	s10 =	sld [smem:$0x3FB4];
	_ =	sdelay $0x3  }
0x37: {  	[smem:$0x3FB4] =	sst s10  }
0x38: {  	s10 =	sld [smem:$0x3FB5]  }
0x39: {  	_ = 	snop;
	(pc) =	sbr.ind lr, $3  }
0x3a: {  	_ = 	snop  }
0x3b: {  	_ = 	snop  }
0x3c: {  	p2 =	seq.s32 s10, $0x1;
	s10 =	sld [smem:$0x3FB4]  }
0x3d: {  	_ =	shalt  }
0x3e: {  	_ =	shalt  }
0x3f: {  	_ =	shalt  }
0x40: {  	_ =	shalt  }
0x41: {  	_ =	shalt  }
0x42: {  	_ =	shalt  }
0x43: {  	_ =	shalt  }
0x44: {  	_ =	shalt  }
0x45: {  	_ =	shalt  }
0x46: {  	_ =	shalt  }
0x47: {  	_ =	shalt  }
0x48: {  	_ =	shalt  }
0x49: {  	_ =	shalt  }
0x4a: {  	_ =	shalt  }
0x4b: {  	_ =	shalt  }
0x4c: {  	_ =	shalt  }
0x4d: {  	_ =	shalt  }
0x4e: {  	_ =	shalt  }
0x4f: {  	_ =	shalt  }
0x50: {  	_ =	shalt  }
0x51: {  	_ =	shalt  }
0x52: {  	_ =	shalt  }
0x53: {  	_ =	shalt  }
0x54: {  	_ =	shalt  }
0x55: {  	_ =	shalt  }
0x56: {  	_ =	shalt  }
0x57: {  	_ =	shalt  }
0x58: {  	_ =	shalt  }
0x59: {  	_ =	shalt  }
0x5a: {  	_ =	shalt  }
0x5b: {  	_ =	shalt  }
0x5c: {  	_ =	shalt  }
0x5d: {  	_ =	shalt  }
0x5e: {  	_ =	shalt  }
0x5f: {  	_ =	shalt  }
0x60: {  	_ =	shalt  }
0x61: {  	_ =	shalt  }
0x62: {  	_ =	shalt  }
0x63: {  	_ =	shalt  }
0x64: {  	_ =	shalt  }
0x65: {  	_ =	shalt  }
0x66: {  	_ =	shalt  }
0x67: {  	_ =	shalt  }
0x68: {  	_ =	shalt  }
0x69: {  	_ =	shalt  }
0x6a: {  	_ =	shalt  }
0x6b: {  	_ =	shalt  }
0x6c: {  	_ =	shalt  }
0x6d: {  	_ =	shalt  }
0x6e: {  	_ =	shalt  }
0x6f: {  	_ =	shalt  }
0x70: {  	_ =	shalt  }
0x71: {  	_ =	shalt  }
0x72: {  	_ =	shalt  }
0x73: {  	_ =	shalt  }
0x74: {  	_ =	shalt  }
0x75: {  	_ =	shalt  }
0x76: {  	_ =	shalt  }
0x77: {  	_ =	shalt  }
0x78: {  	_ =	shalt  }
0x79: {  	_ =	shalt  }
0x7a: {  	_ =	shalt  }
0x7b: {  	_ =	shalt  }
0x7c: {  	_ =	shalt  }
0x7d: {  	_ =	shalt  }
0x7e: {  	_ =	shalt  }
0x7f: {  	_ =	shalt  }
0x80: {  	_ =	shalt  }
0x81: {  	_ =	shalt  }
0x82: {  	_ =	shalt  }
0x83: {  	_ =	shalt  }
0x84: {  	_ =	shalt  }
0x85: {  	_ =	shalt  }
0x86: {  	_ =	shalt  }
0x87: {  	_ =	shalt  }
.Lfunc_end0:
.L_simem_size_0:
called_computation_lowered:
.L_overlay_start_0:
0x88: {  	s2 =	sld [smem:$0x3FD9]  }
0x89: {  	s3 =	sld [smem:$0x3FFE];
	_ =	sdelay $0x1  }
0x8a: {  	s1 =	srdreg.scid  }
0x8b: {  	s0 =	sand.u32 $0x1, s1  }
0x8c: {  	s17 =	sshll.u32 s0, $0xA;
	s2 =	sadd.s32 s3, s2  }
0x8d: {  	s2 =	sadd.s32 s2, s17  }
0x8e: {  	[smem:$0x3FC0] =	sst s2  }
0x8f: {  	_ = 	snop  }
0x90: {  	s2 =	sld [smem:$0x3FD0];
	(tm) =	ssettm $0x1  }
0x91: {  	s18 =	sld [smem:$0x3FFB];
	_ =	sdelay $0x3  }
0x92: {  	_ =	strace s18  }
0x93: {  	s3 =	sld [smem:$0x3FFC];
	_ =	sdelay $0x3  }
0x94: {  	_ =	strace s3  }
0x95: {  	s3 =	sld [smem:$0x3FFD];
	_ =	sdelay $0x3  }
0x96: {  	_ =	strace s3  }
0x97: {  	_ =	strace $0x8FFFFFFF  }
0x98: {  	s19 =	sld [smem:$0x3FDB];
	_ =	sdelay $0x1  }
0x99: {  	s4 =	simm.s32 $_scs_section_size  }
0x9a: {  	s5 =	simm.s32 $_size__tile_overlayer_lowered;
	s6 =	simm.s32 $_tile_overlayer_lowered  }
0x9b: {  	s22 =	simm.s32 $0x1BFF;
	s21 =	sshll.u32 s6, $0x1;
	s3 =	sadd.s32 s4, s19  }
0x9c: {  	s7 =	simm.s32 $0x0;
	s20 =	sshll.u32 s5, $0x1;
	s5 =	sadd.s32 s21, s3  }
0x9d: {  	[timem:s7], [sflag:s22] =	dma.local [hbm:s5], s20  }
0x9e: {  	_ =	swait.ge [sflag:s22], s20  }
0x9f: {  	s4 =	ssub.s32 $0x0, s20;
	[sflag:s22] =	ssyncset.done $0x0  }
0xa0: {  	[sflag:s22] =	ssyncadd.s32 s4;
	_ =	sdelay $0x1  }
0xa1: {  	s23 =	simm.s32 $0x1B8B  }
0xa2: {  	_ =	swait.ge [sflag:s23], $0x1  }
0xa3: {  	[sflag:s23] =	ssyncset.done $0x0  }
0xa4: {  	s25 =	simm.s32 $0x1B8E;
	s24 =	sld [smem:$0x3FFE];
	[sflag:s23] =	ssyncadd.s32 $0xFFFFFFFF  }
0xa5: {  	s26 =	simm.s32 $execute0_lowered;
	[smem:$0x3FD2] =	sst s25  }
0xa6: {  	s5 =	sshll.u32 s26, $0x1;
	_ =	strace $0x80000046;
	[dreg:$0x1] =	wrdreg $0xFFFFFFFF  }
0xa7: {  	s28 =	simm.s32 $_size_execute0_lowered;
	s3 =	sadd.s32 s3, s5;
	[dreg:$0x0] =	wrdreg $0x0  }
0xa8: {  	s5 =	sshll.u32 s28, $0x1;
	[dreg:$0x2] =	wrdreg s3  }
0xa9: {  	[dreg:$0x3] =	wrdreg s5  }
0xaa: {  	[dreg:$0x4] =	wrdreg $0xC0  }
0xab: {  	_ =	task [dreg:s7], $0x5FFFF  }
0xac: {  	[dreg:$0x1] =	wrdreg $0xFFFFFFFF  }
0xad: {  	[dreg:$0x0] =	wrdreg $0x60  }
0xae: {  	[dreg:$0x2] =	wrdreg s24  }
0xaf: {  	[dreg:$0x3] =	wrdreg s2  }
0xb0: {  	[dreg:$0x4] =	wrdreg $0x68000  }
0xb1: {  	[dreg:$0x5] =	wrdreg $0x9  }
0xb2: {  	_ =	task.clear_ibuf [dreg:s7], $0x6FFFF;
	_ =	strace $0x90000046  }
0xb3: {  	s29 =	simm.s32 $0x9;
	_ =	strace $0x80000048  }
0xb4: {  	_ =	swait.ge [sflag:s29], $0x1  }
0xb5: {  	[sflag:s29] =	ssyncadd.s32 $0xFFFFFFFF  }
0xb6: {  	_ =	strace $0x90000048  }
0xb7: {  	_ =	sfence  }
0xb8: {  	s30 =	sld [smem:$0x0];
	_ =	sdelay $0x2  }
0xb9: {  	s31 =	sshll.u32 s1, $0xD;
	s1 =	sshrl.u32 s1, $0x2  }
0xba: {  	s3 =	sand.u32 $0x4000, s31;
	s1 =	sadd.s32 s1, s30  }
0xbb: {  	s0 =	sor.u32 s3, s0;
	s1 =	sshll.u32 s1, $0x11  }
0xbc: {  	s0 =	sor.u32 s1, s0  }
0xbd: {  	s0 =	sadd.s32 $0x8F2B, s0  }
0xbe: {  	[sflag:s0] =	ssyncadd.remote.s32 $0x1  }
0xbf: {  	_ =	sfence.sel $0xFFFF  }
0xc0: {  	[dreg:$0x0] =	wrdreg $0xFFFFFFFF;
	(pc) =	sbr.abs _section_cstart, $3  }
0xc1: {  	[dreg:$0x1] =	wrdreg $0xFFFFFFFF  }
0xc2: {  	_ =	task.clear_ibuf [dreg:s7], $0x2FFFF;
	_ =	strace $0x9FFFFFFF  }
0xc3: {  	(tm) =	ssettm $0x7FFFFFFF  }
tec
execute0_lowered:
.L_overlay_start_1:
0x0: {  	(tag) =	ssettag $0x1  }
0x1: {  	s6 =	rddreg [dreg:$0x0]  }
0x2: {  	s1 =	srdreg.scid;
	s2 =	rddreg [dreg:$0x1]  }
0x3: {  	s0 =	stileid.u32;
	s3 =	rddreg [dreg:$0x2];
	s4 =	simm.s32 $0x0  }
0x4: {  	s13 =	simm.s32 $0x80;
	s14 =	simm.s32 $0x0;
	s9 =	smul.u32 $0x13C00, s0  }
0x5: {  	s7 =	sand.u32 $0x1, s1;
	s28 =	sshll.u32 s0, $0x1;
	s29 =	smul.u32 $0x4F000, s0  }
0x6: {  	[smem:$0x7FF] =	sst s4;
	s1 =	sor.u32 s7, s28;
	s8 =	smul.u32 $0x13C000, s7  }
0x7: {  	s31 =	sshll.u32 s0, $0x6;
	s7 =	ssub.s32 $0x2, s7;
	s5 =	smul.u32 $0x500, s1  }
0x8: {  	s1 =	rddreg [dreg:$0x3];
	_ =	strace $0x80000047;
	s30 =	sshrl.u32 s7, $0x1  }
0x9: {  	s8 =	sadd.s32 s9, s8;
	s9 =	sshrl.u32 s29, $0x2;
	s11 =	ssub.s32 s7, s30  }
0xa: {  	s10 =	sadd.s32 s5, s6;
	s5 =	sadd.s32 $0x17200, s6;
	s8 =	sshrl.u32 s8, $0x3  }
0xb: {  	s12 =	sadd.s32 s9, s3;
	s9 =	smax.u32 s11, $0x1;
	s11 =	simm.s32 $0x1  }
0xc: {  	s8 =	sadd.s32 s8, s6;
	s6 =	sor.u32 $0x1C01, s31;
	s7 =	sadd.s32 $0x3200, s10  }
0xd: {  	s10 =	sshrl.u32 s12, $0x3;
	s12 =	simm.s32 $0x2800;
	s8 =	sadd.s32 $0x19A00, s8  }
.LBB2_1:
0xe: {  	[spmem:s10], [sflag:s6] =	dma.local [hbm:s5], $0x2780  }
0xf: {  	_ =	swait.ge [sflag:s11], $0x2780  }
0x10: {  	[sflag:s11] =	ssyncset.done $0x0  }
0x11: {  	[sflag:s11] =	ssyncadd.s32 $0xFFFFD880  }
0x12: {  	[tilespmem:s12], [sflag:$0x1] =	stream.linear.gather [hbm4b:s2+s4], $0x4000, $0x38;
	[tilespmem:$0x1A400] =	vst v63  }
0x13: {  	_ =	swait.ge [sflag:s11], $0x4000  }
0x14: {  	[sflag:s11] =	ssyncset.done $0x0  }
0x15: {  	[sflag:s11] =	ssyncadd.s32 $0xFFFFC000  }
0x16: {  	[tilespmem:s4], [sflag:$0x1] =	stream.linear.gather [hbm4b:s7+s4], $0x2800, $0x38;
	[tilespmem:$0x1A400] =	vst v63  }
0x17: {  	_ =	swait.ge [sflag:s11], $0x2800  }
0x18: {  	[sflag:s11] =	ssyncset.done $0x0  }
0x19: {  	[sflag:s11] =	ssyncadd.s32 $0xFFFFD800  }
0x1a: {  	s15 =	simm.s32 $0x0;
	[bflag:$0x0] =	sbarrier.arrive $0xFFFF  }
0x1b: {  	[spmem:s3] =	stream.indirect.scatter.add.f32 [tilespmem:s12], [sflag:$0x1], $0x80, s15, s13, $0xb8;
	[tilespmem:$0x1A400] =	vst v63  }
0x1c: {  	_ =	swait.ge [sflag:s11], $0x4000  }
0x1d: {  	s15 =	simm.s32 $0x200;
	[sflag:s11] =	ssyncset.done $0x0  }
.LBB2_2:
0x1e: {  	s16 =	sshra.s32 s15, $0x2;
	[sflag:s11] =	ssyncadd.s32 $0xFFFFC000;
	p0 =	sne.s32 s15, $0x9E00  }
0x1f: {  	[spmem:s3] =	stream.indirect.scatter.add.f32 [tilespmem:s12], [sflag:$0x1], $0x80, s16, s13, $0xb8;
	[tilespmem:$0x1A400] =	vst v63  }
.Ltmp0:
0x20: {  	_ = 	snop;
	(pc) =	sbr.rel @p0 .LBB2_2-.Ltmp0, $4  }
0x21: {  	_ = 	snop  }
0x22: {  	s15 =	sadd.s32 $0x200, s15  }
0x23: {  	_ =	swait.ge [sflag:s11], $0x4000  }
0x24: {  	[sflag:s11] =	ssyncset.done $0x0  }
0x25: {  	s14 =	sadd.s32 $0x1, s14  }
0x26: {  	[sflag:s11] =	ssyncadd.s32 $0xFFFFC000;
	p0 =	sne.s32 s14, s9  }
.Ltmp1:
0x27: {  	[bflag:$0x0] =	sbarrier.arrive $0xFFFF;
	(pc) =	sbr.rel @p0 .LBB2_1-.Ltmp1, $4  }
0x28: {  	[hbm:s8], [sflag:s6] =	dma.local [spmem:s10], $0x2780  }
0x29: {  	_ =	swait.ge [sflag:s11], $0x2780  }
0x2a: {  	[sflag:s11] =	ssyncset.done $0x0  }
0x2b: {  	[sflag:s11] =	ssyncadd.s32 $0xFFFFD880  }
0x2c: {  	_ =	sfence.sel $0x180000  }
0x2d: {  	[bflag:$0x0] =	sbarrier.arrive $0xFFFF  }
0x2e: {  	p0 =	sne.s32 s0, $0x0;
	_ =	strace $0x90000047  }
0x2f: {  	s0 =	sadd.s32 @!p0 $0x100000, s1;
	[bflag:$0x2] =	sbarrier.arrive $0xFFFF  }
0x30: {  	[sflag:s0] =	ssyncadd.tile.s32 @!p0 $0x1;
	_ =	shalt  }
.Lfunc_end2:
_tile_overlayer_lowered:
.L_overlay_start_2:
0x31: {  	(tag) =	ssettag $0x2  }
0x32: {  	s0 =	rddreg [dreg:$0x0];
	s2 =	stileid.u32  }
0x33: {  	s1 =	rddreg [dreg:$0x1];
	p0 =	sne.s32 s2, $0x0  }
0x34: {  	s3 =	rddreg [dreg:$0x2];
	[bflag:$0x3] =	sbarrier.arrive $0xFFFF;
	s2 =	simm.s32 @!p0 $0x1C01  }
0x35: {  	[timem:s3], [sflag:s2] =	dma.local @!p0 [hbm:s0], s1  }
0x36: {  	s0 =	simm.s32 @!p0 $0x1  }
0x37: {  	_ =	swait.ge @!p0 [sflag:s0], s1  }
0x38: {  	s1 =	ssub.s32 @!p0 $0x0, s1;
	[sflag:s0] =	ssyncset.done @!p0 $0x0  }
0x39: {  	[sflag:s0] =	ssyncadd.s32 @!p0 s1  }
0x3a: {  	[bflag:$0x3] =	sbarrier.arrive $0xFFFF  }
0x3b: {  	_ =	shalt  }

// kernel: kernel.13.cloned.1.call-start
scs
__scs_entry_jumppad:
0x0: {  	(pc) =	sbr.rel $0x88, $3  }
0x1: {  	(tag) =	ssettag $0x0;
	lr =	simm.s32 $0x1  }
0x2: {  	[smem:$0x3F99] =	sst lr;
	_ =	strace $0xD0000000  }
0x3: {  	_ = 	snop  }
0x4: {  	_ = 	snop  }
0x5: {  	_ = 	snop  }
0x6: {  	_ = 	snop  }
0x7: {  	_ = 	snop  }
__scs_overlays_trampoline_lowered:
0x8: {  	[smem:$0x3FA8] =	sst s0  }
0x9: {  	[smem:$0x3FA9] =	sst s1  }
0xa: {  	[smem:$0x3FAA] =	sst s2  }
0xb: {  	[smem:$0x3FAB] =	sst s3  }
0xc: {  	[smem:$0x3FAC] =	sst s4  }
0xd: {  	[smem:$0x3FAD] =	sst s5  }
0xe: {  	[smem:$0x3FAE] =	sst s6  }
0xf: {  	[smem:$0x3FAF] =	sst s7  }
0x10: {  	[smem:$0x3FB0] =	sst s8  }
0x11: {  	[smem:$0x3FB1] =	sst s9;
	s0 =	simm.s32 @!p0 $0x0  }
0x12: {  	s1 =	sld [smem:$0x3F97];
	s0 =	simm.s32 @p0 $0x1  }
0x13: {  	[smem:$0x3FB2] =	sst s0;
	s0 =	simm.s32 @!p1 $0x0  }
0x14: {  	s2 =	sld [smem:$0x3F96];
	s0 =	simm.s32 @p1 $0x1  }
0x15: {  	[smem:$0x3FB3] =	sst s0;
	s0 =	simm.s32 @!p2 $0x0  }
0x16: {  	s3 =	sld [smem:$0x3FDB];
	s0 =	simm.s32 @p2 $0x1  }
0x17: {  	s4 =	simm.s32 $0x1BF5;
	[smem:$0x3FB5] =	sst s0  }
0x18: {  	s0 =	sld [smem:$0x3F98];
	_ =	swait.ge [sflag:s4], $0x0  }
0x19: {  	s7 =	sld [smem:$0x3F99]  }
0x1a: {  	s8 =	sadd.s32 $0xFFFFE003, lr  }
0x1b: {  	s9 =	sadd.s32 $0xFFFFFEF7, lr;
	s5 =	simm.s32 $0xFFFFFFFF;
	p2 =	slt.u32 s8, $0xFFFFF086  }
0x1c: {  	p1 =	slt.u32 s9, $0xF7A;
	s5 =	simm.s32 @!p2 $0x0  }
0x1d: {  	s5 =	simm.s32 @p1 $0x1;
	p0 =	seq.s32 s7, s2  }
0x1e: {  	s7 =	smul.u32 @!p0 $0xF7A, s2;
	p2 =	seq.s32 @!p0 s5, $0x0  }
0x1f: {  	s9 =	smul.u32 $0xF7A, s1;
	s8 =	simm.s32 @!p0 $0x1BF5;
	p2 =	por !p2, p0  }
0x20: {  	[sflag:s8] =	ssyncset.s32 @!p0 $0xFFFFF086;
	s6 =	sadd.s32 @!p0 s3, s7;
	s7 =	simm.s32 @!p0 $0x108  }
0x21: {  	s3 =	sadd.s32 s3, s9;
	s6 =	sadd.s32 @!p0 $0x88, s6;
	s7 =	simm.s32 @p2 $0x1082  }
0x22: {  	[simem:s7], [sflag:s8] =	dma.local @!p0 [hbm:s6], $0xF7A  }
0x23: {  	s9 =	sor.u32 $0xD0000000, s2;
	s6 =	simm.s32 $0x108;
	_ =	swait.ge @!p0 [sflag:s8], $0x0  }
0x24: {  	s3 =	sadd.s32 $0x88, s3;
	s6 =	simm.s32 @!p1 $0x1082;
	[sflag:s4] =	ssyncset.s32 $0xFFFFF086  }
0x25: {  	[simem:s6], [sflag:s4] =	dma.local [hbm:s3], $0xF7A  }
0x26: {  	[smem:$0x3F99] =	sst s1;
	(tag) =	ssettag s2;
	_ =	strace s9  }
0x27: {  	s1 =	sld [smem:$0x3FA9]  }
0x28: {  	s2 =	sld [smem:$0x3FAA]  }
0x29: {  	s4 =	sld [smem:$0x3FAC]  }
0x2a: {  	p0 =	seq.s32 s5, $0x0;
	s5 =	sld [smem:$0x3FAD]  }
0x2b: {  	s6 =	sld [smem:$0x3FAE]  }
0x2c: {  	s7 =	sld [smem:$0x3FAF]  }
0x2d: {  	s3 =	simm.s32 $0x108;
	s8 =	sld [smem:$0x3FB0]  }
0x2e: {  	s3 =	simm.s32 @!p0 $0x1082;
	s9 =	sld [smem:$0x3FB1]  }
0x2f: {  	lr =	sadd.s32 s0, s3;
	s0 =	sld [smem:$0x3FA8]  }
0x30: {  	s3 =	sld [smem:$0x3FAB]  }
0x31: {  	[smem:$0x3FB4] =	sst s10  }
0x32: {  	s10 =	sld [smem:$0x3FB2];
	_ =	sdelay $0x3  }
0x33: {  	p0 =	seq.s32 s10, $0x1;
	s10 =	sld [smem:$0x3FB4];
	_ =	sdelay $0x3  }
0x34: {  	[smem:$0x3FB4] =	sst s10  }
0x35: {  	s10 =	sld [smem:$0x3FB3];
	_ =	sdelay $0x3  }
0x36: {  	p1 =	seq.s32 s10, $0x1;
	s10 =	sld [smem:$0x3FB4];
	_ =	sdelay $0x3  }
0x37: {  	[smem:$0x3FB4] =	sst s10  }
0x38: {  	s10 =	sld [smem:$0x3FB5]  }
0x39: {  	_ = 	snop;
	(pc) =	sbr.ind lr, $3  }
0x3a: {  	_ = 	snop  }
0x3b: {  	_ = 	snop  }
0x3c: {  	p2 =	seq.s32 s10, $0x1;
	s10 =	sld [smem:$0x3FB4]  }
0x3d: {  	_ =	shalt  }
0x3e: {  	_ =	shalt  }
0x3f: {  	_ =	shalt  }
0x40: {  	_ =	shalt  }
0x41: {  	_ =	shalt  }
0x42: {  	_ =	shalt  }
0x43: {  	_ =	shalt  }
0x44: {  	_ =	shalt  }
0x45: {  	_ =	shalt  }
0x46: {  	_ =	shalt  }
0x47: {  	_ =	shalt  }
0x48: {  	_ =	shalt  }
0x49: {  	_ =	shalt  }
0x4a: {  	_ =	shalt  }
0x4b: {  	_ =	shalt  }
0x4c: {  	_ =	shalt  }
0x4d: {  	_ =	shalt  }
0x4e: {  	_ =	shalt  }
0x4f: {  	_ =	shalt  }
0x50: {  	_ =	shalt  }
0x51: {  	_ =	shalt  }
0x52: {  	_ =	shalt  }
0x53: {  	_ =	shalt  }
0x54: {  	_ =	shalt  }
0x55: {  	_ =	shalt  }
0x56: {  	_ =	shalt  }
0x57: {  	_ =	shalt  }
0x58: {  	_ =	shalt  }
0x59: {  	_ =	shalt  }
0x5a: {  	_ =	shalt  }
0x5b: {  	_ =	shalt  }
0x5c: {  	_ =	shalt  }
0x5d: {  	_ =	shalt  }
0x5e: {  	_ =	shalt  }
0x5f: {  	_ =	shalt  }
0x60: {  	_ =	shalt  }
0x61: {  	_ =	shalt  }
0x62: {  	_ =	shalt  }
0x63: {  	_ =	shalt  }
0x64: {  	_ =	shalt  }
0x65: {  	_ =	shalt  }
0x66: {  	_ =	shalt  }
0x67: {  	_ =	shalt  }
0x68: {  	_ =	shalt  }
0x69: {  	_ =	shalt  }
0x6a: {  	_ =	shalt  }
0x6b: {  	_ =	shalt  }
0x6c: {  	_ =	shalt  }
0x6d: {  	_ =	shalt  }
0x6e: {  	_ =	shalt  }
0x6f: {  	_ =	shalt  }
0x70: {  	_ =	shalt  }
0x71: {  	_ =	shalt  }
0x72: {  	_ =	shalt  }
0x73: {  	_ =	shalt  }
0x74: {  	_ =	shalt  }
0x75: {  	_ =	shalt  }
0x76: {  	_ =	shalt  }
0x77: {  	_ =	shalt  }
0x78: {  	_ =	shalt  }
0x79: {  	_ =	shalt  }
0x7a: {  	_ =	shalt  }
0x7b: {  	_ =	shalt  }
0x7c: {  	_ =	shalt  }
0x7d: {  	_ =	shalt  }
0x7e: {  	_ =	shalt  }
0x7f: {  	_ =	shalt  }
0x80: {  	_ =	shalt  }
0x81: {  	_ =	shalt  }
0x82: {  	_ =	shalt  }
0x83: {  	_ =	shalt  }
0x84: {  	_ =	shalt  }
0x85: {  	_ =	shalt  }
0x86: {  	_ =	shalt  }
0x87: {  	_ =	shalt  }
.Lfunc_end0:
.L_simem_size_0:
called_computation.1_lowered:
.L_overlay_start_0:
0x88: {  	s2 =	sld [smem:$0x3FD9]  }
0x89: {  	s3 =	sld [smem:$0x3FFE];
	_ =	sdelay $0x1  }
0x8a: {  	s1 =	srdreg.scid  }
0x8b: {  	s0 =	sand.u32 $0x1, s1  }
0x8c: {  	s17 =	sshll.u32 s0, $0xA;
	s2 =	sadd.s32 s3, s2  }
0x8d: {  	s2 =	sadd.s32 s2, s17  }
0x8e: {  	[smem:$0x3FC0] =	sst s2  }
0x8f: {  	_ = 	snop  }
0x90: {  	s2 =	sld [smem:$0x3FD0];
	(tm) =	ssettm $0x1  }
0x91: {  	s18 =	sld [smem:$0x3FFB];
	_ =	sdelay $0x3  }
0x92: {  	_ =	strace s18  }
0x93: {  	s3 =	sld [smem:$0x3FFC];
	_ =	sdelay $0x3  }
0x94: {  	_ =	strace s3  }
0x95: {  	s3 =	sld [smem:$0x3FFD];
	_ =	sdelay $0x3  }
0x96: {  	_ =	strace s3  }
0x97: {  	_ =	strace $0x8FFFFFFF  }
0x98: {  	s19 =	sld [smem:$0x3FDB];
	_ =	sdelay $0x1  }
0x99: {  	s4 =	simm.s32 $_scs_section_size  }
0x9a: {  	s5 =	simm.s32 $_size__tile_overlayer_lowered;
	s6 =	simm.s32 $_tile_overlayer_lowered  }
0x9b: {  	s22 =	simm.s32 $0x1BFF;
	s21 =	sshll.u32 s6, $0x1;
	s3 =	sadd.s32 s4, s19  }
0x9c: {  	s7 =	simm.s32 $0x0;
	s20 =	sshll.u32 s5, $0x1;
	s5 =	sadd.s32 s21, s3  }
0x9d: {  	[timem:s7], [sflag:s22] =	dma.local [hbm:s5], s20  }
0x9e: {  	_ =	swait.ge [sflag:s22], s20  }
0x9f: {  	s4 =	ssub.s32 $0x0, s20;
	[sflag:s22] =	ssyncset.done $0x0  }
0xa0: {  	[sflag:s22] =	ssyncadd.s32 s4;
	_ =	sdelay $0x1  }
0xa1: {  	s23 =	simm.s32 $0x1B8B  }
0xa2: {  	_ =	swait.ge [sflag:s23], $0x1  }
0xa3: {  	[sflag:s23] =	ssyncset.done $0x0  }
0xa4: {  	s25 =	simm.s32 $0x1B8E;
	s24 =	sld [smem:$0x3FFE];
	[sflag:s23] =	ssyncadd.s32 $0xFFFFFFFF  }
0xa5: {  	s26 =	simm.s32 $execute0_lowered;
	[smem:$0x3FD2] =	sst s25  }
0xa6: {  	s5 =	sshll.u32 s26, $0x1;
	_ =	strace $0x80000049;
	[dreg:$0x1] =	wrdreg $0xFFFFFFFF  }
0xa7: {  	s28 =	simm.s32 $_size_execute0_lowered;
	s3 =	sadd.s32 s3, s5;
	[dreg:$0x0] =	wrdreg $0x0  }
0xa8: {  	s5 =	sshll.u32 s28, $0x1;
	[dreg:$0x2] =	wrdreg s3  }
0xa9: {  	[dreg:$0x3] =	wrdreg s5  }
0xaa: {  	[dreg:$0x4] =	wrdreg $0xC0  }
0xab: {  	_ =	task [dreg:s7], $0x5FFFF  }
0xac: {  	[dreg:$0x1] =	wrdreg $0xFFFFFFFF  }
0xad: {  	[dreg:$0x0] =	wrdreg $0x60  }
0xae: {  	[dreg:$0x2] =	wrdreg s2  }
0xaf: {  	[dreg:$0x3] =	wrdreg s24  }
0xb0: {  	[dreg:$0x4] =	wrdreg $0xA9000  }
0xb1: {  	[dreg:$0x5] =	wrdreg $0x9  }
0xb2: {  	_ =	task.clear_ibuf [dreg:s7], $0x6FFFF;
	_ =	strace $0x90000049  }
0xb3: {  	s29 =	simm.s32 $0x9;
	_ =	strace $0x8000004B  }
0xb4: {  	_ =	swait.ge [sflag:s29], $0x1  }
0xb5: {  	[sflag:s29] =	ssyncadd.s32 $0xFFFFFFFF  }
0xb6: {  	_ =	strace $0x9000004B  }
0xb7: {  	_ =	sfence  }
0xb8: {  	s30 =	sld [smem:$0x0];
	_ =	sdelay $0x2  }
0xb9: {  	s31 =	sshll.u32 s1, $0xD;
	s1 =	sshrl.u32 s1, $0x2  }
0xba: {  	s3 =	sand.u32 $0x4000, s31;
	s1 =	sadd.s32 s1, s30  }
0xbb: {  	s0 =	sor.u32 s3, s0;
	s1 =	sshll.u32 s1, $0x11  }
0xbc: {  	s0 =	sor.u32 s1, s0  }
0xbd: {  	s0 =	sadd.s32 $0x8F2B, s0  }
0xbe: {  	[sflag:s0] =	ssyncadd.remote.s32 $0x1  }
0xbf: {  	_ =	sfence.sel $0xFFFF  }
0xc0: {  	[dreg:$0x0] =	wrdreg $0xFFFFFFFF;
	(pc) =	sbr.abs _section_cstart, $3  }
0xc1: {  	[dreg:$0x1] =	wrdreg $0xFFFFFFFF  }
0xc2: {  	_ =	task.clear_ibuf [dreg:s7], $0x2FFFF;
	_ =	strace $0x9FFFFFFF  }
0xc3: {  	(tm) =	ssettm $0x7FFFFFFF  }
tec
execute0_lowered:
.L_overlay_start_1:
0x0: {  	(tag) =	ssettag $0x1  }
0x1: {  	s1 =	rddreg [dreg:$0x0]  }
0x2: {  	s6 =	rddreg [dreg:$0x1]  }
0x3: {  	s3 =	rddreg [dreg:$0x2]  }
0x4: {  	s0 =	rddreg [dreg:$0x3]  }
0x5: {  	s5 =	srdreg.scid;
	s2 =	stileid.u32;
	s4 =	simm.s32 $0x0  }
0x6: {  	s14 =	simm.s32 $0x5;
	s15 =	simm.s32 $0x2800;
	s16 =	simm.s32 $0x2880  }
0x7: {  	s17 =	simm.s32 $0x1;
	s18 =	simm.s32 $0x80;
	s19 =	simm.s32 $0x2900  }
0x8: {  	s20 =	simm.s32 $0x2;
	s21 =	simm.s32 $0x6900;
	s22 =	simm.s32 $0x3  }
0x9: {  	s23 =	simm.s32 $0x4;
	s7 =	sand.u32 $0x1, s5;
	s5 =	smul.u32 $0x500, s2  }
0xa: {  	s24 =	simm.s32 $0x2700;
	s25 =	simm.s32 $0x2780;
	s10 =	smul.u32 $0x13C00, s2  }
0xb: {  	[smem:$0x7FF] =	sst s4;
	s26 =	smul.u32 $0x4F000, s2;
	s31 =	sshll.u32 s2, $0x6  }
0xc: {  	s8 =	smul.u32 $0x13C000, s7;
	p0 =	seq.s32 s7, $0x0;
	s7 =	ssub.s32 $0x2, s7  }
0xd: {  	_ =	strace $0x8000004A;
	s9 =	sadd.s32 $0x5000, s5;
	s29 =	sshrl.u32 s7, $0x1  }
0xe: {  	s30 =	sshrl.u32 s26, $0x2;
	s26 =	simm.s32 $0x0;
	s5 =	smov.u32 @p0 s9  }
0xf: {  	s8 =	sadd.s32 s10, s8;
	s11 =	ssub.s32 s7, s29;
	s13 =	sadd.s32 s30, s3  }
0x10: {  	s12 =	sadd.s32 s5, s6;
	s5 =	sadd.s32 $0x17200, s6;
	s8 =	sshrl.u32 s8, $0x3  }
0x11: {  	s11 =	smax.u32 s11, $0x1;
	s13 =	sshrl.u32 s13, $0x3;
	s28 =	sadd.s32 s8, s6  }
0x12: {  	s6 =	sor.u32 $0x1C05, s31;
	s7 =	sadd.s32 $0x3200, s12;
	s8 =	sadd.s32 $0xD200, s12  }
0x13: {  	s9 =	sadd.s32 $0xD210, s12;
	s12 =	sadd.s32 $0xD230, s12;
	s10 =	sadd.s32 $0x19A00, s28  }
.LBB2_1:
0x14: {  	[spmem:s13], [sflag:s6] =	dma.local [hbm:s5], $0x2780  }
0x15: {  	_ =	swait.ge [sflag:s14], $0x2780  }
0x16: {  	[sflag:s14] =	ssyncset.done $0x0  }
0x17: {  	[sflag:s14] =	ssyncadd.s32 $0xFFFFD880  }
0x18: {  	[tilespmem:s4], [sflag:$0x5] =	stream.linear.gather [hbm4b:s7+s4], $0x2800, $0x38;
	[tilespmem:$0x1E500] =	vst v63  }
0x19: {  	_ =	swait.ge [sflag:s14], $0x2800  }
0x1a: {  	[sflag:s14] =	ssyncset.done $0x0  }
0x1b: {  	[sflag:s14] =	ssyncadd.s32 $0xFFFFD800  }
0x1c: {  	[bflag:$0x0] =	sbarrier.arrive $0xFFFF  }
0x1d: {  	[tilespmem:s15], [sflag:$0x1] =	stream.linear.gather [hbm4b:s8+s4], $0x80, $0x38;
	[tilespmem:$0x1E500] =	vst v63  }
0x1e: {  	_ = 	snop  }
0x1f: {  	[tilespmem:s16], [sflag:$0x2] =	stream.linear.gather [hbm4b:s9+s4], $0x80, $0x38;
	[tilespmem:$0x1E500] =	vst v63  }
0x20: {  	_ =	swait.ge [sflag:s17], $0x80  }
0x21: {  	[sflag:s17] =	ssyncset.done $0x0  }
0x22: {  	[sflag:s17] =	ssyncadd.s32 $0xFFFFFF80  }
0x23: {  	[tilespmem:s19], [sflag:$0x3] =	stream.indirect.gather [hbm4b:s1+s18], $0x80, s15, s18, $0xb8;
	[tilespmem:$0x1E500] =	vst v63  }
0x24: {  	_ =	swait.ge [sflag:s20], $0x80  }
0x25: {  	[sflag:s20] =	ssyncset.done $0x0  }
0x26: {  	[sflag:s20] =	ssyncadd.s32 $0xFFFFFF80  }
0x27: {  	[tilespmem:s21], [sflag:$0x4] =	stream.indirect.gather [hbm4b:s1+s18], $0x80, s16, s18, $0xb8;
	[tilespmem:$0x1E500] =	vst v63  }
0x28: {  	_ =	swait.ge [sflag:s22], $0x4000  }
0x29: {  	[sflag:s22] =	ssyncset.done $0x0  }
0x2a: {  	s28 =	sadd.s32 $0xFFFFFFF0, s12;
	[sflag:s22] =	ssyncadd.s32 $0xFFFFC000  }
0x2b: {  	[tilespmem:s15], [sflag:$0x1] =	stream.linear.gather [hbm4b:s28+s4], $0x80, $0x38;
	[tilespmem:$0x1E500] =	vst v63  }
0x2c: {  	s28 =	simm.s32 $0x0  }
0x2d: {  	[spmem:s3] =	stream.indirect.scatter.add.f32 [tilespmem:s19], [sflag:$0x5], $0x80, s28, s18, $0xb8;
	[tilespmem:$0x1E500] =	vst v63  }
0x2e: {  	_ =	swait.ge [sflag:s14], $0x4000  }
0x2f: {  	[sflag:s14] =	ssyncset.done $0x0  }
0x30: {  	[sflag:s14] =	ssyncadd.s32 $0xFFFFC000  }
0x31: {  	_ =	swait.ge [sflag:s17], $0x80  }
0x32: {  	[sflag:s17] =	ssyncset.done $0x0  }
0x33: {  	[sflag:s17] =	ssyncadd.s32 $0xFFFFFF80  }
0x34: {  	[tilespmem:s19], [sflag:$0x3] =	stream.indirect.gather [hbm4b:s1+s18], $0x80, s15, s18, $0xb8;
	[tilespmem:$0x1E500] =	vst v63  }
0x35: {  	_ =	swait.ge [sflag:s23], $0x4000  }
0x36: {  	[sflag:s23] =	ssyncset.done $0x0  }
0x37: {  	[sflag:s23] =	ssyncadd.s32 $0xFFFFC000  }
0x38: {  	[tilespmem:s16], [sflag:$0x2] =	stream.linear.gather [hbm4b:s12+s4], $0x80, $0x38;
	[tilespmem:$0x1E500] =	vst v63  }
0x39: {  	s28 =	simm.s32 $0x80  }
0x3a: {  	[spmem:s3] =	stream.indirect.scatter.add.f32 [tilespmem:s21], [sflag:$0x5], $0x80, s28, s18, $0xb8;
	[tilespmem:$0x1E500] =	vst v63  }
0x3b: {  	_ =	swait.ge [sflag:s14], $0x4000  }
0x3c: {  	[sflag:s14] =	ssyncset.done $0x0  }
0x3d: {  	[sflag:s14] =	ssyncadd.s32 $0xFFFFC000  }
0x3e: {  	_ =	swait.ge [sflag:s20], $0x80  }
0x3f: {  	[sflag:s20] =	ssyncset.done $0x0  }
0x40: {  	s29 =	sadd.s32 $0x20, s12;
	s28 =	simm.s32 $0x400;
	[sflag:s20] =	ssyncadd.s32 $0xFFFFFF80  }
.LBB2_2:
0x41: {  	[tilespmem:s21], [sflag:$0x4] =	stream.indirect.gather [hbm4b:s1+s18], $0x80, s16, s18, $0xb8;
	[tilespmem:$0x1E500] =	vst v63  }
0x42: {  	s30 =	smov.u32 s28  }
0x43: {  	p0 =	sne.s32 s28, $0x9800;
	s28 =	sadd.s32 $0x400, s28;
	_ =	swait.ge [sflag:s22], $0x4000  }
0x44: {  	[sflag:s22] =	ssyncset.done $0x0  }
0x45: {  	s31 =	sadd.s32 $0xFFFFFFF0, s29;
	[sflag:s22] =	ssyncadd.s32 $0xFFFFC000  }
0x46: {  	[tilespmem:s15], [sflag:$0x1] =	stream.linear.gather [hbm4b:s31+s4], $0x80, $0x38;
	[tilespmem:$0x1E500] =	vst v63  }
0x47: {  	s30 =	sshra.s32 s30, $0x2  }
0x48: {  	[spmem:s3] =	stream.indirect.scatter.add.f32 [tilespmem:s19], [sflag:$0x5], $0x80, s30, s18, $0xb8;
	[tilespmem:$0x1E500] =	vst v63  }
0x49: {  	_ =	swait.ge [sflag:s14], $0x4000  }
0x4a: {  	[sflag:s14] =	ssyncset.done $0x0  }
0x4b: {  	[sflag:s14] =	ssyncadd.s32 $0xFFFFC000  }
0x4c: {  	_ =	swait.ge [sflag:s17], $0x80  }
0x4d: {  	[sflag:s17] =	ssyncset.done $0x0  }
0x4e: {  	[sflag:s17] =	ssyncadd.s32 $0xFFFFFF80  }
0x4f: {  	[tilespmem:s19], [sflag:$0x3] =	stream.indirect.gather [hbm4b:s1+s18], $0x80, s15, s18, $0xb8;
	[tilespmem:$0x1E500] =	vst v63  }
0x50: {  	_ =	swait.ge [sflag:s23], $0x4000  }
0x51: {  	[sflag:s23] =	ssyncset.done $0x0  }
0x52: {  	[sflag:s23] =	ssyncadd.s32 $0xFFFFC000  }
0x53: {  	[tilespmem:s16], [sflag:$0x2] =	stream.linear.gather [hbm4b:s29+s4], $0x80, $0x38;
	[tilespmem:$0x1E500] =	vst v63  }
0x54: {  	s30 =	sadd.s32 $0x80, s30  }
0x55: {  	[spmem:s3] =	stream.indirect.scatter.add.f32 [tilespmem:s21], [sflag:$0x5], $0x80, s30, s18, $0xb8;
	[tilespmem:$0x1E500] =	vst v63  }
0x56: {  	_ =	swait.ge [sflag:s14], $0x4000  }
.Ltmp0:
0x57: {  	[sflag:s14] =	ssyncset.done $0x0;
	(pc) =	sbr.rel @p0 .LBB2_2-.Ltmp0, $4  }
0x58: {  	[sflag:s14] =	ssyncadd.s32 $0xFFFFC000  }
0x59: {  	_ =	swait.ge [sflag:s20], $0x80  }
0x5a: {  	[sflag:s20] =	ssyncset.done $0x0  }
0x5b: {  	s29 =	sadd.s32 $0x20, s29;
	[sflag:s20] =	ssyncadd.s32 $0xFFFFFF80  }
0x5c: {  	[tilespmem:s21], [sflag:$0x4] =	stream.indirect.gather [hbm4b:s1+s18], $0x80, s16, s18, $0xb8;
	[tilespmem:$0x1E500] =	vst v63  }
0x5d: {  	_ =	swait.ge [sflag:s22], $0x4000  }
0x5e: {  	[sflag:s22] =	ssyncset.done $0x0  }
0x5f: {  	[sflag:s22] =	ssyncadd.s32 $0xFFFFC000  }
0x60: {  	[spmem:s3] =	stream.indirect.scatter.add.f32 [tilespmem:s19], [sflag:$0x5], $0x80, s24, s18, $0xb8;
	[tilespmem:$0x1E500] =	vst v63  }
0x61: {  	_ =	swait.ge [sflag:s14], $0x4000  }
0x62: {  	[sflag:s14] =	ssyncset.done $0x0  }
0x63: {  	[sflag:s14] =	ssyncadd.s32 $0xFFFFC000  }
0x64: {  	_ =	swait.ge [sflag:s23], $0x4000  }
0x65: {  	[sflag:s23] =	ssyncset.done $0x0  }
0x66: {  	[sflag:s23] =	ssyncadd.s32 $0xFFFFC000  }
0x67: {  	[spmem:s3] =	stream.indirect.scatter.add.f32 [tilespmem:s21], [sflag:$0x5], $0x80, s25, s18, $0xb8;
	[tilespmem:$0x1E500] =	vst v63  }
0x68: {  	_ =	swait.ge [sflag:s14], $0x4000  }
0x69: {  	s26 =	sadd.s32 $0x1, s26;
	[sflag:s14] =	ssyncset.done $0x0  }
0x6a: {  	p0 =	sne.s32 s26, s11;
	[sflag:s14] =	ssyncadd.s32 $0xFFFFC000  }
.Ltmp1:
0x6b: {  	[bflag:$0x0] =	sbarrier.arrive $0xFFFF;
	(pc) =	sbr.rel @p0 .LBB2_1-.Ltmp1, $4  }
0x6c: {  	[hbm:s10], [sflag:s6] =	dma.local [spmem:s13], $0x2780  }
0x6d: {  	_ =	swait.ge [sflag:s14], $0x2780  }
0x6e: {  	[sflag:s14] =	ssyncset.done $0x0  }
0x6f: {  	[sflag:s14] =	ssyncadd.s32 $0xFFFFD880  }
0x70: {  	_ =	sfence.sel $0x180000  }
0x71: {  	[bflag:$0x0] =	sbarrier.arrive $0xFFFF  }
0x72: {  	p0 =	sne.s32 s2, $0x0;
	_ =	strace $0x9000004A  }
0x73: {  	s0 =	sadd.s32 @!p0 $0x100000, s0;
	[bflag:$0x2] =	sbarrier.arrive $0xFFFF  }
0x74: {  	[sflag:s0] =	ssyncadd.tile.s32 @!p0 $0x1;
	_ =	shalt  }
.Lfunc_end2:
_tile_overlayer_lowered:
.L_overlay_start_2:
0x75: {  	(tag) =	ssettag $0x2  }
0x76: {  	s0 =	rddreg [dreg:$0x0];
	s2 =	stileid.u32  }
0x77: {  	s1 =	rddreg [dreg:$0x1];
	p0 =	sne.s32 s2, $0x0  }
0x78: {  	s3 =	rddreg [dreg:$0x2];
	[bflag:$0x3] =	sbarrier.arrive $0xFFFF;
	s2 =	simm.s32 @!p0 $0x1C05  }
0x79: {  	[timem:s3], [sflag:s2] =	dma.local @!p0 [hbm:s0], s1  }
0x7a: {  	s0 =	simm.s32 @!p0 $0x5  }
0x7b: {  	_ =	swait.ge @!p0 [sflag:s0], s1  }
0x7c: {  	s1 =	ssub.s32 @!p0 $0x0, s1;
	[sflag:s0] =	ssyncset.done @!p0 $0x0  }
0x7d: {  	[sflag:s0] =	ssyncadd.s32 @!p0 s1  }
0x7e: {  	[bflag:$0x3] =	sbarrier.arrive $0xFFFF  }
0x7f: {  	_ =	shalt  }

// kernel: kernel.16.cloned.1.call-start
scs
__scs_entry_jumppad:
0x0: {  	(pc) =	sbr.rel $0x88, $3  }
0x1: {  	(tag) =	ssettag $0x0;
	lr =	simm.s32 $0x1  }
0x2: {  	[smem:$0x3F99] =	sst lr;
	_ =	strace $0xD0000000  }
0x3: {  	_ = 	snop  }
0x4: {  	_ = 	snop  }
0x5: {  	_ = 	snop  }
0x6: {  	_ = 	snop  }
0x7: {  	_ = 	snop  }
__scs_overlays_trampoline_lowered:
0x8: {  	[smem:$0x3FA8] =	sst s0  }
0x9: {  	[smem:$0x3FA9] =	sst s1  }
0xa: {  	[smem:$0x3FAA] =	sst s2  }
0xb: {  	[smem:$0x3FAB] =	sst s3  }
0xc: {  	[smem:$0x3FAC] =	sst s4  }
0xd: {  	[smem:$0x3FAD] =	sst s5  }
0xe: {  	[smem:$0x3FAE] =	sst s6  }
0xf: {  	[smem:$0x3FAF] =	sst s7  }
0x10: {  	[smem:$0x3FB0] =	sst s8  }
0x11: {  	[smem:$0x3FB1] =	sst s9;
	s0 =	simm.s32 @!p0 $0x0  }
0x12: {  	s1 =	sld [smem:$0x3F97];
	s0 =	simm.s32 @p0 $0x1  }
0x13: {  	[smem:$0x3FB2] =	sst s0;
	s0 =	simm.s32 @!p1 $0x0  }
0x14: {  	s2 =	sld [smem:$0x3F96];
	s0 =	simm.s32 @p1 $0x1  }
0x15: {  	[smem:$0x3FB3] =	sst s0;
	s0 =	simm.s32 @!p2 $0x0  }
0x16: {  	s3 =	sld [smem:$0x3FDB];
	s0 =	simm.s32 @p2 $0x1  }
0x17: {  	s4 =	simm.s32 $0x1BF5;
	[smem:$0x3FB5] =	sst s0  }
0x18: {  	s0 =	sld [smem:$0x3F98];
	_ =	swait.ge [sflag:s4], $0x0  }
0x19: {  	s7 =	sld [smem:$0x3F99]  }
0x1a: {  	s8 =	sadd.s32 $0xFFFFE003, lr  }
0x1b: {  	s9 =	sadd.s32 $0xFFFFFEF7, lr;
	s5 =	simm.s32 $0xFFFFFFFF;
	p2 =	slt.u32 s8, $0xFFFFF086  }
0x1c: {  	p1 =	slt.u32 s9, $0xF7A;
	s5 =	simm.s32 @!p2 $0x0  }
0x1d: {  	s5 =	simm.s32 @p1 $0x1;
	p0 =	seq.s32 s7, s2  }
0x1e: {  	s7 =	smul.u32 @!p0 $0xF7A, s2;
	p2 =	seq.s32 @!p0 s5, $0x0  }
0x1f: {  	s9 =	smul.u32 $0xF7A, s1;
	s8 =	simm.s32 @!p0 $0x1BF5;
	p2 =	por !p2, p0  }
0x20: {  	[sflag:s8] =	ssyncset.s32 @!p0 $0xFFFFF086;
	s6 =	sadd.s32 @!p0 s3, s7;
	s7 =	simm.s32 @!p0 $0x108  }
0x21: {  	s3 =	sadd.s32 s3, s9;
	s6 =	sadd.s32 @!p0 $0x88, s6;
	s7 =	simm.s32 @p2 $0x1082  }
0x22: {  	[simem:s7], [sflag:s8] =	dma.local @!p0 [hbm:s6], $0xF7A  }
0x23: {  	s9 =	sor.u32 $0xD0000000, s2;
	s6 =	simm.s32 $0x108;
	_ =	swait.ge @!p0 [sflag:s8], $0x0  }
0x24: {  	s3 =	sadd.s32 $0x88, s3;
	s6 =	simm.s32 @!p1 $0x1082;
	[sflag:s4] =	ssyncset.s32 $0xFFFFF086  }
0x25: {  	[simem:s6], [sflag:s4] =	dma.local [hbm:s3], $0xF7A  }
0x26: {  	[smem:$0x3F99] =	sst s1;
	(tag) =	ssettag s2;
	_ =	strace s9  }
0x27: {  	s1 =	sld [smem:$0x3FA9]  }
0x28: {  	s2 =	sld [smem:$0x3FAA]  }
0x29: {  	s4 =	sld [smem:$0x3FAC]  }
0x2a: {  	p0 =	seq.s32 s5, $0x0;
	s5 =	sld [smem:$0x3FAD]  }
0x2b: {  	s6 =	sld [smem:$0x3FAE]  }
0x2c: {  	s7 =	sld [smem:$0x3FAF]  }
0x2d: {  	s3 =	simm.s32 $0x108;
	s8 =	sld [smem:$0x3FB0]  }
0x2e: {  	s3 =	simm.s32 @!p0 $0x1082;
	s9 =	sld [smem:$0x3FB1]  }
0x2f: {  	lr =	sadd.s32 s0, s3;
	s0 =	sld [smem:$0x3FA8]  }
0x30: {  	s3 =	sld [smem:$0x3FAB]  }
0x31: {  	[smem:$0x3FB4] =	sst s10  }
0x32: {  	s10 =	sld [smem:$0x3FB2];
	_ =	sdelay $0x3  }
0x33: {  	p0 =	seq.s32 s10, $0x1;
	s10 =	sld [smem:$0x3FB4];
	_ =	sdelay $0x3  }
0x34: {  	[smem:$0x3FB4] =	sst s10  }
0x35: {  	s10 =	sld [smem:$0x3FB3];
	_ =	sdelay $0x3  }
0x36: {  	p1 =	seq.s32 s10, $0x1;
	s10 =	sld [smem:$0x3FB4];
	_ =	sdelay $0x3  }
0x37: {  	[smem:$0x3FB4] =	sst s10  }
0x38: {  	s10 =	sld [smem:$0x3FB5]  }
0x39: {  	_ = 	snop;
	(pc) =	sbr.ind lr, $3  }
0x3a: {  	_ = 	snop  }
0x3b: {  	_ = 	snop  }
0x3c: {  	p2 =	seq.s32 s10, $0x1;
	s10 =	sld [smem:$0x3FB4]  }
0x3d: {  	_ =	shalt  }
0x3e: {  	_ =	shalt  }
0x3f: {  	_ =	shalt  }
0x40: {  	_ =	shalt  }
0x41: {  	_ =	shalt  }
0x42: {  	_ =	shalt  }
0x43: {  	_ =	shalt  }
0x44: {  	_ =	shalt  }
0x45: {  	_ =	shalt  }
0x46: {  	_ =	shalt  }
0x47: {  	_ =	shalt  }
0x48: {  	_ =	shalt  }
0x49: {  	_ =	shalt  }
0x4a: {  	_ =	shalt  }
0x4b: {  	_ =	shalt  }
0x4c: {  	_ =	shalt  }
0x4d: {  	_ =	shalt  }
0x4e: {  	_ =	shalt  }
0x4f: {  	_ =	shalt  }
0x50: {  	_ =	shalt  }
0x51: {  	_ =	shalt  }
0x52: {  	_ =	shalt  }
0x53: {  	_ =	shalt  }
0x54: {  	_ =	shalt  }
0x55: {  	_ =	shalt  }
0x56: {  	_ =	shalt  }
0x57: {  	_ =	shalt  }
0x58: {  	_ =	shalt  }
0x59: {  	_ =	shalt  }
0x5a: {  	_ =	shalt  }
0x5b: {  	_ =	shalt  }
0x5c: {  	_ =	shalt  }
0x5d: {  	_ =	shalt  }
0x5e: {  	_ =	shalt  }
0x5f: {  	_ =	shalt  }
0x60: {  	_ =	shalt  }
0x61: {  	_ =	shalt  }
0x62: {  	_ =	shalt  }
0x63: {  	_ =	shalt  }
0x64: {  	_ =	shalt  }
0x65: {  	_ =	shalt  }
0x66: {  	_ =	shalt  }
0x67: {  	_ =	shalt  }
0x68: {  	_ =	shalt  }
0x69: {  	_ =	shalt  }
0x6a: {  	_ =	shalt  }
0x6b: {  	_ =	shalt  }
0x6c: {  	_ =	shalt  }
0x6d: {  	_ =	shalt  }
0x6e: {  	_ =	shalt  }
0x6f: {  	_ =	shalt  }
0x70: {  	_ =	shalt  }
0x71: {  	_ =	shalt  }
0x72: {  	_ =	shalt  }
0x73: {  	_ =	shalt  }
0x74: {  	_ =	shalt  }
0x75: {  	_ =	shalt  }
0x76: {  	_ =	shalt  }
0x77: {  	_ =	shalt  }
0x78: {  	_ =	shalt  }
0x79: {  	_ =	shalt  }
0x7a: {  	_ =	shalt  }
0x7b: {  	_ =	shalt  }
0x7c: {  	_ =	shalt  }
0x7d: {  	_ =	shalt  }
0x7e: {  	_ =	shalt  }
0x7f: {  	_ =	shalt  }
0x80: {  	_ =	shalt  }
0x81: {  	_ =	shalt  }
0x82: {  	_ =	shalt  }
0x83: {  	_ =	shalt  }
0x84: {  	_ =	shalt  }
0x85: {  	_ =	shalt  }
0x86: {  	_ =	shalt  }
0x87: {  	_ =	shalt  }
.Lfunc_end0:
.L_simem_size_0:
called_computation.2_lowered:
.L_overlay_start_0:
0x88: {  	s2 =	sld [smem:$0x3FD9]  }
0x89: {  	s3 =	sld [smem:$0x3FFE];
	_ =	sdelay $0x1  }
0x8a: {  	s1 =	srdreg.scid  }
0x8b: {  	s0 =	sand.u32 $0x1, s1  }
0x8c: {  	s17 =	sshll.u32 s0, $0xA;
	s2 =	sadd.s32 s3, s2  }
0x8d: {  	s2 =	sadd.s32 s2, s17  }
0x8e: {  	[smem:$0x3FC0] =	sst s2  }
0x8f: {  	_ = 	snop  }
0x90: {  	s2 =	sld [smem:$0x3FD0];
	(tm) =	ssettm $0x1  }
0x91: {  	s18 =	sld [smem:$0x3FFB];
	_ =	sdelay $0x3  }
0x92: {  	_ =	strace s18  }
0x93: {  	s3 =	sld [smem:$0x3FFC];
	_ =	sdelay $0x3  }
0x94: {  	_ =	strace s3  }
0x95: {  	s3 =	sld [smem:$0x3FFD];
	_ =	sdelay $0x3  }
0x96: {  	_ =	strace s3  }
0x97: {  	_ =	strace $0x8FFFFFFF  }
0x98: {  	s19 =	sld [smem:$0x3FDB];
	_ =	sdelay $0x1  }
0x99: {  	s4 =	simm.s32 $_scs_section_size  }
0x9a: {  	s5 =	simm.s32 $_size__tile_overlayer_lowered;
	s6 =	simm.s32 $_tile_overlayer_lowered  }
0x9b: {  	s22 =	simm.s32 $0x1BFF;
	s21 =	sshll.u32 s6, $0x1;
	s3 =	sadd.s32 s4, s19  }
0x9c: {  	s7 =	simm.s32 $0x0;
	s20 =	sshll.u32 s5, $0x1;
	s5 =	sadd.s32 s21, s3  }
0x9d: {  	[timem:s7], [sflag:s22] =	dma.local [hbm:s5], s20  }
0x9e: {  	_ =	swait.ge [sflag:s22], s20  }
0x9f: {  	s4 =	ssub.s32 $0x0, s20;
	[sflag:s22] =	ssyncset.done $0x0  }
0xa0: {  	[sflag:s22] =	ssyncadd.s32 s4;
	_ =	sdelay $0x1  }
0xa1: {  	s23 =	simm.s32 $0x1B8B  }
0xa2: {  	_ =	swait.ge [sflag:s23], $0x1  }
0xa3: {  	[sflag:s23] =	ssyncset.done $0x0  }
0xa4: {  	s25 =	simm.s32 $0x1B8E;
	s24 =	sld [smem:$0x3FFE];
	[sflag:s23] =	ssyncadd.s32 $0xFFFFFFFF  }
0xa5: {  	s26 =	simm.s32 $execute0_lowered;
	[smem:$0x3FD2] =	sst s25  }
0xa6: {  	s5 =	sshll.u32 s26, $0x1;
	_ =	strace $0x8000004C;
	[dreg:$0x1] =	wrdreg $0xFFFFFFFF  }
0xa7: {  	s28 =	simm.s32 $_size_execute0_lowered;
	s3 =	sadd.s32 s3, s5;
	[dreg:$0x0] =	wrdreg $0x0  }
0xa8: {  	s5 =	sshll.u32 s28, $0x1;
	[dreg:$0x2] =	wrdreg s3  }
0xa9: {  	[dreg:$0x3] =	wrdreg s5  }
0xaa: {  	[dreg:$0x4] =	wrdreg $0xC0  }
0xab: {  	_ =	task [dreg:s7], $0x5FFFF  }
0xac: {  	[dreg:$0x1] =	wrdreg $0xFFFFFFFF  }
0xad: {  	[dreg:$0x0] =	wrdreg $0x60  }
0xae: {  	[dreg:$0x2] =	wrdreg s2  }
0xaf: {  	[dreg:$0x3] =	wrdreg s24  }
0xb0: {  	[dreg:$0x4] =	wrdreg $0xA9000  }
0xb1: {  	[dreg:$0x5] =	wrdreg $0x9  }
0xb2: {  	_ =	task.clear_ibuf [dreg:s7], $0x6FFFF;
	_ =	strace $0x9000004C  }
0xb3: {  	s29 =	simm.s32 $0x9;
	_ =	strace $0x8000004E  }
0xb4: {  	_ =	swait.ge [sflag:s29], $0x1  }
0xb5: {  	[sflag:s29] =	ssyncadd.s32 $0xFFFFFFFF  }
0xb6: {  	_ =	strace $0x9000004E  }
0xb7: {  	_ =	sfence  }
0xb8: {  	s30 =	sld [smem:$0x0];
	_ =	sdelay $0x2  }
0xb9: {  	s31 =	sshll.u32 s1, $0xD;
	s1 =	sshrl.u32 s1, $0x2  }
0xba: {  	s3 =	sand.u32 $0x4000, s31;
	s1 =	sadd.s32 s1, s30  }
0xbb: {  	s0 =	sor.u32 s3, s0;
	s1 =	sshll.u32 s1, $0x11  }
0xbc: {  	s0 =	sor.u32 s1, s0  }
0xbd: {  	s0 =	sadd.s32 $0x8F2B, s0  }
0xbe: {  	[sflag:s0] =	ssyncadd.remote.s32 $0x1  }
0xbf: {  	_ =	sfence.sel $0xFFFF  }
0xc0: {  	[dreg:$0x0] =	wrdreg $0xFFFFFFFF;
	(pc) =	sbr.abs _section_cstart, $3  }
0xc1: {  	[dreg:$0x1] =	wrdreg $0xFFFFFFFF  }
0xc2: {  	_ =	task.clear_ibuf [dreg:s7], $0x2FFFF;
	_ =	strace $0x9FFFFFFF  }
0xc3: {  	(tm) =	ssettm $0x7FFFFFFF  }
tec
execute0_lowered:
.L_overlay_start_1:
0x0: {  	(tag) =	ssettag $0x1  }
0x1: {  	s2 =	rddreg [dreg:$0x0]  }
0x2: {  	s0 =	rddreg [dreg:$0x1]  }
0x3: {  	s3 =	rddreg [dreg:$0x2]  }
0x4: {  	s1 =	stileid.u32;
	s4 =	simm.s32 $0x0;
	s5 =	srdreg.scid  }
0x5: {  	s14 =	simm.s32 $0x5;
	s17 =	simm.s32 $0x2800;
	s18 =	simm.s32 $0x2880  }
0x6: {  	s19 =	simm.s32 $0x1;
	s20 =	simm.s32 $0x80;
	s21 =	simm.s32 $0x2900  }
0x7: {  	s22 =	simm.s32 $0x2;
	s23 =	simm.s32 $0x6900;
	s24 =	simm.s32 $0x3  }
0x8: {  	s28 =	simm.s32 $0x2780;
	s29 =	simm.s32 $0x0;
	s6 =	smul.u32 $0x500, s1  }
0x9: {  	[smem:$0x7FF] =	sst s4;
	s7 =	sand.u32 $0x1, s5;
	s9 =	smul.u32 $0x13C00, s1  }
0xa: {  	s25 =	smul.u32 $0x4F000, s1;
	s31 =	sshll.u32 s1, $0x6;
	p0 =	seq.s32 s7, $0x0  }
0xb: {  	s8 =	smul.u32 $0x13C000, s7;
	_ =	strace $0x8000004D;
	s7 =	ssub.s32 $0x2, s7  }
0xc: {  	s15 =	sor.u32 $0x1C05, s31;
	s5 =	sadd.s32 $0x5000, s6;
	s10 =	sshrl.u32 s7, $0x1  }
0xd: {  	s26 =	sshrl.u32 s25, $0x2;
	s25 =	simm.s32 $0x4;
	s6 =	smov.u32 @p0 s5  }
0xe: {  	s5 =	sadd.s32 $0x19A00, s0;
	s8 =	sadd.s32 s9, s8;
	s12 =	ssub.s32 s7, s10  }
0xf: {  	s16 =	sadd.s32 s26, s3;
	s26 =	simm.s32 $0x2700;
	s13 =	sadd.s32 s6, s0  }
0x10: {  	s6 =	sadd.s32 $0x17200, s0;
	s8 =	sshrl.u32 s8, $0x3;
	s12 =	smax.u32 s12, $0x1  }
0x11: {  	s16 =	sshrl.u32 s16, $0x3;
	s0 =	sadd.s32 s8, s0;
	s30 =	sadd.s32 $0x3200, s13  }
0x12: {  	s8 =	sadd.s32 $0xD200, s13;
	s9 =	sadd.s32 $0xD210, s13;
	s13 =	sadd.s32 $0xD230, s13  }
0x13: {  	[dreg:$0x4] =	wrdreg s30;
	s10 =	sadd.s32 $0xB6C00, s0;
	s11 =	sadd.s32 $0x105C00, s0  }
.LBB2_1:
0x14: {  	s0 =	rddreg [dreg:$0x4]  }
0x15: {  	[tilespmem:s4], [sflag:$0x5] =	stream.linear.gather [hbm4b:s0+s4], $0x2800, $0x38;
	[tilespmem:$0x1E500] =	vst v63  }
0x16: {  	_ =	swait.ge [sflag:s14], $0x2800  }
0x17: {  	[sflag:s14] =	ssyncset.done $0x0  }
0x18: {  	[sflag:s14] =	ssyncadd.s32 $0xFFFFD800  }
0x19: {  	[spmem:s16], [sflag:s15] =	dma.local [hbm:s6], $0x2780  }
0x1a: {  	_ =	swait.ge [sflag:s14], $0x2780  }
0x1b: {  	[sflag:s14] =	ssyncset.done $0x0  }
0x1c: {  	[sflag:s14] =	ssyncadd.s32 $0xFFFFD880  }
0x1d: {  	[bflag:$0x0] =	sbarrier.arrive $0xFFFF  }
0x1e: {  	[tilespmem:s17], [sflag:$0x1] =	stream.linear.gather [hbm4b:s8+s4], $0x80, $0x38;
	[tilespmem:$0x1E500] =	vst v63  }
0x1f: {  	_ = 	snop  }
0x20: {  	[tilespmem:s18], [sflag:$0x2] =	stream.linear.gather [hbm4b:s9+s4], $0x80, $0x38;
	[tilespmem:$0x1E500] =	vst v63  }
0x21: {  	_ =	swait.ge [sflag:s19], $0x80  }
0x22: {  	[sflag:s19] =	ssyncset.done $0x0  }
0x23: {  	[sflag:s19] =	ssyncadd.s32 $0xFFFFFF80  }
0x24: {  	[tilespmem:s21], [sflag:$0x3] =	stream.indirect.gather [hbm4b:s2+s20], $0x80, s17, s20, $0xb8;
	[tilespmem:$0x1E500] =	vst v63  }
0x25: {  	_ =	swait.ge [sflag:s22], $0x80  }
0x26: {  	[sflag:s22] =	ssyncset.done $0x0  }
0x27: {  	[sflag:s22] =	ssyncadd.s32 $0xFFFFFF80  }
0x28: {  	[tilespmem:s23], [sflag:$0x4] =	stream.indirect.gather [hbm4b:s2+s20], $0x80, s18, s20, $0xb8;
	[tilespmem:$0x1E500] =	vst v63  }
0x29: {  	_ =	swait.ge [sflag:s24], $0x4000  }
0x2a: {  	[sflag:s24] =	ssyncset.done $0x0  }
0x2b: {  	s30 =	sadd.s32 $0xFFFFFFF0, s13;
	[sflag:s24] =	ssyncadd.s32 $0xFFFFC000  }
0x2c: {  	[tilespmem:s17], [sflag:$0x1] =	stream.linear.gather [hbm4b:s30+s4], $0x80, $0x38;
	[tilespmem:$0x1E500] =	vst v63  }
0x2d: {  	s1 =	simm.s32 $0x0  }
0x2e: {  	[spmem:s3] =	stream.indirect.scatter.add.f32 [tilespmem:s21], [sflag:$0x5], $0x80, s1, s20, $0xb8;
	[tilespmem:$0x1E500] =	vst v63  }
0x2f: {  	_ =	swait.ge [sflag:s14], $0x4000  }
0x30: {  	[sflag:s14] =	ssyncset.done $0x0  }
0x31: {  	[sflag:s14] =	ssyncadd.s32 $0xFFFFC000  }
0x32: {  	_ =	swait.ge [sflag:s19], $0x80  }
0x33: {  	[sflag:s19] =	ssyncset.done $0x0  }
0x34: {  	[sflag:s19] =	ssyncadd.s32 $0xFFFFFF80  }
0x35: {  	[tilespmem:s21], [sflag:$0x3] =	stream.indirect.gather [hbm4b:s2+s20], $0x80, s17, s20, $0xb8;
	[tilespmem:$0x1E500] =	vst v63  }
0x36: {  	_ =	swait.ge [sflag:s25], $0x4000  }
0x37: {  	[sflag:s25] =	ssyncset.done $0x0  }
0x38: {  	[sflag:s25] =	ssyncadd.s32 $0xFFFFC000  }
0x39: {  	[tilespmem:s18], [sflag:$0x2] =	stream.linear.gather [hbm4b:s13+s4], $0x80, $0x38;
	[tilespmem:$0x1E500] =	vst v63  }
0x3a: {  	s7 =	simm.s32 $0x80  }
0x3b: {  	[spmem:s3] =	stream.indirect.scatter.add.f32 [tilespmem:s23], [sflag:$0x5], $0x80, s7, s20, $0xb8;
	[tilespmem:$0x1E500] =	vst v63  }
0x3c: {  	_ =	swait.ge [sflag:s14], $0x4000  }
0x3d: {  	[sflag:s14] =	ssyncset.done $0x0  }
0x3e: {  	[sflag:s14] =	ssyncadd.s32 $0xFFFFC000  }
0x3f: {  	_ =	swait.ge [sflag:s22], $0x80  }
0x40: {  	[sflag:s22] =	ssyncset.done $0x0  }
0x41: {  	s31 =	simm.s32 $0x400;
	s0 =	sadd.s32 $0x20, s13;
	[sflag:s22] =	ssyncadd.s32 $0xFFFFFF80  }
.LBB2_2:
0x42: {  	[tilespmem:s23], [sflag:$0x4] =	stream.indirect.gather [hbm4b:s2+s20], $0x80, s18, s20, $0xb8;
	[tilespmem:$0x1E500] =	vst v63  }
0x43: {  	s1 =	smov.u32 s31  }
0x44: {  	p0 =	sne.s32 s31, $0x9800;
	s31 =	sadd.s32 $0x400, s31;
	_ =	swait.ge [sflag:s24], $0x4000  }
0x45: {  	[sflag:s24] =	ssyncset.done $0x0  }
0x46: {  	s7 =	sadd.s32 $0xFFFFFFF0, s0;
	[sflag:s24] =	ssyncadd.s32 $0xFFFFC000  }
0x47: {  	[tilespmem:s17], [sflag:$0x1] =	stream.linear.gather [hbm4b:s7+s4], $0x80, $0x38;
	[tilespmem:$0x1E500] =	vst v63  }
0x48: {  	s1 =	sshra.s32 s1, $0x2  }
0x49: {  	[spmem:s3] =	stream.indirect.scatter.add.f32 [tilespmem:s21], [sflag:$0x5], $0x80, s1, s20, $0xb8;
	[tilespmem:$0x1E500] =	vst v63  }
0x4a: {  	_ =	swait.ge [sflag:s14], $0x4000  }
0x4b: {  	[sflag:s14] =	ssyncset.done $0x0  }
0x4c: {  	[sflag:s14] =	ssyncadd.s32 $0xFFFFC000  }
0x4d: {  	_ =	swait.ge [sflag:s19], $0x80  }
0x4e: {  	[sflag:s19] =	ssyncset.done $0x0  }
0x4f: {  	[sflag:s19] =	ssyncadd.s32 $0xFFFFFF80  }
0x50: {  	[tilespmem:s21], [sflag:$0x3] =	stream.indirect.gather [hbm4b:s2+s20], $0x80, s17, s20, $0xb8;
	[tilespmem:$0x1E500] =	vst v63  }
0x51: {  	_ =	swait.ge [sflag:s25], $0x4000  }
0x52: {  	[sflag:s25] =	ssyncset.done $0x0  }
0x53: {  	[sflag:s25] =	ssyncadd.s32 $0xFFFFC000  }
0x54: {  	[tilespmem:s18], [sflag:$0x2] =	stream.linear.gather [hbm4b:s0+s4], $0x80, $0x38;
	[tilespmem:$0x1E500] =	vst v63  }
0x55: {  	s1 =	sadd.s32 $0x80, s1  }
0x56: {  	[spmem:s3] =	stream.indirect.scatter.add.f32 [tilespmem:s23], [sflag:$0x5], $0x80, s1, s20, $0xb8;
	[tilespmem:$0x1E500] =	vst v63  }
0x57: {  	_ =	swait.ge [sflag:s14], $0x4000  }
.Ltmp0:
0x58: {  	[sflag:s14] =	ssyncset.done $0x0;
	(pc) =	sbr.rel @p0 .LBB2_2-.Ltmp0, $4  }
0x59: {  	[sflag:s14] =	ssyncadd.s32 $0xFFFFC000  }
0x5a: {  	_ =	swait.ge [sflag:s22], $0x80  }
0x5b: {  	[sflag:s22] =	ssyncset.done $0x0  }
0x5c: {  	s0 =	sadd.s32 $0x20, s0;
	[sflag:s22] =	ssyncadd.s32 $0xFFFFFF80  }
0x5d: {  	[tilespmem:s23], [sflag:$0x4] =	stream.indirect.gather [hbm4b:s2+s20], $0x80, s18, s20, $0xb8;
	[tilespmem:$0x1E500] =	vst v63  }
0x5e: {  	_ =	swait.ge [sflag:s24], $0x4000  }
0x5f: {  	[sflag:s24] =	ssyncset.done $0x0  }
0x60: {  	[sflag:s24] =	ssyncadd.s32 $0xFFFFC000  }
0x61: {  	[spmem:s3] =	stream.indirect.scatter.add.f32 [tilespmem:s21], [sflag:$0x5], $0x80, s26, s20, $0xb8;
	[tilespmem:$0x1E500] =	vst v63  }
0x62: {  	_ =	swait.ge [sflag:s14], $0x4000  }
0x63: {  	[sflag:s14] =	ssyncset.done $0x0  }
0x64: {  	[sflag:s14] =	ssyncadd.s32 $0xFFFFC000  }
0x65: {  	_ =	swait.ge [sflag:s25], $0x4000  }
0x66: {  	[sflag:s25] =	ssyncset.done $0x0  }
0x67: {  	[sflag:s25] =	ssyncadd.s32 $0xFFFFC000  }
0x68: {  	[spmem:s3] =	stream.indirect.scatter.add.f32 [tilespmem:s23], [sflag:$0x5], $0x80, s28, s20, $0xb8;
	[tilespmem:$0x1E500] =	vst v63  }
0x69: {  	_ =	swait.ge [sflag:s14], $0x4000  }
0x6a: {  	[sflag:s14] =	ssyncset.done $0x0  }
0x6b: {  	[sflag:s14] =	ssyncadd.s32 $0xFFFFC000  }
0x6c: {  	[bflag:$0x0] =	sbarrier.arrive $0xFFFF  }
0x6d: {  	[hbm:s10], [sflag:s15] =	dma.local [spmem:s16], $0x2780  }
0x6e: {  	_ =	swait.ge [sflag:s14], $0x2780  }
0x6f: {  	[sflag:s14] =	ssyncset.done $0x0  }
0x70: {  	[sflag:s14] =	ssyncadd.s32 $0xFFFFD880  }
0x71: {  	[spmem:s16], [sflag:s15] =	dma.local [hbm:s6], $0x2780  }
0x72: {  	_ =	swait.ge [sflag:s14], $0x2780  }
0x73: {  	[sflag:s14] =	ssyncset.done $0x0  }
0x74: {  	[sflag:s14] =	ssyncadd.s32 $0xFFFFD880  }
0x75: {  	s0 =	simm.s32 $0x0;
	[bflag:$0x0] =	sbarrier.arrive $0xFFFF  }
0x76: {  	[tilespmem:s17], [sflag:$0x1] =	stream.linear.gather [hbm4b:s8+s0], $0x80, $0x38;
	[tilespmem:$0x1E500] =	vst v63  }
0x77: {  	_ = 	snop  }
0x78: {  	[tilespmem:s18], [sflag:$0x2] =	stream.linear.gather [hbm4b:s9+s0], $0x80, $0x38;
	[tilespmem:$0x1E500] =	vst v63  }
0x79: {  	_ =	swait.ge [sflag:s19], $0x80  }
0x7a: {  	[sflag:s19] =	ssyncset.done $0x0  }
0x7b: {  	[sflag:s19] =	ssyncadd.s32 $0xFFFFFF80  }
0x7c: {  	[tilespmem:s21], [sflag:$0x3] =	stream.indirect.gather [hbm4b:s5+s20], $0x80, s17, s20, $0xb8;
	[tilespmem:$0x1E500] =	vst v63  }
0x7d: {  	_ =	swait.ge [sflag:s22], $0x80  }
0x7e: {  	[sflag:s22] =	ssyncset.done $0x0  }
0x7f: {  	[sflag:s22] =	ssyncadd.s32 $0xFFFFFF80  }
0x80: {  	[tilespmem:s23], [sflag:$0x4] =	stream.indirect.gather [hbm4b:s5+s20], $0x80, s18, s20, $0xb8;
	[tilespmem:$0x1E500] =	vst v63  }
0x81: {  	_ =	swait.ge [sflag:s24], $0x4000  }
0x82: {  	[sflag:s24] =	ssyncset.done $0x0  }
0x83: {  	[sflag:s24] =	ssyncadd.s32 $0xFFFFC000  }
0x84: {  	[tilespmem:s17], [sflag:$0x1] =	stream.linear.gather [hbm4b:s30+s4], $0x80, $0x38;
	[tilespmem:$0x1E500] =	vst v63  }
0x85: {  	s7 =	simm.s32 $0x0  }
0x86: {  	[spmem:s3] =	stream.indirect.scatter.add.f32 [tilespmem:s21], [sflag:$0x5], $0x80, s7, s20, $0xb8;
	[tilespmem:$0x1E500] =	vst v63  }
0x87: {  	_ =	swait.ge [sflag:s14], $0x4000  }
0x88: {  	[sflag:s14] =	ssyncset.done $0x0  }
0x89: {  	[sflag:s14] =	ssyncadd.s32 $0xFFFFC000  }
0x8a: {  	_ =	swait.ge [sflag:s19], $0x80  }
0x8b: {  	[sflag:s19] =	ssyncset.done $0x0  }
0x8c: {  	[sflag:s19] =	ssyncadd.s32 $0xFFFFFF80  }
0x8d: {  	[tilespmem:s21], [sflag:$0x3] =	stream.indirect.gather [hbm4b:s5+s20], $0x80, s17, s20, $0xb8;
	[tilespmem:$0x1E500] =	vst v63  }
0x8e: {  	_ =	swait.ge [sflag:s25], $0x4000  }
0x8f: {  	[sflag:s25] =	ssyncset.done $0x0  }
0x90: {  	[sflag:s25] =	ssyncadd.s32 $0xFFFFC000  }
0x91: {  	[tilespmem:s18], [sflag:$0x2] =	stream.linear.gather [hbm4b:s13+s4], $0x80, $0x38;
	[tilespmem:$0x1E500] =	vst v63  }
0x92: {  	s31 =	simm.s32 $0x80  }
0x93: {  	[spmem:s3] =	stream.indirect.scatter.add.f32 [tilespmem:s23], [sflag:$0x5], $0x80, s31, s20, $0xb8;
	[tilespmem:$0x1E500] =	vst v63  }
0x94: {  	_ =	swait.ge [sflag:s14], $0x4000  }
0x95: {  	[sflag:s14] =	ssyncset.done $0x0  }
0x96: {  	[sflag:s14] =	ssyncadd.s32 $0xFFFFC000  }
0x97: {  	_ =	swait.ge [sflag:s22], $0x80  }
0x98: {  	[sflag:s22] =	ssyncset.done $0x0  }
0x99: {  	s0 =	sadd.s32 $0x20, s13;
	s30 =	simm.s32 $0x400;
	[sflag:s22] =	ssyncadd.s32 $0xFFFFFF80  }
.LBB2_4:
0x9a: {  	[tilespmem:s23], [sflag:$0x4] =	stream.indirect.gather [hbm4b:s5+s20], $0x80, s18, s20, $0xb8;
	[tilespmem:$0x1E500] =	vst v63  }
0x9b: {  	s1 =	smov.u32 s30  }
0x9c: {  	p0 =	sne.s32 s30, $0x9800;
	s30 =	sadd.s32 $0x400, s30;
	_ =	swait.ge [sflag:s24], $0x4000  }
0x9d: {  	[sflag:s24] =	ssyncset.done $0x0  }
0x9e: {  	s7 =	sadd.s32 $0xFFFFFFF0, s0;
	[sflag:s24] =	ssyncadd.s32 $0xFFFFC000  }
0x9f: {  	[tilespmem:s17], [sflag:$0x1] =	stream.linear.gather [hbm4b:s7+s4], $0x80, $0x38;
	[tilespmem:$0x1E500] =	vst v63  }
0xa0: {  	s1 =	sshra.s32 s1, $0x2  }
0xa1: {  	[spmem:s3] =	stream.indirect.scatter.add.f32 [tilespmem:s21], [sflag:$0x5], $0x80, s1, s20, $0xb8;
	[tilespmem:$0x1E500] =	vst v63  }
0xa2: {  	_ =	swait.ge [sflag:s14], $0x4000  }
0xa3: {  	[sflag:s14] =	ssyncset.done $0x0  }
0xa4: {  	[sflag:s14] =	ssyncadd.s32 $0xFFFFC000  }
0xa5: {  	_ =	swait.ge [sflag:s19], $0x80  }
0xa6: {  	[sflag:s19] =	ssyncset.done $0x0  }
0xa7: {  	[sflag:s19] =	ssyncadd.s32 $0xFFFFFF80  }
0xa8: {  	[tilespmem:s21], [sflag:$0x3] =	stream.indirect.gather [hbm4b:s5+s20], $0x80, s17, s20, $0xb8;
	[tilespmem:$0x1E500] =	vst v63  }
0xa9: {  	_ =	swait.ge [sflag:s25], $0x4000  }
0xaa: {  	[sflag:s25] =	ssyncset.done $0x0  }
0xab: {  	[sflag:s25] =	ssyncadd.s32 $0xFFFFC000  }
0xac: {  	[tilespmem:s18], [sflag:$0x2] =	stream.linear.gather [hbm4b:s0+s4], $0x80, $0x38;
	[tilespmem:$0x1E500] =	vst v63  }
0xad: {  	s1 =	sadd.s32 $0x80, s1  }
0xae: {  	[spmem:s3] =	stream.indirect.scatter.add.f32 [tilespmem:s23], [sflag:$0x5], $0x80, s1, s20, $0xb8;
	[tilespmem:$0x1E500] =	vst v63  }
0xaf: {  	_ =	swait.ge [sflag:s14], $0x4000  }
.Ltmp1:
0xb0: {  	[sflag:s14] =	ssyncset.done $0x0;
	(pc) =	sbr.rel @p0 .LBB2_4-.Ltmp1, $4  }
0xb1: {  	[sflag:s14] =	ssyncadd.s32 $0xFFFFC000  }
0xb2: {  	_ =	swait.ge [sflag:s22], $0x80  }
0xb3: {  	[sflag:s22] =	ssyncset.done $0x0  }
0xb4: {  	s0 =	sadd.s32 $0x20, s0;
	[sflag:s22] =	ssyncadd.s32 $0xFFFFFF80  }
0xb5: {  	[tilespmem:s23], [sflag:$0x4] =	stream.indirect.gather [hbm4b:s5+s20], $0x80, s18, s20, $0xb8;
	[tilespmem:$0x1E500] =	vst v63  }
0xb6: {  	_ =	swait.ge [sflag:s24], $0x4000  }
0xb7: {  	[sflag:s24] =	ssyncset.done $0x0  }
0xb8: {  	[sflag:s24] =	ssyncadd.s32 $0xFFFFC000  }
0xb9: {  	[spmem:s3] =	stream.indirect.scatter.add.f32 [tilespmem:s21], [sflag:$0x5], $0x80, s26, s20, $0xb8;
	[tilespmem:$0x1E500] =	vst v63  }
0xba: {  	_ =	swait.ge [sflag:s14], $0x4000  }
0xbb: {  	[sflag:s14] =	ssyncset.done $0x0  }
0xbc: {  	[sflag:s14] =	ssyncadd.s32 $0xFFFFC000  }
0xbd: {  	_ =	swait.ge [sflag:s25], $0x4000  }
0xbe: {  	[sflag:s25] =	ssyncset.done $0x0  }
0xbf: {  	[sflag:s25] =	ssyncadd.s32 $0xFFFFC000  }
0xc0: {  	[spmem:s3] =	stream.indirect.scatter.add.f32 [tilespmem:s23], [sflag:$0x5], $0x80, s28, s20, $0xb8;
	[tilespmem:$0x1E500] =	vst v63  }
0xc1: {  	_ =	swait.ge [sflag:s14], $0x4000  }
0xc2: {  	s29 =	sadd.s32 $0x1, s29;
	[sflag:s14] =	ssyncset.done $0x0  }
0xc3: {  	p0 =	sne.s32 s29, s12;
	[sflag:s14] =	ssyncadd.s32 $0xFFFFC000  }
.Ltmp2:
0xc4: {  	[bflag:$0x0] =	sbarrier.arrive $0xFFFF;
	(pc) =	sbr.rel @p0 .LBB2_1-.Ltmp2, $4  }
0xc5: {  	[hbm:s11], [sflag:s15] =	dma.local [spmem:s16], $0x2780  }
0xc6: {  	_ =	swait.ge [sflag:s14], $0x2780  }
0xc7: {  	[sflag:s14] =	ssyncset.done $0x0  }
0xc8: {  	[sflag:s14] =	ssyncadd.s32 $0xFFFFD880  }
0xc9: {  	_ =	sfence.sel $0x180000  }
0xca: {  	[bflag:$0x0] =	sbarrier.arrive $0xFFFF  }
0xcb: {  	_ =	strace $0x9000004D  }
0xcc: {  	s0 =	stileid.u32;
	[bflag:$0x2] =	sbarrier.arrive $0xFFFF  }
0xcd: {  	p0 =	sne.s32 s0, $0x0;
	s0 =	rddreg [dreg:$0x3]  }
0xce: {  	s0 =	sadd.s32 @!p0 $0x100000, s0  }
0xcf: {  	[sflag:s0] =	ssyncadd.tile.s32 @!p0 $0x1;
	_ =	shalt  }
.Lfunc_end2:
_tile_overlayer_lowered:
.L_overlay_start_2:
0xd0: {  	(tag) =	ssettag $0x2  }
0xd1: {  	s0 =	rddreg [dreg:$0x0];
	s2 =	stileid.u32  }
0xd2: {  	s1 =	rddreg [dreg:$0x1];
	p0 =	sne.s32 s2, $0x0  }
0xd3: {  	s3 =	rddreg [dreg:$0x2];
	[bflag:$0x3] =	sbarrier.arrive $0xFFFF;
	s2 =	simm.s32 @!p0 $0x1C05  }
0xd4: {  	[timem:s3], [sflag:s2] =	dma.local @!p0 [hbm:s0], s1  }
0xd5: {  	s0 =	simm.s32 @!p0 $0x5  }
0xd6: {  	_ =	swait.ge @!p0 [sflag:s0], s1  }
0xd7: {  	s1 =	ssub.s32 @!p0 $0x0, s1;
	[sflag:s0] =	ssyncset.done @!p0 $0x0  }
0xd8: {  	[sflag:s0] =	ssyncadd.s32 @!p0 s1  }
0xd9: {  	[bflag:$0x3] =	sbarrier.arrive $0xFFFF  }
0xda: {  	_ =	shalt  }

// kernel: kernel.19.cloned.1.call-start
scs
__scs_entry_jumppad:
0x0: {  	(pc) =	sbr.rel $0x88, $3  }
0x1: {  	(tag) =	ssettag $0x0;
	lr =	simm.s32 $0x1  }
0x2: {  	[smem:$0x3F99] =	sst lr;
	_ =	strace $0xD0000000  }
0x3: {  	_ = 	snop  }
0x4: {  	_ = 	snop  }
0x5: {  	_ = 	snop  }
0x6: {  	_ = 	snop  }
0x7: {  	_ = 	snop  }
__scs_overlays_trampoline_lowered:
0x8: {  	[smem:$0x3FA8] =	sst s0  }
0x9: {  	[smem:$0x3FA9] =	sst s1  }
0xa: {  	[smem:$0x3FAA] =	sst s2  }
0xb: {  	[smem:$0x3FAB] =	sst s3  }
0xc: {  	[smem:$0x3FAC] =	sst s4  }
0xd: {  	[smem:$0x3FAD] =	sst s5  }
0xe: {  	[smem:$0x3FAE] =	sst s6  }
0xf: {  	[smem:$0x3FAF] =	sst s7  }
0x10: {  	[smem:$0x3FB0] =	sst s8  }
0x11: {  	[smem:$0x3FB1] =	sst s9;
	s0 =	simm.s32 @!p0 $0x0  }
0x12: {  	s1 =	sld [smem:$0x3F97];
	s0 =	simm.s32 @p0 $0x1  }
0x13: {  	[smem:$0x3FB2] =	sst s0;
	s0 =	simm.s32 @!p1 $0x0  }
0x14: {  	s2 =	sld [smem:$0x3F96];
	s0 =	simm.s32 @p1 $0x1  }
0x15: {  	[smem:$0x3FB3] =	sst s0;
	s0 =	simm.s32 @!p2 $0x0  }
0x16: {  	s3 =	sld [smem:$0x3FDB];
	s0 =	simm.s32 @p2 $0x1  }
0x17: {  	s4 =	simm.s32 $0x1BF5;
	[smem:$0x3FB5] =	sst s0  }
0x18: {  	s0 =	sld [smem:$0x3F98];
	_ =	swait.ge [sflag:s4], $0x0  }
0x19: {  	s7 =	sld [smem:$0x3F99]  }
0x1a: {  	s8 =	sadd.s32 $0xFFFFE003, lr  }
0x1b: {  	s9 =	sadd.s32 $0xFFFFFEF7, lr;
	s5 =	simm.s32 $0xFFFFFFFF;
	p2 =	slt.u32 s8, $0xFFFFF086  }
0x1c: {  	p1 =	slt.u32 s9, $0xF7A;
	s5 =	simm.s32 @!p2 $0x0  }
0x1d: {  	s5 =	simm.s32 @p1 $0x1;
	p0 =	seq.s32 s7, s2  }
0x1e: {  	s7 =	smul.u32 @!p0 $0xF7A, s2;
	p2 =	seq.s32 @!p0 s5, $0x0  }
0x1f: {  	s9 =	smul.u32 $0xF7A, s1;
	s8 =	simm.s32 @!p0 $0x1BF5;
	p2 =	por !p2, p0  }
0x20: {  	[sflag:s8] =	ssyncset.s32 @!p0 $0xFFFFF086;
	s6 =	sadd.s32 @!p0 s3, s7;
	s7 =	simm.s32 @!p0 $0x108  }
0x21: {  	s3 =	sadd.s32 s3, s9;
	s6 =	sadd.s32 @!p0 $0x88, s6;
	s7 =	simm.s32 @p2 $0x1082  }
0x22: {  	[simem:s7], [sflag:s8] =	dma.local @!p0 [hbm:s6], $0xF7A  }
0x23: {  	s9 =	sor.u32 $0xD0000000, s2;
	s6 =	simm.s32 $0x108;
	_ =	swait.ge @!p0 [sflag:s8], $0x0  }
0x24: {  	s3 =	sadd.s32 $0x88, s3;
	s6 =	simm.s32 @!p1 $0x1082;
	[sflag:s4] =	ssyncset.s32 $0xFFFFF086  }
0x25: {  	[simem:s6], [sflag:s4] =	dma.local [hbm:s3], $0xF7A  }
0x26: {  	[smem:$0x3F99] =	sst s1;
	(tag) =	ssettag s2;
	_ =	strace s9  }
0x27: {  	s1 =	sld [smem:$0x3FA9]  }
0x28: {  	s2 =	sld [smem:$0x3FAA]  }
0x29: {  	s4 =	sld [smem:$0x3FAC]  }
0x2a: {  	p0 =	seq.s32 s5, $0x0;
	s5 =	sld [smem:$0x3FAD]  }
0x2b: {  	s6 =	sld [smem:$0x3FAE]  }
0x2c: {  	s7 =	sld [smem:$0x3FAF]  }
0x2d: {  	s3 =	simm.s32 $0x108;
	s8 =	sld [smem:$0x3FB0]  }
0x2e: {  	s3 =	simm.s32 @!p0 $0x1082;
	s9 =	sld [smem:$0x3FB1]  }
0x2f: {  	lr =	sadd.s32 s0, s3;
	s0 =	sld [smem:$0x3FA8]  }
0x30: {  	s3 =	sld [smem:$0x3FAB]  }
0x31: {  	[smem:$0x3FB4] =	sst s10  }
0x32: {  	s10 =	sld [smem:$0x3FB2];
	_ =	sdelay $0x3  }
0x33: {  	p0 =	seq.s32 s10, $0x1;
	s10 =	sld [smem:$0x3FB4];
	_ =	sdelay $0x3  }
0x34: {  	[smem:$0x3FB4] =	sst s10  }
0x35: {  	s10 =	sld [smem:$0x3FB3];
	_ =	sdelay $0x3  }
0x36: {  	p1 =	seq.s32 s10, $0x1;
	s10 =	sld [smem:$0x3FB4];
	_ =	sdelay $0x3  }
0x37: {  	[smem:$0x3FB4] =	sst s10  }
0x38: {  	s10 =	sld [smem:$0x3FB5]  }
0x39: {  	_ = 	snop;
	(pc) =	sbr.ind lr, $3  }
0x3a: {  	_ = 	snop  }
0x3b: {  	_ = 	snop  }
0x3c: {  	p2 =	seq.s32 s10, $0x1;
	s10 =	sld [smem:$0x3FB4]  }
0x3d: {  	_ =	shalt  }
0x3e: {  	_ =	shalt  }
0x3f: {  	_ =	shalt  }
0x40: {  	_ =	shalt  }
0x41: {  	_ =	shalt  }
0x42: {  	_ =	shalt  }
0x43: {  	_ =	shalt  }
0x44: {  	_ =	shalt  }
0x45: {  	_ =	shalt  }
0x46: {  	_ =	shalt  }
0x47: {  	_ =	shalt  }
0x48: {  	_ =	shalt  }
0x49: {  	_ =	shalt  }
0x4a: {  	_ =	shalt  }
0x4b: {  	_ =	shalt  }
0x4c: {  	_ =	shalt  }
0x4d: {  	_ =	shalt  }
0x4e: {  	_ =	shalt  }
0x4f: {  	_ =	shalt  }
0x50: {  	_ =	shalt  }
0x51: {  	_ =	shalt  }
0x52: {  	_ =	shalt  }
0x53: {  	_ =	shalt  }
0x54: {  	_ =	shalt  }
0x55: {  	_ =	shalt  }
0x56: {  	_ =	shalt  }
0x57: {  	_ =	shalt  }
0x58: {  	_ =	shalt  }
0x59: {  	_ =	shalt  }
0x5a: {  	_ =	shalt  }
0x5b: {  	_ =	shalt  }
0x5c: {  	_ =	shalt  }
0x5d: {  	_ =	shalt  }
0x5e: {  	_ =	shalt  }
0x5f: {  	_ =	shalt  }
0x60: {  	_ =	shalt  }
0x61: {  	_ =	shalt  }
0x62: {  	_ =	shalt  }
0x63: {  	_ =	shalt  }
0x64: {  	_ =	shalt  }
0x65: {  	_ =	shalt  }
0x66: {  	_ =	shalt  }
0x67: {  	_ =	shalt  }
0x68: {  	_ =	shalt  }
0x69: {  	_ =	shalt  }
0x6a: {  	_ =	shalt  }
0x6b: {  	_ =	shalt  }
0x6c: {  	_ =	shalt  }
0x6d: {  	_ =	shalt  }
0x6e: {  	_ =	shalt  }
0x6f: {  	_ =	shalt  }
0x70: {  	_ =	shalt  }
0x71: {  	_ =	shalt  }
0x72: {  	_ =	shalt  }
0x73: {  	_ =	shalt  }
0x74: {  	_ =	shalt  }
0x75: {  	_ =	shalt  }
0x76: {  	_ =	shalt  }
0x77: {  	_ =	shalt  }
0x78: {  	_ =	shalt  }
0x79: {  	_ =	shalt  }
0x7a: {  	_ =	shalt  }
0x7b: {  	_ =	shalt  }
0x7c: {  	_ =	shalt  }
0x7d: {  	_ =	shalt  }
0x7e: {  	_ =	shalt  }
0x7f: {  	_ =	shalt  }
0x80: {  	_ =	shalt  }
0x81: {  	_ =	shalt  }
0x82: {  	_ =	shalt  }
0x83: {  	_ =	shalt  }
0x84: {  	_ =	shalt  }
0x85: {  	_ =	shalt  }
0x86: {  	_ =	shalt  }
0x87: {  	_ =	shalt  }
.Lfunc_end0:
.L_simem_size_0:
called_computation.3_lowered:
.L_overlay_start_0:
0x88: {  	s2 =	sld [smem:$0x3FD9]  }
0x89: {  	s3 =	sld [smem:$0x3FFE];
	_ =	sdelay $0x1  }
0x8a: {  	s1 =	srdreg.scid  }
0x8b: {  	s0 =	sand.u32 $0x1, s1  }
0x8c: {  	s17 =	sshll.u32 s0, $0xA;
	s2 =	sadd.s32 s3, s2  }
0x8d: {  	s2 =	sadd.s32 s2, s17  }
0x8e: {  	[smem:$0x3FC0] =	sst s2  }
0x8f: {  	_ = 	snop  }
0x90: {  	s2 =	sld [smem:$0x3FD0];
	(tm) =	ssettm $0x1  }
0x91: {  	s18 =	sld [smem:$0x3FFB];
	_ =	sdelay $0x3  }
0x92: {  	_ =	strace s18  }
0x93: {  	s3 =	sld [smem:$0x3FFC];
	_ =	sdelay $0x3  }
0x94: {  	_ =	strace s3  }
0x95: {  	s3 =	sld [smem:$0x3FFD];
	_ =	sdelay $0x3  }
0x96: {  	_ =	strace s3  }
0x97: {  	_ =	strace $0x8FFFFFFF  }
0x98: {  	s19 =	sld [smem:$0x3FDB];
	_ =	sdelay $0x1  }
0x99: {  	s4 =	simm.s32 $_scs_section_size  }
0x9a: {  	s5 =	simm.s32 $_size__tile_overlayer_lowered;
	s6 =	simm.s32 $_tile_overlayer_lowered  }
0x9b: {  	s22 =	simm.s32 $0x1BFF;
	s21 =	sshll.u32 s6, $0x1;
	s3 =	sadd.s32 s4, s19  }
0x9c: {  	s7 =	simm.s32 $0x0;
	s20 =	sshll.u32 s5, $0x1;
	s5 =	sadd.s32 s21, s3  }
0x9d: {  	[timem:s7], [sflag:s22] =	dma.local [hbm:s5], s20  }
0x9e: {  	_ =	swait.ge [sflag:s22], s20  }
0x9f: {  	s4 =	ssub.s32 $0x0, s20;
	[sflag:s22] =	ssyncset.done $0x0  }
0xa0: {  	[sflag:s22] =	ssyncadd.s32 s4;
	_ =	sdelay $0x1  }
0xa1: {  	s23 =	simm.s32 $0x1B8B  }
0xa2: {  	_ =	swait.ge [sflag:s23], $0x1  }
0xa3: {  	[sflag:s23] =	ssyncset.done $0x0  }
0xa4: {  	s25 =	simm.s32 $0x1B8E;
	s24 =	sld [smem:$0x3FFE];
	[sflag:s23] =	ssyncadd.s32 $0xFFFFFFFF  }
0xa5: {  	s26 =	simm.s32 $execute0_lowered;
	[smem:$0x3FD2] =	sst s25  }
0xa6: {  	s5 =	sshll.u32 s26, $0x1;
	_ =	strace $0x8000004F;
	[dreg:$0x1] =	wrdreg $0xFFFFFFFF  }
0xa7: {  	s28 =	simm.s32 $_size_execute0_lowered;
	s3 =	sadd.s32 s3, s5;
	[dreg:$0x0] =	wrdreg $0x0  }
0xa8: {  	s5 =	sshll.u32 s28, $0x1;
	[dreg:$0x2] =	wrdreg s3  }
0xa9: {  	[dreg:$0x3] =	wrdreg s5  }
0xaa: {  	[dreg:$0x4] =	wrdreg $0xC0  }
0xab: {  	_ =	task [dreg:s7], $0x5FFFF  }
0xac: {  	[dreg:$0x1] =	wrdreg $0xFFFFFFFF  }
0xad: {  	[dreg:$0x0] =	wrdreg $0x60  }
0xae: {  	[dreg:$0x2] =	wrdreg s2  }
0xaf: {  	[dreg:$0x3] =	wrdreg s24  }
0xb0: {  	[dreg:$0x4] =	wrdreg $0xA9000  }
0xb1: {  	[dreg:$0x5] =	wrdreg $0x9  }
0xb2: {  	_ =	task.clear_ibuf [dreg:s7], $0x6FFFF;
	_ =	strace $0x9000004F  }
0xb3: {  	s29 =	simm.s32 $0x9;
	_ =	strace $0x80000051  }
0xb4: {  	_ =	swait.ge [sflag:s29], $0x1  }
0xb5: {  	[sflag:s29] =	ssyncadd.s32 $0xFFFFFFFF  }
0xb6: {  	_ =	strace $0x90000051  }
0xb7: {  	_ =	sfence  }
0xb8: {  	s30 =	sld [smem:$0x0];
	_ =	sdelay $0x2  }
0xb9: {  	s31 =	sshll.u32 s1, $0xD;
	s1 =	sshrl.u32 s1, $0x2  }
0xba: {  	s3 =	sand.u32 $0x4000, s31;
	s1 =	sadd.s32 s1, s30  }
0xbb: {  	s0 =	sor.u32 s3, s0;
	s1 =	sshll.u32 s1, $0x11  }
0xbc: {  	s0 =	sor.u32 s1, s0  }
0xbd: {  	s0 =	sadd.s32 $0x8F2B, s0  }
0xbe: {  	[sflag:s0] =	ssyncadd.remote.s32 $0x1  }
0xbf: {  	_ =	sfence.sel $0xFFFF  }
0xc0: {  	[dreg:$0x0] =	wrdreg $0xFFFFFFFF;
	(pc) =	sbr.abs _section_cstart, $3  }
0xc1: {  	[dreg:$0x1] =	wrdreg $0xFFFFFFFF  }
0xc2: {  	_ =	task.clear_ibuf [dreg:s7], $0x2FFFF;
	_ =	strace $0x9FFFFFFF  }
0xc3: {  	(tm) =	ssettm $0x7FFFFFFF  }
tec
execute0_lowered:
.L_overlay_start_1:
0x0: {  	(tag) =	ssettag $0x1  }
0x1: {  	s1 =	rddreg [dreg:$0x0]  }
0x2: {  	s6 =	rddreg [dreg:$0x1]  }
0x3: {  	s3 =	rddreg [dreg:$0x2]  }
0x4: {  	s0 =	rddreg [dreg:$0x3]  }
0x5: {  	s5 =	srdreg.scid;
	s2 =	stileid.u32;
	s4 =	simm.s32 $0x0  }
0x6: {  	s14 =	simm.s32 $0x5;
	s15 =	simm.s32 $0x2800;
	s16 =	simm.s32 $0x2880  }
0x7: {  	s17 =	simm.s32 $0x1;
	s18 =	simm.s32 $0x80;
	s19 =	simm.s32 $0x2900  }
0x8: {  	s20 =	simm.s32 $0x2;
	s21 =	simm.s32 $0x6900;
	s22 =	simm.s32 $0x3  }
0x9: {  	s23 =	simm.s32 $0x4;
	s7 =	sand.u32 $0x1, s5;
	s5 =	smul.u32 $0x500, s2  }
0xa: {  	s24 =	simm.s32 $0x2700;
	s25 =	simm.s32 $0x2780;
	s10 =	smul.u32 $0x13C00, s2  }
0xb: {  	[smem:$0x7FF] =	sst s4;
	s26 =	smul.u32 $0x4F000, s2;
	s31 =	sshll.u32 s2, $0x6  }
0xc: {  	s8 =	smul.u32 $0x13C000, s7;
	p0 =	seq.s32 s7, $0x0;
	s7 =	ssub.s32 $0x2, s7  }
0xd: {  	_ =	strace $0x80000050;
	s9 =	sadd.s32 $0x5000, s5;
	s29 =	sshrl.u32 s7, $0x1  }
0xe: {  	s30 =	sshrl.u32 s26, $0x2;
	s26 =	simm.s32 $0x0;
	s5 =	smov.u32 @p0 s9  }
0xf: {  	s8 =	sadd.s32 s10, s8;
	s11 =	ssub.s32 s7, s29;
	s13 =	sadd.s32 s30, s3  }
0x10: {  	s12 =	sadd.s32 s5, s6;
	s5 =	sadd.s32 $0x17200, s6;
	s8 =	sshrl.u32 s8, $0x3  }
0x11: {  	s11 =	smax.u32 s11, $0x1;
	s13 =	sshrl.u32 s13, $0x3;
	s28 =	sadd.s32 s8, s6  }
0x12: {  	s6 =	sor.u32 $0x1C05, s31;
	s7 =	sadd.s32 $0x3200, s12;
	s8 =	sadd.s32 $0xD200, s12  }
0x13: {  	s9 =	sadd.s32 $0xD210, s12;
	s12 =	sadd.s32 $0xD230, s12;
	s10 =	sadd.s32 $0x19A00, s28  }
.LBB2_1:
0x14: {  	[spmem:s13], [sflag:s6] =	dma.local [hbm:s5], $0x2780  }
0x15: {  	_ =	swait.ge [sflag:s14], $0x2780  }
0x16: {  	[sflag:s14] =	ssyncset.done $0x0  }
0x17: {  	[sflag:s14] =	ssyncadd.s32 $0xFFFFD880  }
0x18: {  	[tilespmem:s4], [sflag:$0x5] =	stream.linear.gather [hbm4b:s7+s4], $0x2800, $0x38;
	[tilespmem:$0x1E500] =	vst v63  }
0x19: {  	_ =	swait.ge [sflag:s14], $0x2800  }
0x1a: {  	[sflag:s14] =	ssyncset.done $0x0  }
0x1b: {  	[sflag:s14] =	ssyncadd.s32 $0xFFFFD800  }
0x1c: {  	[bflag:$0x0] =	sbarrier.arrive $0xFFFF  }
0x1d: {  	[tilespmem:s15], [sflag:$0x1] =	stream.linear.gather [hbm4b:s8+s4], $0x80, $0x38;
	[tilespmem:$0x1E500] =	vst v63  }
0x1e: {  	_ = 	snop  }
0x1f: {  	[tilespmem:s16], [sflag:$0x2] =	stream.linear.gather [hbm4b:s9+s4], $0x80, $0x38;
	[tilespmem:$0x1E500] =	vst v63  }
0x20: {  	_ =	swait.ge [sflag:s17], $0x80  }
0x21: {  	[sflag:s17] =	ssyncset.done $0x0  }
0x22: {  	[sflag:s17] =	ssyncadd.s32 $0xFFFFFF80  }
0x23: {  	[tilespmem:s19], [sflag:$0x3] =	stream.indirect.gather [hbm4b:s1+s18], $0x80, s15, s18, $0xb8;
	[tilespmem:$0x1E500] =	vst v63  }
0x24: {  	_ =	swait.ge [sflag:s20], $0x80  }
0x25: {  	[sflag:s20] =	ssyncset.done $0x0  }
0x26: {  	[sflag:s20] =	ssyncadd.s32 $0xFFFFFF80  }
0x27: {  	[tilespmem:s21], [sflag:$0x4] =	stream.indirect.gather [hbm4b:s1+s18], $0x80, s16, s18, $0xb8;
	[tilespmem:$0x1E500] =	vst v63  }
0x28: {  	_ =	swait.ge [sflag:s22], $0x4000  }
0x29: {  	[sflag:s22] =	ssyncset.done $0x0  }
0x2a: {  	s28 =	sadd.s32 $0xFFFFFFF0, s12;
	[sflag:s22] =	ssyncadd.s32 $0xFFFFC000  }
0x2b: {  	[tilespmem:s15], [sflag:$0x1] =	stream.linear.gather [hbm4b:s28+s4], $0x80, $0x38;
	[tilespmem:$0x1E500] =	vst v63  }
0x2c: {  	s28 =	simm.s32 $0x0  }
0x2d: {  	[spmem:s3] =	stream.indirect.scatter.add.f32 [tilespmem:s19], [sflag:$0x5], $0x80, s28, s18, $0xb8;
	[tilespmem:$0x1E500] =	vst v63  }
0x2e: {  	_ =	swait.ge [sflag:s14], $0x4000  }
0x2f: {  	[sflag:s14] =	ssyncset.done $0x0  }
0x30: {  	[sflag:s14] =	ssyncadd.s32 $0xFFFFC000  }
0x31: {  	_ =	swait.ge [sflag:s17], $0x80  }
0x32: {  	[sflag:s17] =	ssyncset.done $0x0  }
0x33: {  	[sflag:s17] =	ssyncadd.s32 $0xFFFFFF80  }
0x34: {  	[tilespmem:s19], [sflag:$0x3] =	stream.indirect.gather [hbm4b:s1+s18], $0x80, s15, s18, $0xb8;
	[tilespmem:$0x1E500] =	vst v63  }
0x35: {  	_ =	swait.ge [sflag:s23], $0x4000  }
0x36: {  	[sflag:s23] =	ssyncset.done $0x0  }
0x37: {  	[sflag:s23] =	ssyncadd.s32 $0xFFFFC000  }
0x38: {  	[tilespmem:s16], [sflag:$0x2] =	stream.linear.gather [hbm4b:s12+s4], $0x80, $0x38;
	[tilespmem:$0x1E500] =	vst v63  }
0x39: {  	s28 =	simm.s32 $0x80  }
0x3a: {  	[spmem:s3] =	stream.indirect.scatter.add.f32 [tilespmem:s21], [sflag:$0x5], $0x80, s28, s18, $0xb8;
	[tilespmem:$0x1E500] =	vst v63  }
0x3b: {  	_ =	swait.ge [sflag:s14], $0x4000  }
0x3c: {  	[sflag:s14] =	ssyncset.done $0x0  }
0x3d: {  	[sflag:s14] =	ssyncadd.s32 $0xFFFFC000  }
0x3e: {  	_ =	swait.ge [sflag:s20], $0x80  }
0x3f: {  	[sflag:s20] =	ssyncset.done $0x0  }
0x40: {  	s29 =	sadd.s32 $0x20, s12;
	s28 =	simm.s32 $0x400;
	[sflag:s20] =	ssyncadd.s32 $0xFFFFFF80  }
.LBB2_2:
0x41: {  	[tilespmem:s21], [sflag:$0x4] =	stream.indirect.gather [hbm4b:s1+s18], $0x80, s16, s18, $0xb8;
	[tilespmem:$0x1E500] =	vst v63  }
0x42: {  	s30 =	smov.u32 s28  }
0x43: {  	p0 =	sne.s32 s28, $0x9800;
	s28 =	sadd.s32 $0x400, s28;
	_ =	swait.ge [sflag:s22], $0x4000  }
0x44: {  	[sflag:s22] =	ssyncset.done $0x0  }
0x45: {  	s31 =	sadd.s32 $0xFFFFFFF0, s29;
	[sflag:s22] =	ssyncadd.s32 $0xFFFFC000  }
0x46: {  	[tilespmem:s15], [sflag:$0x1] =	stream.linear.gather [hbm4b:s31+s4], $0x80, $0x38;
	[tilespmem:$0x1E500] =	vst v63  }
0x47: {  	s30 =	sshra.s32 s30, $0x2  }
0x48: {  	[spmem:s3] =	stream.indirect.scatter.add.f32 [tilespmem:s19], [sflag:$0x5], $0x80, s30, s18, $0xb8;
	[tilespmem:$0x1E500] =	vst v63  }
0x49: {  	_ =	swait.ge [sflag:s14], $0x4000  }
0x4a: {  	[sflag:s14] =	ssyncset.done $0x0  }
0x4b: {  	[sflag:s14] =	ssyncadd.s32 $0xFFFFC000  }
0x4c: {  	_ =	swait.ge [sflag:s17], $0x80  }
0x4d: {  	[sflag:s17] =	ssyncset.done $0x0  }
0x4e: {  	[sflag:s17] =	ssyncadd.s32 $0xFFFFFF80  }
0x4f: {  	[tilespmem:s19], [sflag:$0x3] =	stream.indirect.gather [hbm4b:s1+s18], $0x80, s15, s18, $0xb8;
	[tilespmem:$0x1E500] =	vst v63  }
0x50: {  	_ =	swait.ge [sflag:s23], $0x4000  }
0x51: {  	[sflag:s23] =	ssyncset.done $0x0  }
0x52: {  	[sflag:s23] =	ssyncadd.s32 $0xFFFFC000  }
0x53: {  	[tilespmem:s16], [sflag:$0x2] =	stream.linear.gather [hbm4b:s29+s4], $0x80, $0x38;
	[tilespmem:$0x1E500] =	vst v63  }
0x54: {  	s30 =	sadd.s32 $0x80, s30  }
0x55: {  	[spmem:s3] =	stream.indirect.scatter.add.f32 [tilespmem:s21], [sflag:$0x5], $0x80, s30, s18, $0xb8;
	[tilespmem:$0x1E500] =	vst v63  }
0x56: {  	_ =	swait.ge [sflag:s14], $0x4000  }
.Ltmp0:
0x57: {  	[sflag:s14] =	ssyncset.done $0x0;
	(pc) =	sbr.rel @p0 .LBB2_2-.Ltmp0, $4  }
0x58: {  	[sflag:s14] =	ssyncadd.s32 $0xFFFFC000  }
0x59: {  	_ =	swait.ge [sflag:s20], $0x80  }
0x5a: {  	[sflag:s20] =	ssyncset.done $0x0  }
0x5b: {  	s29 =	sadd.s32 $0x20, s29;
	[sflag:s20] =	ssyncadd.s32 $0xFFFFFF80  }
0x5c: {  	[tilespmem:s21], [sflag:$0x4] =	stream.indirect.gather [hbm4b:s1+s18], $0x80, s16, s18, $0xb8;
	[tilespmem:$0x1E500] =	vst v63  }
0x5d: {  	_ =	swait.ge [sflag:s22], $0x4000  }
0x5e: {  	[sflag:s22] =	ssyncset.done $0x0  }
0x5f: {  	[sflag:s22] =	ssyncadd.s32 $0xFFFFC000  }
0x60: {  	[spmem:s3] =	stream.indirect.scatter.add.f32 [tilespmem:s19], [sflag:$0x5], $0x80, s24, s18, $0xb8;
	[tilespmem:$0x1E500] =	vst v63  }
0x61: {  	_ =	swait.ge [sflag:s14], $0x4000  }
0x62: {  	[sflag:s14] =	ssyncset.done $0x0  }
0x63: {  	[sflag:s14] =	ssyncadd.s32 $0xFFFFC000  }
0x64: {  	_ =	swait.ge [sflag:s23], $0x4000  }
0x65: {  	[sflag:s23] =	ssyncset.done $0x0  }
0x66: {  	[sflag:s23] =	ssyncadd.s32 $0xFFFFC000  }
0x67: {  	[spmem:s3] =	stream.indirect.scatter.add.f32 [tilespmem:s21], [sflag:$0x5], $0x80, s25, s18, $0xb8;
	[tilespmem:$0x1E500] =	vst v63  }
0x68: {  	_ =	swait.ge [sflag:s14], $0x4000  }
0x69: {  	s26 =	sadd.s32 $0x1, s26;
	[sflag:s14] =	ssyncset.done $0x0  }
0x6a: {  	p0 =	sne.s32 s26, s11;
	[sflag:s14] =	ssyncadd.s32 $0xFFFFC000  }
.Ltmp1:
0x6b: {  	[bflag:$0x0] =	sbarrier.arrive $0xFFFF;
	(pc) =	sbr.rel @p0 .LBB2_1-.Ltmp1, $4  }
0x6c: {  	[hbm:s10], [sflag:s6] =	dma.local [spmem:s13], $0x2780  }
0x6d: {  	_ =	swait.ge [sflag:s14], $0x2780  }
0x6e: {  	[sflag:s14] =	ssyncset.done $0x0  }
0x6f: {  	[sflag:s14] =	ssyncadd.s32 $0xFFFFD880  }
0x70: {  	_ =	sfence.sel $0x180000  }
0x71: {  	[bflag:$0x0] =	sbarrier.arrive $0xFFFF  }
0x72: {  	p0 =	sne.s32 s2, $0x0;
	_ =	strace $0x90000050  }
0x73: {  	s0 =	sadd.s32 @!p0 $0x100000, s0;
	[bflag:$0x2] =	sbarrier.arrive $0xFFFF  }
0x74: {  	[sflag:s0] =	ssyncadd.tile.s32 @!p0 $0x1;
	_ =	shalt  }
.Lfunc_end2:
_tile_overlayer_lowered:
.L_overlay_start_2:
0x75: {  	(tag) =	ssettag $0x2  }
0x76: {  	s0 =	rddreg [dreg:$0x0];
	s2 =	stileid.u32  }
0x77: {  	s1 =	rddreg [dreg:$0x1];
	p0 =	sne.s32 s2, $0x0  }
0x78: {  	s3 =	rddreg [dreg:$0x2];
	[bflag:$0x3] =	sbarrier.arrive $0xFFFF;
	s2 =	simm.s32 @!p0 $0x1C05  }
0x79: {  	[timem:s3], [sflag:s2] =	dma.local @!p0 [hbm:s0], s1  }
0x7a: {  	s0 =	simm.s32 @!p0 $0x5  }
0x7b: {  	_ =	swait.ge @!p0 [sflag:s0], s1  }
0x7c: {  	s1 =	ssub.s32 @!p0 $0x0, s1;
	[sflag:s0] =	ssyncset.done @!p0 $0x0  }
0x7d: {  	[sflag:s0] =	ssyncadd.s32 @!p0 s1  }
0x7e: {  	[bflag:$0x3] =	sbarrier.arrive $0xFFFF  }
0x7f: {  	_ =	shalt  }

</sc_bundles>
